<compile_context>
chip_gen: v7x
topology: tpu7x:2x2x1
jax: 0.10.2.dev20260603
libtpu: 0.0.44.dev20260713+nightly
codegen_flags: <defaults>
</compile_context>

<pallas_src>
import functools

import jax
import jax.numpy as jnp
from jax import lax
from jax.experimental import pallas as pl
from jax.experimental.pallas import tpu as pltpu
from jax.experimental.pallas import tpu_sc as plsc

S = 200
B = 4096
DW = 64
DP = 64
D = DW + DP
L = 16
NC, NS = 2, 16
NW = NC * NS
BPW = B // NW
NBUF = 4

GA, GB = 104, 96

_mesh = plsc.VectorSubcoreMesh(core_axis_name="c", subcore_axis_name="s")


def _body(inpt_hbm, lens_hbm, wtab_hbm, ptab_hbm, out_hbm, mean_hbm,
          lens_v, i0, i1, i2, i3, w0, w1, w2, w3, posm_v, psum_v, mean_v,
          gi0, gi1, gi2, gi3, g0, g1, g2, g3, s0, s1, s2, s3, psem):
    cid = lax.axis_index("c")
    sid = lax.axis_index("s")
    wid = sid * NC + cid
    b0 = wid * BPW

    idxs = [i0, i1, i2, i3]
    isems = [gi0, gi1, gi2, gi3]
    bufs = [w0, w1, w2, w3]
    gsems = [g0, g1, g2, g3]
    wsems = [s0, s1, s2, s3]

    pltpu.sync_copy(lens_hbm.at[pl.ds(b0, BPW)], lens_v)
    pltpu.sync_copy(ptab_hbm, posm_v)

    zeros16 = jnp.zeros((16,), jnp.float32)

    def issue_idx(c, q):
        pltpu.async_copy(inpt_hbm.at[b0 + c], idxs[q], isems[q])

    def wait_idx(c, q):
        pltpu.make_async_copy(inpt_hbm.at[b0 + c], idxs[q],
                              isems[q]).wait()

    def issue_gather(q):
        pltpu.async_copy(wtab_hbm.at[idxs[q].at[pl.ds(0, GA)]],
                         bufs[q].at[pl.ds(0, GA)], gsems[q])
        pltpu.async_copy(wtab_hbm.at[idxs[q].at[pl.ds(GA, GB)]],
                         bufs[q].at[pl.ds(GA, GB)], gsems[q])

    def wait_gather(q):
        pltpu.make_async_copy(wtab_hbm.at[idxs[q].at[pl.ds(0, GA)]],
                              bufs[q].at[pl.ds(0, GA)],
                              gsems[q]).wait()
        pltpu.make_async_copy(wtab_hbm.at[idxs[q].at[pl.ds(GA, GB)]],
                              bufs[q].at[pl.ds(GA, GB)],
                              gsems[q]).wait()

    def wait_write(c, q):
        pltpu.make_async_copy(bufs[q], out_hbm.at[:, b0 + c, pl.ds(0, DW)],
                              wsems[q]).wait()

    def pos_zero_and_issue(c_new, len_new, len_prev):
        def pz_body(s, _):
            for k in range(DP // L):
                posm_v[s, pl.ds(k * L, L)] = zeros16
            return 0
        lax.fori_loop(len_new, len_prev, pz_body, 0)
        pltpu.async_copy(posm_v, out_hbm.at[:, b0 + c_new, pl.ds(DW, DP)],
                         psem)

    def wait_pos(c):
        pltpu.make_async_copy(posm_v, out_hbm.at[:, b0 + c, pl.ds(DW, DP)],
                              psem).wait()

    def psum_body(s, acc):
        nacc = []
        for k in range(DP // L):
            a = acc[k] + posm_v[s, pl.ds(k * L, L)]
            psum_v[s, pl.ds(k * L, L)] = a
            nacc.append(a)
        return tuple(nacc)
    lax.fori_loop(0, S, psum_body, (zeros16,) * (DP // L))

    for q in range(NBUF):
        issue_idx(q, q)
    wait_idx(0, 0)
    issue_gather(0)
    wait_idx(1, 1)
    issue_gather(1)
    len0 = lens_v[pl.ds(0, 1)][0]
    pos_zero_and_issue(0, len0, S)

    def slot(c, q):
        b = b0 + c
        len_c = lens_v[pl.ds(c, 1)][0]

        qn = (q + 2) % NBUF

        @pl.when(c >= 2)
        def _():
            wait_write(c - 2, qn)

        @pl.when(c + 2 < BPW)
        def _():
            wait_idx(c + 2, qn)
            issue_gather(qn)

        wait_gather(q)
        word_v = bufs[q]

        @pl.when(c + 4 < BPW)
        def _():
            issue_idx(c + 4, q)

        def acc_body(s, acc):
            return tuple(acc[k] + word_v[s, pl.ds(k * L, L)]
                         for k in range(DW // L))
        acc = lax.fori_loop(0, len_c, acc_body, (zeros16,) * (DW // L))

        def ztail_body(s, _):
            for k in range(DW // L):
                word_v[s, pl.ds(k * L, L)] = zeros16
            return 0
        lax.fori_loop(len_c, S, ztail_body, 0)

        pltpu.async_copy(word_v, out_hbm.at[:, b, pl.ds(0, DW)], wsems[q])

        inv = jnp.full((16,), 1.0, jnp.float32) / len_c.astype(jnp.float32)
        for k in range(DW // L):
            mean_v[c, pl.ds(k * L, L)] = acc[k] * inv
        for k in range(DP // L):
            mean_v[c, pl.ds(DW + k * L, L)] = (
                psum_v[len_c - 1, pl.ds(k * L, L)] * inv)

        wait_pos(c)

        @pl.when(c + 1 < BPW)
        def _():
            len_n = lens_v[pl.ds(c + 1, 1)][0]
            pos_zero_and_issue(c + 1, len_n, len_c)

    def body(it, _):
        j = it * NBUF
        for q in range(NBUF):
            slot(j + q, q)
        return 0

    lax.fori_loop(0, BPW // NBUF, body, 0)

    wait_write(BPW - 2, (BPW - 2) % NBUF)
    wait_write(BPW - 1, (BPW - 1) % NBUF)
    pltpu.sync_copy(mean_v, mean_hbm.at[pl.ds(b0, BPW), :])


_encoder = functools.partial(
    pl.kernel,
    out_type=(jax.ShapeDtypeStruct((S, B, D), jnp.float32),
              jax.ShapeDtypeStruct((B, D), jnp.float32)),
    mesh=_mesh,
    compiler_params=pltpu.CompilerParams(use_tc_tiling_on_sc=False),
    scratch_types=[
        pltpu.VMEM((BPW,), jnp.int32),
        pltpu.VMEM((S,), jnp.int32),
        pltpu.VMEM((S,), jnp.int32),
        pltpu.VMEM((S,), jnp.int32),
        pltpu.VMEM((S,), jnp.int32),
        pltpu.VMEM((S, DW), jnp.float32),
        pltpu.VMEM((S, DW), jnp.float32),
        pltpu.VMEM((S, DW), jnp.float32),
        pltpu.VMEM((S, DW), jnp.float32),
        pltpu.VMEM((S, DP), jnp.float32),
        pltpu.VMEM((S, DP), jnp.float32),
        pltpu.VMEM((BPW, D), jnp.float32),
        pltpu.SemaphoreType.DMA,
        pltpu.SemaphoreType.DMA,
        pltpu.SemaphoreType.DMA,
        pltpu.SemaphoreType.DMA,
        pltpu.SemaphoreType.DMA,
        pltpu.SemaphoreType.DMA,
        pltpu.SemaphoreType.DMA,
        pltpu.SemaphoreType.DMA,
        pltpu.SemaphoreType.DMA,
        pltpu.SemaphoreType.DMA,
        pltpu.SemaphoreType.DMA,
        pltpu.SemaphoreType.DMA,
        pltpu.SemaphoreType.DMA,
    ],
)(_body)


TRB = 128


def _tr_body(x_ref, o_ref):
    o_ref[...] = x_ref[...].T


_transpose = pl.pallas_call(
    _tr_body,
    grid=(B // TRB,),
    in_specs=[pl.BlockSpec((S, TRB), lambda i: (0, i))],
    out_specs=pl.BlockSpec((TRB, S), lambda i: (i, 0)),
    out_shape=jax.ShapeDtypeStruct((B, S), jnp.int32),
)


def kernel(input, input_lens, word_table, pos_table):
    inpt = _transpose(input.astype(jnp.int32))
    return _encoder(inpt, input_lens.astype(jnp.int32),
                    word_table, pos_table)

# --- scband reference (transcript-rebuilt; emitter-appended) ---
"""Pipeline reference for scband-encoder-positional-b-88098369175629 (READ-ONLY COPY).

The authoritative reference and input builder live on the scoring server;
editing this copy changes nothing except your own understanding.
"""

import jax, jax.numpy as jnp
import numpy as np

SEQ_LEN = 200
BATCH = 4096
VOCAB = 1000000
POS_SIZE = 200
WORD_DIM = 64
POS_DIM = 64

def setup_inputs(seed: int = 0) -> dict:
    key = jax.random.key(seed)
    k1, k2, k3, k4 = jax.random.split(key, 4)
    inp = jax.random.randint(k1, (SEQ_LEN, BATCH), 0, VOCAB, dtype=jnp.int64 if jax.config.jax_enable_x64 else jnp.int32)
    lens = jax.random.randint(k2, (BATCH,), 1, SEQ_LEN + 1, dtype=jnp.int32)
    lens = jnp.sort(lens)[::-1]
    lens = lens.at[0].set(SEQ_LEN)  # pack_padded/pad_packed requires descending lengths; max len == seq_len
    word_table = jax.random.normal(k3, (VOCAB, WORD_DIM), dtype=jnp.float32)
    pos_table = jax.random.normal(k4, (POS_SIZE, POS_DIM), dtype=jnp.float32)
    return {"input": inp, "input_lens": lens, "word_table": word_table, "pos_table": pos_table}

def reference(input, input_lens, word_table, pos_table):
    seq_len, batch = input.shape
    positions = jnp.arange(seq_len)
    # word embedding gather: [S, B, Dw]
    words_embedded = jnp.take(word_table, input, axis=0)
    # positional embedding gather, broadcast across batch: [S, B, Dp]
    pos_embedded = jnp.take(pos_table, positions, axis=0)
    pos_embedded = jnp.broadcast_to(pos_embedded[:, None, :], (seq_len, batch, pos_embedded.shape[-1]))
    concatenated = jnp.concatenate((words_embedded, pos_embedded), axis=2)
    # pack_padded_sequence -> pad_packed_sequence round trip zeroes positions >= length
    mask = (positions[:, None] < input_lens[None, :]).astype(concatenated.dtype)
    output = concatenated * mask[:, :, None]
    # mean over valid timesteps
    summed = jnp.sum(output, axis=0)
    weights = input_lens.astype(jnp.float32)[:, None]
    mean = summed / weights
    return (output, mean)

if __name__ == "__main__":
    import jax
    _d = setup_inputs()
    print(jax.jit(kernel)(*tuple(_d.values())))

</pallas_src>

<mosaic_0001>
#map = affine_map<(d0, d1) -> (0, 0)>
#map1 = affine_map<(d0, d1) -> (0)>
#map2 = affine_map<(d0, d1) -> (0, 0, 0)>
module attributes {stable_mosaic.version = 14 : i64} {
  func.func @_body(%arg0: i32, %arg1: i32, %arg2: memref<4096x200xi32, #tpu.memory_space<hbm>>, %arg3: memref<4096xi32, #tpu.memory_space<hbm>>, %arg4: memref<1000000x64xf32, #tpu.memory_space<hbm>>, %arg5: memref<200x64xf32, #tpu.memory_space<hbm>>, %arg6: memref<200x4096x128xf32, #tpu.memory_space<hbm>>, %arg7: memref<4096x128xf32, #tpu.memory_space<hbm>>, %arg8: memref<128xi32, #tpu.memory_space<vmem>>, %arg9: memref<200xi32, #tpu.memory_space<vmem>>, %arg10: memref<200xi32, #tpu.memory_space<vmem>>, %arg11: memref<200xi32, #tpu.memory_space<vmem>>, %arg12: memref<200xi32, #tpu.memory_space<vmem>>, %arg13: memref<200x64xf32, #tpu.memory_space<vmem>>, %arg14: memref<200x64xf32, #tpu.memory_space<vmem>>, %arg15: memref<200x64xf32, #tpu.memory_space<vmem>>, %arg16: memref<200x64xf32, #tpu.memory_space<vmem>>, %arg17: memref<200x64xf32, #tpu.memory_space<vmem>>, %arg18: memref<200x64xf32, #tpu.memory_space<vmem>>, %arg19: memref<128x128xf32, #tpu.memory_space<vmem>>, %arg20: memref<!tpu.dma_semaphore, #tpu.memory_space<semaphore_mem>>, %arg21: memref<!tpu.dma_semaphore, #tpu.memory_space<semaphore_mem>>, %arg22: memref<!tpu.dma_semaphore, #tpu.memory_space<semaphore_mem>>, %arg23: memref<!tpu.dma_semaphore, #tpu.memory_space<semaphore_mem>>, %arg24: memref<!tpu.dma_semaphore, #tpu.memory_space<semaphore_mem>>, %arg25: memref<!tpu.dma_semaphore, #tpu.memory_space<semaphore_mem>>, %arg26: memref<!tpu.dma_semaphore, #tpu.memory_space<semaphore_mem>>, %arg27: memref<!tpu.dma_semaphore, #tpu.memory_space<semaphore_mem>>, %arg28: memref<!tpu.dma_semaphore, #tpu.memory_space<semaphore_mem>>, %arg29: memref<!tpu.dma_semaphore, #tpu.memory_space<semaphore_mem>>, %arg30: memref<!tpu.dma_semaphore, #tpu.memory_space<semaphore_mem>>, %arg31: memref<!tpu.dma_semaphore, #tpu.memory_space<semaphore_mem>>, %arg32: memref<!tpu.dma_semaphore, #tpu.memory_space<semaphore_mem>>) attributes {dimension_semantics = [#tpu.dimension_semantics<core_parallel>, #tpu.dimension_semantics<subcore_parallel>], iteration_bounds = array<i64: 2, 16>, scalar_prefetch = 0 : i64, scratch_operands = 25 : i64, tpu.core_type = #tpu.core_type<sc_vector_subcore>, window_params = [{transform_indices = #map}, {transform_indices = #map1}, {transform_indices = #map}, {transform_indices = #map}, {transform_indices = #map2}, {transform_indices = #map}]} {
    %mul3A = arith.constant 2 : i32
    %mul3A_0 = arith.muli %arg1, %mul3A : i32
    %add3A = arith.addi %mul3A_0, %arg0 : i32
    %mul3A_1 = arith.constant 128 : i32
    %mul3A_2 = arith.muli %add3A, %mul3A_1 : i32
    "tpu.region"() ({
      %run_scoped3A = tpu.sem_alloc : memref<!tpu.dma_semaphore, #tpu.memory_space<semaphore_mem>>
      %dma_start3A_137 = tpu.memref_slice %arg3[%mul3A_2] : memref<4096xi32, #tpu.memory_space<hbm>> -> memref<128xi32, #tpu.memory_space<hbm>>
      %dma_start3A_138 = tpu.memref_slice %arg3[%mul3A_2] : memref<4096xi32, #tpu.memory_space<hbm>> -> memref<128xi32, #tpu.memory_space<hbm>>
      tpu.enqueue_dma source(%dma_start3A_138 : memref<128xi32, #tpu.memory_space<hbm>>) target(%arg8 : memref<128xi32, #tpu.memory_space<vmem>>) target_semaphore(%run_scoped3A : memref<!tpu.dma_semaphore, #tpu.memory_space<semaphore_mem>>)
      %dma_wait3A_139 = tpu.memref_slice %arg3[%mul3A_2] : memref<4096xi32, #tpu.memory_space<hbm>> -> memref<128xi32, #tpu.memory_space<hbm>>
      %dma_wait3A_140 = tpu.memref_slice %arg3[%mul3A_2] : memref<4096xi32, #tpu.memory_space<hbm>> -> memref<128xi32, #tpu.memory_space<hbm>>
      tpu.wait_dma2 semaphore(%run_scoped3A : memref<!tpu.dma_semaphore, #tpu.memory_space<semaphore_mem>>) src(%dma_wait3A_140 : memref<128xi32, #tpu.memory_space<hbm>>) dst(%arg8 : memref<128xi32, #tpu.memory_space<vmem>>)
      tpu.yield
    }) : () -> ()
    "tpu.region"() ({
      %run_scoped3A = tpu.sem_alloc : memref<!tpu.dma_semaphore, #tpu.memory_space<semaphore_mem>>
      tpu.enqueue_dma source(%arg5 : memref<200x64xf32, #tpu.memory_space<hbm>>) target(%arg17 : memref<200x64xf32, #tpu.memory_space<vmem>>) target_semaphore(%run_scoped3A : memref<!tpu.dma_semaphore, #tpu.memory_space<semaphore_mem>>)
      tpu.wait_dma2 semaphore(%run_scoped3A : memref<!tpu.dma_semaphore, #tpu.memory_space<semaphore_mem>>) src(%arg5 : memref<200x64xf32, #tpu.memory_space<hbm>>) dst(%arg17 : memref<200x64xf32, #tpu.memory_space<vmem>>)
      tpu.yield
    }) : () -> ()
    %broadcast_in_dim3A = arith.constant 0.000000e+00 : f32
    %broadcast_in_dim3A_3 = vector.broadcast %broadcast_in_dim3A : f32 to vector<16xf32>
    %scan3A = arith.constant 0 : i32
    %scan3A_4 = arith.constant 200 : i32
    %scan3A_5 = arith.addi %scan3A, %scan3A_4 : i32
    %scan3A_6 = arith.constant 1 : i32
    %scan3A_7:4 = scf.for %scan3A_137 = %scan3A to %scan3A_5 step %scan3A_6 iter_args(%scan3A_138 = %broadcast_in_dim3A_3, %scan3A_139 = %broadcast_in_dim3A_3, %scan3A_140 = %broadcast_in_dim3A_3, %scan3A_141 = %broadcast_in_dim3A_3) -> (vector<16xf32>, vector<16xf32>, vector<16xf32>, vector<16xf32>)  : i32 {
      %get3A_142 = arith.index_cast %scan3A_137 : i32 to index
      %get3A_143 = arith.constant 0 : index
      %get3A_144 = tpu.vector_load %arg17[%get3A_142, %get3A_143] {strides = array<i32>} : memref<200x64xf32, #tpu.memory_space<vmem>>, vector<1x16xf32>,
      %get3A_145 = vector.shape_cast %get3A_144 : vector<1x16xf32> to vector<16xf32>
      %add3A_146 = arith.addf %scan3A_138, %get3A_145 : vector<16xf32>
      %swap3A = arith.index_cast %scan3A_137 : i32 to index
      %swap3A_147 = arith.constant 0 : index
      %swap3A_148 = tpu.vector_load %arg18[%swap3A, %swap3A_147] {strides = array<i32>} : memref<200x64xf32, #tpu.memory_space<vmem>>, vector<1x16xf32>,
      %swap3A_149 = vector.shape_cast %swap3A_148 : vector<1x16xf32> to vector<16xf32>
      %swap3A_150 = vector.shape_cast %add3A_146 : vector<16xf32> to vector<1x16xf32>
      tpu.vector_store %arg18[%swap3A, %swap3A_147], %swap3A_150 {strides = array<i32>} : memref<200x64xf32, #tpu.memory_space<vmem>>, vector<1x16xf32>,
      %get3A_151 = arith.index_cast %scan3A_137 : i32 to index
      %get3A_152 = arith.constant 16 : index
      %get3A_153 = tpu.vector_load %arg17[%get3A_151, %get3A_152] {strides = array<i32>} : memref<200x64xf32, #tpu.memory_space<vmem>>, vector<1x16xf32>,
      %get3A_154 = vector.shape_cast %get3A_153 : vector<1x16xf32> to vector<16xf32>
      %add3A_155 = arith.addf %scan3A_139, %get3A_154 : vector<16xf32>
      %swap3A_156 = arith.index_cast %scan3A_137 : i32 to index
      %swap3A_157 = arith.constant 16 : index
      %swap3A_158 = tpu.vector_load %arg18[%swap3A_156, %swap3A_157] {strides = array<i32>} : memref<200x64xf32, #tpu.memory_space<vmem>>, vector<1x16xf32>,
      %swap3A_159 = vector.shape_cast %swap3A_158 : vector<1x16xf32> to vector<16xf32>
      %swap3A_160 = vector.shape_cast %add3A_155 : vector<16xf32> to vector<1x16xf32>
      tpu.vector_store %arg18[%swap3A_156, %swap3A_157], %swap3A_160 {strides = array<i32>} : memref<200x64xf32, #tpu.memory_space<vmem>>, vector<1x16xf32>,
      %get3A_161 = arith.index_cast %scan3A_137 : i32 to index
      %get3A_162 = arith.constant 32 : index
      %get3A_163 = tpu.vector_load %arg17[%get3A_161, %get3A_162] {strides = array<i32>} : memref<200x64xf32, #tpu.memory_space<vmem>>, vector<1x16xf32>,
      %get3A_164 = vector.shape_cast %get3A_163 : vector<1x16xf32> to vector<16xf32>
      %add3A_165 = arith.addf %scan3A_140, %get3A_164 : vector<16xf32>
      %swap3A_166 = arith.index_cast %scan3A_137 : i32 to index
      %swap3A_167 = arith.constant 32 : index
      %swap3A_168 = tpu.vector_load %arg18[%swap3A_166, %swap3A_167] {strides = array<i32>} : memref<200x64xf32, #tpu.memory_space<vmem>>, vector<1x16xf32>,
      %swap3A_169 = vector.shape_cast %swap3A_168 : vector<1x16xf32> to vector<16xf32>
      %swap3A_170 = vector.shape_cast %add3A_165 : vector<16xf32> to vector<1x16xf32>
      tpu.vector_store %arg18[%swap3A_166, %swap3A_167], %swap3A_170 {strides = array<i32>} : memref<200x64xf32, #tpu.memory_space<vmem>>, vector<1x16xf32>,
      %get3A_171 = arith.index_cast %scan3A_137 : i32 to index
      %get3A_172 = arith.constant 48 : index
      %get3A_173 = tpu.vector_load %arg17[%get3A_171, %get3A_172] {strides = array<i32>} : memref<200x64xf32, #tpu.memory_space<vmem>>, vector<1x16xf32>,
      %get3A_174 = vector.shape_cast %get3A_173 : vector<1x16xf32> to vector<16xf32>
      %add3A_175 = arith.addf %scan3A_141, %get3A_174 : vector<16xf32>
      %swap3A_176 = arith.index_cast %scan3A_137 : i32 to index
      %swap3A_177 = arith.constant 48 : index
      %swap3A_178 = tpu.vector_load %arg18[%swap3A_176, %swap3A_177] {strides = array<i32>} : memref<200x64xf32, #tpu.memory_space<vmem>>, vector<1x16xf32>,
      %swap3A_179 = vector.shape_cast %swap3A_178 : vector<1x16xf32> to vector<16xf32>
      %swap3A_180 = vector.shape_cast %add3A_175 : vector<16xf32> to vector<1x16xf32>
      tpu.vector_store %arg18[%swap3A_176, %swap3A_177], %swap3A_180 {strides = array<i32>} : memref<200x64xf32, #tpu.memory_space<vmem>>, vector<1x16xf32>,
      scf.yield %add3A_146, %add3A_155, %add3A_165, %add3A_175 : vector<16xf32>, vector<16xf32>, vector<16xf32>, vector<16xf32>
    }
    %scan3A_8 = arith.constant 200 : i32
    %add3A_9 = arith.constant 0 : i32
    %add3A_10 = arith.addi %mul3A_2, %add3A_9 : i32
    %dma_start3A = arith.constant 0 : i32
    %dma_start3A_11 = tpu.memref_slice %arg2[%add3A_10, %dma_start3A] : memref<4096x200xi32, #tpu.memory_space<hbm>> -> memref<1x200xi32, #tpu.memory_space<hbm>>
    %dma_start3A_12 = tpu.memref_squeeze %dma_start3A_11 : memref<1x200xi32, #tpu.memory_space<hbm>> -> memref<200xi32, #tpu.memory_space<hbm>>
    %dma_start3A_13 = arith.constant 0 : i32
    %dma_start3A_14 = tpu.memref_slice %arg2[%add3A_10, %dma_start3A_13] : memref<4096x200xi32, #tpu.memory_space<hbm>> -> memref<1x200xi32, #tpu.memory_space<hbm>>
    %dma_start3A_15 = tpu.memref_squeeze %dma_start3A_14 : memref<1x200xi32, #tpu.memory_space<hbm>> -> memref<200xi32, #tpu.memory_space<hbm>>
    tpu.enqueue_dma source(%dma_start3A_15 : memref<200xi32, #tpu.memory_space<hbm>>) target(%arg9 : memref<200xi32, #tpu.memory_space<vmem>>) target_semaphore(%arg20 : memref<!tpu.dma_semaphore, #tpu.memory_space<semaphore_mem>>)
    %add3A_16 = arith.constant 1 : i32
    %add3A_17 = arith.addi %mul3A_2, %add3A_16 : i32
    %dma_start3A_18 = arith.constant 0 : i32
    %dma_start3A_19 = tpu.memref_slice %arg2[%add3A_17, %dma_start3A_18] : memref<4096x200xi32, #tpu.memory_space<hbm>> -> memref<1x200xi32, #tpu.memory_space<hbm>>
    %dma_start3A_20 = tpu.memref_squeeze %dma_start3A_19 : memref<1x200xi32, #tpu.memory_space<hbm>> -> memref<200xi32, #tpu.memory_space<hbm>>
    %dma_start3A_21 = arith.constant 0 : i32
    %dma_start3A_22 = tpu.memref_slice %arg2[%add3A_17, %dma_start3A_21] : memref<4096x200xi32, #tpu.memory_space<hbm>> -> memref<1x200xi32, #tpu.memory_space<hbm>>
    %dma_start3A_23 = tpu.memref_squeeze %dma_start3A_22 : memref<1x200xi32, #tpu.memory_space<hbm>> -> memref<200xi32, #tpu.memory_space<hbm>>
    tpu.enqueue_dma source(%dma_start3A_23 : memref<200xi32, #tpu.memory_space<hbm>>) target(%arg10 : memref<200xi32, #tpu.memory_space<vmem>>) target_semaphore(%arg21 : memref<!tpu.dma_semaphore, #tpu.memory_space<semaphore_mem>>)
    %add3A_24 = arith.constant 2 : i32
    %add3A_25 = arith.addi %mul3A_2, %add3A_24 : i32
    %dma_start3A_26 = arith.constant 0 : i32
    %dma_start3A_27 = tpu.memref_slice %arg2[%add3A_25, %dma_start3A_26] : memref<4096x200xi32, #tpu.memory_space<hbm>> -> memref<1x200xi32, #tpu.memory_space<hbm>>
    %dma_start3A_28 = tpu.memref_squeeze %dma_start3A_27 : memref<1x200xi32, #tpu.memory_space<hbm>> -> memref<200xi32, #tpu.memory_space<hbm>>
    %dma_start3A_29 = arith.constant 0 : i32
    %dma_start3A_30 = tpu.memref_slice %arg2[%add3A_25, %dma_start3A_29] : memref<4096x200xi32, #tpu.memory_space<hbm>> -> memref<1x200xi32, #tpu.memory_space<hbm>>
    %dma_start3A_31 = tpu.memref_squeeze %dma_start3A_30 : memref<1x200xi32, #tpu.memory_space<hbm>> -> memref<200xi32, #tpu.memory_space<hbm>>
    tpu.enqueue_dma source(%dma_start3A_31 : memref<200xi32, #tpu.memory_space<hbm>>) target(%arg11 : memref<200xi32, #tpu.memory_space<vmem>>) target_semaphore(%arg22 : memref<!tpu.dma_semaphore, #tpu.memory_space<semaphore_mem>>)
    %add3A_32 = arith.constant 3 : i32
    %add3A_33 = arith.addi %mul3A_2, %add3A_32 : i32
    %dma_start3A_34 = arith.constant 0 : i32
    %dma_start3A_35 = tpu.memref_slice %arg2[%add3A_33, %dma_start3A_34] : memref<4096x200xi32, #tpu.memory_space<hbm>> -> memref<1x200xi32, #tpu.memory_space<hbm>>
    %dma_start3A_36 = tpu.memref_squeeze %dma_start3A_35 : memref<1x200xi32, #tpu.memory_space<hbm>> -> memref<200xi32, #tpu.memory_space<hbm>>
    %dma_start3A_37 = arith.constant 0 : i32
    %dma_start3A_38 = tpu.memref_slice %arg2[%add3A_33, %dma_start3A_37] : memref<4096x200xi32, #tpu.memory_space<hbm>> -> memref<1x200xi32, #tpu.memory_space<hbm>>
    %dma_start3A_39 = tpu.memref_squeeze %dma_start3A_38 : memref<1x200xi32, #tpu.memory_space<hbm>> -> memref<200xi32, #tpu.memory_space<hbm>>
    tpu.enqueue_dma source(%dma_start3A_39 : memref<200xi32, #tpu.memory_space<hbm>>) target(%arg12 : memref<200xi32, #tpu.memory_space<vmem>>) target_semaphore(%arg23 : memref<!tpu.dma_semaphore, #tpu.memory_space<semaphore_mem>>)
    %add3A_40 = arith.constant 0 : i32
    %add3A_41 = arith.addi %mul3A_2, %add3A_40 : i32
    %dma_wait3A = arith.constant 0 : i32
    %dma_wait3A_42 = tpu.memref_slice %arg2[%add3A_41, %dma_wait3A] : memref<4096x200xi32, #tpu.memory_space<hbm>> -> memref<1x200xi32, #tpu.memory_space<hbm>>
    %dma_wait3A_43 = tpu.memref_squeeze %dma_wait3A_42 : memref<1x200xi32, #tpu.memory_space<hbm>> -> memref<200xi32, #tpu.memory_space<hbm>>
    %dma_wait3A_44 = arith.constant 0 : i32
    %dma_wait3A_45 = tpu.memref_slice %arg2[%add3A_41, %dma_wait3A_44] : memref<4096x200xi32, #tpu.memory_space<hbm>> -> memref<1x200xi32, #tpu.memory_space<hbm>>
    %dma_wait3A_46 = tpu.memref_squeeze %dma_wait3A_45 : memref<1x200xi32, #tpu.memory_space<hbm>> -> memref<200xi32, #tpu.memory_space<hbm>>
    tpu.wait_dma2 semaphore(%arg20 : memref<!tpu.dma_semaphore, #tpu.memory_space<semaphore_mem>>) src(%dma_wait3A_46 : memref<200xi32, #tpu.memory_space<hbm>>) dst(%arg9 : memref<200xi32, #tpu.memory_space<vmem>>)
    %dma_start3A_47 = arith.constant 0 : i32
    %dma_start3A_48 = arith.constant 0 : i32
    %dma_start3A_49 = tpu.memref_slice %arg13[%dma_start3A_47, %dma_start3A_48] : memref<200x64xf32, #tpu.memory_space<vmem>> -> memref<104x64xf32, #tpu.memory_space<vmem>>
    %dma_start3A_50 = arith.constant 0 : i32
    %dma_start3A_51 = tpu.memref_slice %arg9[%dma_start3A_50] : memref<200xi32, #tpu.memory_space<vmem>> -> memref<104xi32, #tpu.memory_space<vmem>>
    %dma_start3A_52 = arith.constant 0 : i32
    %dma_start3A_53 = arith.constant 0 : i32
    %dma_start3A_54 = tpu.memref_slice %arg4[%dma_start3A_52, %dma_start3A_53] : memref<1000000x64xf32, #tpu.memory_space<hbm>> -> memref<1000000x64xf32, #tpu.memory_space<hbm>>
    tpu.enqueue_indirect_dma source(%dma_start3A_54 : memref<1000000x64xf32, #tpu.memory_space<hbm>>) target(%dma_start3A_49 : memref<104x64xf32, #tpu.memory_space<vmem>>) offsets(%dma_start3A_51 : memref<104xi32, #tpu.memory_space<vmem>>) semaphore(%arg24 : memref<!tpu.dma_semaphore, #tpu.memory_space<semaphore_mem>>)
    %dma_start3A_55 = arith.constant 104 : i32
    %dma_start3A_56 = arith.constant 0 : i32
    %dma_start3A_57 = tpu.memref_slice %arg13[%dma_start3A_55, %dma_start3A_56] : memref<200x64xf32, #tpu.memory_space<vmem>> -> memref<96x64xf32, #tpu.memory_space<vmem>>
    %dma_start3A_58 = arith.constant 104 : i32
    %dma_start3A_59 = tpu.memref_slice %arg9[%dma_start3A_58] : memref<200xi32, #tpu.memory_space<vmem>> -> memref<96xi32, #tpu.memory_space<vmem>>
    %dma_start3A_60 = arith.constant 0 : i32
    %dma_start3A_61 = arith.constant 0 : i32
    %dma_start3A_62 = tpu.memref_slice %arg4[%dma_start3A_60, %dma_start3A_61] : memref<1000000x64xf32, #tpu.memory_space<hbm>> -> memref<1000000x64xf32, #tpu.memory_space<hbm>>
    tpu.enqueue_indirect_dma source(%dma_start3A_62 : memref<1000000x64xf32, #tpu.memory_space<hbm>>) target(%dma_start3A_57 : memref<96x64xf32, #tpu.memory_space<vmem>>) offsets(%dma_start3A_59 : memref<96xi32, #tpu.memory_space<vmem>>) semaphore(%arg24 : memref<!tpu.dma_semaphore, #tpu.memory_space<semaphore_mem>>)
    %add3A_63 = arith.constant 1 : i32
    %add3A_64 = arith.addi %mul3A_2, %add3A_63 : i32
    %dma_wait3A_65 = arith.constant 0 : i32
    %dma_wait3A_66 = tpu.memref_slice %arg2[%add3A_64, %dma_wait3A_65] : memref<4096x200xi32, #tpu.memory_space<hbm>> -> memref<1x200xi32, #tpu.memory_space<hbm>>
    %dma_wait3A_67 = tpu.memref_squeeze %dma_wait3A_66 : memref<1x200xi32, #tpu.memory_space<hbm>> -> memref<200xi32, #tpu.memory_space<hbm>>
    %dma_wait3A_68 = arith.constant 0 : i32
    %dma_wait3A_69 = tpu.memref_slice %arg2[%add3A_64, %dma_wait3A_68] : memref<4096x200xi32, #tpu.memory_space<hbm>> -> memref<1x200xi32, #tpu.memory_space<hbm>>
    %dma_wait3A_70 = tpu.memref_squeeze %dma_wait3A_69 : memref<1x200xi32, #tpu.memory_space<hbm>> -> memref<200xi32, #tpu.memory_space<hbm>>
    tpu.wait_dma2 semaphore(%arg21 : memref<!tpu.dma_semaphore, #tpu.memory_space<semaphore_mem>>) src(%dma_wait3A_70 : memref<200xi32, #tpu.memory_space<hbm>>) dst(%arg10 : memref<200xi32, #tpu.memory_space<vmem>>)
    %dma_start3A_71 = arith.constant 0 : i32
    %dma_start3A_72 = arith.constant 0 : i32
    %dma_start3A_73 = tpu.memref_slice %arg14[%dma_start3A_71, %dma_start3A_72] : memref<200x64xf32, #tpu.memory_space<vmem>> -> memref<104x64xf32, #tpu.memory_space<vmem>>
    %dma_start3A_74 = arith.constant 0 : i32
    %dma_start3A_75 = tpu.memref_slice %arg10[%dma_start3A_74] : memref<200xi32, #tpu.memory_space<vmem>> -> memref<104xi32, #tpu.memory_space<vmem>>
    %dma_start3A_76 = arith.constant 0 : i32
    %dma_start3A_77 = arith.constant 0 : i32
    %dma_start3A_78 = tpu.memref_slice %arg4[%dma_start3A_76, %dma_start3A_77] : memref<1000000x64xf32, #tpu.memory_space<hbm>> -> memref<1000000x64xf32, #tpu.memory_space<hbm>>
    tpu.enqueue_indirect_dma source(%dma_start3A_78 : memref<1000000x64xf32, #tpu.memory_space<hbm>>) target(%dma_start3A_73 : memref<104x64xf32, #tpu.memory_space<vmem>>) offsets(%dma_start3A_75 : memref<104xi32, #tpu.memory_space<vmem>>) semaphore(%arg25 : memref<!tpu.dma_semaphore, #tpu.memory_space<semaphore_mem>>)
    %dma_start3A_79 = arith.constant 104 : i32
    %dma_start3A_80 = arith.constant 0 : i32
    %dma_start3A_81 = tpu.memref_slice %arg14[%dma_start3A_79, %dma_start3A_80] : memref<200x64xf32, #tpu.memory_space<vmem>> -> memref<96x64xf32, #tpu.memory_space<vmem>>
    %dma_start3A_82 = arith.constant 104 : i32
    %dma_start3A_83 = tpu.memref_slice %arg10[%dma_start3A_82] : memref<200xi32, #tpu.memory_space<vmem>> -> memref<96xi32, #tpu.memory_space<vmem>>
    %dma_start3A_84 = arith.constant 0 : i32
    %dma_start3A_85 = arith.constant 0 : i32
    %dma_start3A_86 = tpu.memref_slice %arg4[%dma_start3A_84, %dma_start3A_85] : memref<1000000x64xf32, #tpu.memory_space<hbm>> -> memref<1000000x64xf32, #tpu.memory_space<hbm>>
    tpu.enqueue_indirect_dma source(%dma_start3A_86 : memref<1000000x64xf32, #tpu.memory_space<hbm>>) target(%dma_start3A_81 : memref<96x64xf32, #tpu.memory_space<vmem>>) offsets(%dma_start3A_83 : memref<96xi32, #tpu.memory_space<vmem>>) semaphore(%arg25 : memref<!tpu.dma_semaphore, #tpu.memory_space<semaphore_mem>>)
    %get3A = arith.constant 0 : index
    %get3A_87 = tpu.vector_load %arg8[%get3A] {strides = array<i32>} : memref<128xi32, #tpu.memory_space<vmem>>, vector<1xi32>,
    %get3A_88 = vector.shape_cast %get3A_87 : vector<1xi32> to vector<1xi32>
    %squeeze3A = vector.extract %get3A_88[0] : i32 from vector<1xi32>
    %while3A = arith.constant 200 : i32
    %while3A_89 = arith.constant 0 : i32
    %while3A_90 = arith.subi %while3A, %squeeze3A : i32
    %while3A_91 = arith.addi %squeeze3A, %while3A_90 : i32
    %while3A_92 = arith.constant 1 : i32
    %while3A_93 = arith.divsi %while3A_90, %while3A_92 : i32
    %while3A_94 = arith.muli %while3A_93, %while3A_92 : i32
    %while3A_95 = arith.addi %squeeze3A, %while3A_94 : i32
    %while3A_96 = arith.constant 1 : i32
    %while3A_97 = scf.for %while3A_137 = %squeeze3A to %while3A_95 step %while3A_96 iter_args(%while3A_138 = %while3A_89) -> (i32)  : i32 {
      %swap3A = arith.index_cast %while3A_137 : i32 to index
      %swap3A_139 = arith.constant 0 : index
      %swap3A_140 = tpu.vector_load %arg17[%swap3A, %swap3A_139] {strides = array<i32>} : memref<200x64xf32, #tpu.memory_space<vmem>>, vector<1x16xf32>,
      %swap3A_141 = vector.shape_cast %swap3A_140 : vector<1x16xf32> to vector<16xf32>
      %swap3A_142 = vector.shape_cast %broadcast_in_dim3A_3 : vector<16xf32> to vector<1x16xf32>
      tpu.vector_store %arg17[%swap3A, %swap3A_139], %swap3A_142 {strides = array<i32>} : memref<200x64xf32, #tpu.memory_space<vmem>>, vector<1x16xf32>,
      %swap3A_143 = arith.index_cast %while3A_137 : i32 to index
      %swap3A_144 = arith.constant 16 : index
      %swap3A_145 = tpu.vector_load %arg17[%swap3A_143, %swap3A_144] {strides = array<i32>} : memref<200x64xf32, #tpu.memory_space<vmem>>, vector<1x16xf32>,
      %swap3A_146 = vector.shape_cast %swap3A_145 : vector<1x16xf32> to vector<16xf32>
      %swap3A_147 = vector.shape_cast %broadcast_in_dim3A_3 : vector<16xf32> to vector<1x16xf32>
      tpu.vector_store %arg17[%swap3A_143, %swap3A_144], %swap3A_147 {strides = array<i32>} : memref<200x64xf32, #tpu.memory_space<vmem>>, vector<1x16xf32>,
      %swap3A_148 = arith.index_cast %while3A_137 : i32 to index
      %swap3A_149 = arith.constant 32 : index
      %swap3A_150 = tpu.vector_load %arg17[%swap3A_148, %swap3A_149] {strides = array<i32>} : memref<200x64xf32, #tpu.memory_space<vmem>>, vector<1x16xf32>,
      %swap3A_151 = vector.shape_cast %swap3A_150 : vector<1x16xf32> to vector<16xf32>
      %swap3A_152 = vector.shape_cast %broadcast_in_dim3A_3 : vector<16xf32> to vector<1x16xf32>
      tpu.vector_store %arg17[%swap3A_148, %swap3A_149], %swap3A_152 {strides = array<i32>} : memref<200x64xf32, #tpu.memory_space<vmem>>, vector<1x16xf32>,
      %swap3A_153 = arith.index_cast %while3A_137 : i32 to index
      %swap3A_154 = arith.constant 48 : index
      %swap3A_155 = tpu.vector_load %arg17[%swap3A_153, %swap3A_154] {strides = array<i32>} : memref<200x64xf32, #tpu.memory_space<vmem>>, vector<1x16xf32>,
      %swap3A_156 = vector.shape_cast %swap3A_155 : vector<1x16xf32> to vector<16xf32>
      %swap3A_157 = vector.shape_cast %broadcast_in_dim3A_3 : vector<16xf32> to vector<1x16xf32>
      tpu.vector_store %arg17[%swap3A_153, %swap3A_154], %swap3A_157 {strides = array<i32>} : memref<200x64xf32, #tpu.memory_space<vmem>>, vector<1x16xf32>,
      %while3A_158 = arith.constant 0 : i32
      scf.yield %while3A_158 : i32
    }
    %while3A_98 = arith.constant 1 : i32
    %while3A_99 = scf.for %while3A_137 = %while3A_95 to %while3A_91 step %while3A_98 iter_args(%while3A_138 = %while3A_97) -> (i32)  : i32 {
      %swap3A = arith.index_cast %while3A_137 : i32 to index
      %swap3A_139 = arith.constant 0 : index
      %swap3A_140 = tpu.vector_load %arg17[%swap3A, %swap3A_139] {strides = array<i32>} : memref<200x64xf32, #tpu.memory_space<vmem>>, vector<1x16xf32>,
      %swap3A_141 = vector.shape_cast %swap3A_140 : vector<1x16xf32> to vector<16xf32>
      %swap3A_142 = vector.shape_cast %broadcast_in_dim3A_3 : vector<16xf32> to vector<1x16xf32>
      tpu.vector_store %arg17[%swap3A, %swap3A_139], %swap3A_142 {strides = array<i32>} : memref<200x64xf32, #tpu.memory_space<vmem>>, vector<1x16xf32>,
      %swap3A_143 = arith.index_cast %while3A_137 : i32 to index
      %swap3A_144 = arith.constant 16 : index
      %swap3A_145 = tpu.vector_load %arg17[%swap3A_143, %swap3A_144] {strides = array<i32>} : memref<200x64xf32, #tpu.memory_space<vmem>>, vector<1x16xf32>,
      %swap3A_146 = vector.shape_cast %swap3A_145 : vector<1x16xf32> to vector<16xf32>
      %swap3A_147 = vector.shape_cast %broadcast_in_dim3A_3 : vector<16xf32> to vector<1x16xf32>
      tpu.vector_store %arg17[%swap3A_143, %swap3A_144], %swap3A_147 {strides = array<i32>} : memref<200x64xf32, #tpu.memory_space<vmem>>, vector<1x16xf32>,
      %swap3A_148 = arith.index_cast %while3A_137 : i32 to index
      %swap3A_149 = arith.constant 32 : index
      %swap3A_150 = tpu.vector_load %arg17[%swap3A_148, %swap3A_149] {strides = array<i32>} : memref<200x64xf32, #tpu.memory_space<vmem>>, vector<1x16xf32>,
      %swap3A_151 = vector.shape_cast %swap3A_150 : vector<1x16xf32> to vector<16xf32>
      %swap3A_152 = vector.shape_cast %broadcast_in_dim3A_3 : vector<16xf32> to vector<1x16xf32>
      tpu.vector_store %arg17[%swap3A_148, %swap3A_149], %swap3A_152 {strides = array<i32>} : memref<200x64xf32, #tpu.memory_space<vmem>>, vector<1x16xf32>,
      %swap3A_153 = arith.index_cast %while3A_137 : i32 to index
      %swap3A_154 = arith.constant 48 : index
      %swap3A_155 = tpu.vector_load %arg17[%swap3A_153, %swap3A_154] {strides = array<i32>} : memref<200x64xf32, #tpu.memory_space<vmem>>, vector<1x16xf32>,
      %swap3A_156 = vector.shape_cast %swap3A_155 : vector<1x16xf32> to vector<16xf32>
      %swap3A_157 = vector.shape_cast %broadcast_in_dim3A_3 : vector<16xf32> to vector<1x16xf32>
      tpu.vector_store %arg17[%swap3A_153, %swap3A_154], %swap3A_157 {strides = array<i32>} : memref<200x64xf32, #tpu.memory_space<vmem>>, vector<1x16xf32>,
      %while3A_158 = arith.constant 0 : i32
      scf.yield %while3A_158 : i32
    }
    %add3A_100 = arith.constant 0 : i32
    %add3A_101 = arith.addi %mul3A_2, %add3A_100 : i32
    %dma_start3A_102 = arith.constant 0 : i32
    %dma_start3A_103 = arith.constant 64 : i32
    %dma_start3A_104 = tpu.memref_slice %arg6[%dma_start3A_102, %add3A_101, %dma_start3A_103] : memref<200x4096x128xf32, #tpu.memory_space<hbm>> -> memref<200x1x64xf32, #tpu.memory_space<hbm>>
    %dma_start3A_105 = tpu.memref_squeeze %dma_start3A_104 : memref<200x1x64xf32, #tpu.memory_space<hbm>> -> memref<200x64xf32, #tpu.memory_space<hbm>>
    %dma_start3A_106 = arith.constant 0 : i32
    %dma_start3A_107 = arith.constant 64 : i32
    %dma_start3A_108 = tpu.memref_slice %arg6[%dma_start3A_106, %add3A_101, %dma_start3A_107] : memref<200x4096x128xf32, #tpu.memory_space<hbm>> -> memref<200x1x64xf32, #tpu.memory_space<hbm>>
    %dma_start3A_109 = tpu.memref_squeeze %dma_start3A_108 : memref<200x1x64xf32, #tpu.memory_space<hbm>> -> memref<200x64xf32, #tpu.memory_space<hbm>>
    tpu.enqueue_dma source(%arg17 : memref<200x64xf32, #tpu.memory_space<vmem>>) target(%dma_start3A_109 : memref<200x64xf32, #tpu.memory_space<hbm>>) target_semaphore(%arg32 : memref<!tpu.dma_semaphore, #tpu.memory_space<semaphore_mem>>)
    %scan3A_110 = arith.constant 0 : i32
    %scan3A_111 = arith.constant 0 : i32
    %scan3A_112 = arith.constant 32 : i32
    %scan3A_113 = arith.addi %scan3A_111, %scan3A_112 : i32
    %scan3A_114 = arith.constant 1 : i32
    %scan3A_115 = scf.for %scan3A_137 = %scan3A_111 to %scan3A_113 step %scan3A_114 iter_args(%scan3A_138 = %scan3A_110) -> (i32)  : i32 {
      %mul3A_139 = arith.constant 4 : i32
      %mul3A_140 = arith.muli %scan3A_137, %mul3A_139 : i32
      %add3A_141 = arith.constant 0 : i32
      %add3A_142 = arith.addi %mul3A_140, %add3A_141 : i32
      %add3A_143 = arith.addi %mul3A_2, %add3A_142 : i32
      %get3A_144 = arith.index_cast %add3A_142 : i32 to index
      %get3A_145 = tpu.vector_load %arg8[%get3A_144] {strides = array<i32>} : memref<128xi32, #tpu.memory_space<vmem>>, vector<1xi32>,
      %get3A_146 = vector.shape_cast %get3A_145 : vector<1xi32> to vector<1xi32>
      %squeeze3A_147 = vector.extract %get3A_146[0] : i32 from vector<1xi32>
      %ge3A = arith.constant 2 : i32
      %ge3A_148 = arith.cmpi sge, %add3A_142, %ge3A : i32
      %convert_element_type3A = arith.extui %ge3A_148 : i1 to i32
      %cond3A = arith.constant 0 : i32
      %cond3A_149 = arith.cmpi ne, %convert_element_type3A, %cond3A : i32
      scf.if %cond3A_149 {
        %sub3A_799 = arith.constant 2 : i32
        %sub3A_800 = arith.subi %add3A_142, %sub3A_799 : i32
        %add3A_801 = arith.addi %mul3A_2, %sub3A_800 : i32
        %dma_wait3A_802 = arith.constant 0 : i32
        %dma_wait3A_803 = arith.constant 0 : i32
        %dma_wait3A_804 = tpu.memref_slice %arg6[%dma_wait3A_802, %add3A_801, %dma_wait3A_803] : memref<200x4096x128xf32, #tpu.memory_space<hbm>> -> memref<200x1x64xf32, #tpu.memory_space<hbm>>
        %dma_wait3A_805 = tpu.memref_squeeze %dma_wait3A_804 : memref<200x1x64xf32, #tpu.memory_space<hbm>> -> memref<200x64xf32, #tpu.memory_space<hbm>>
        %dma_wait3A_806 = arith.constant 0 : i32
        %dma_wait3A_807 = arith.constant 0 : i32
        %dma_wait3A_808 = tpu.memref_slice %arg6[%dma_wait3A_806, %add3A_801, %dma_wait3A_807] : memref<200x4096x128xf32, #tpu.memory_space<hbm>> -> memref<200x1x64xf32, #tpu.memory_space<hbm>>
        %dma_wait3A_809 = tpu.memref_squeeze %dma_wait3A_808 : memref<200x1x64xf32, #tpu.memory_space<hbm>> -> memref<200x64xf32, #tpu.memory_space<hbm>>
        tpu.wait_dma2 semaphore(%arg30 : memref<!tpu.dma_semaphore, #tpu.memory_space<semaphore_mem>>) src(%arg15 : memref<200x64xf32, #tpu.memory_space<vmem>>) dst(%dma_wait3A_809 : memref<200x64xf32, #tpu.memory_space<hbm>>)
      } else {
      }
      %add3A_150 = arith.constant 2 : i32
      %add3A_151 = arith.addi %add3A_142, %add3A_150 : i32
      %lt3A = arith.constant 128 : i32
      %lt3A_152 = arith.cmpi slt, %add3A_151, %lt3A : i32
      %convert_element_type3A_153 = arith.extui %lt3A_152 : i1 to i32
      %cond3A_154 = arith.constant 0 : i32
      %cond3A_155 = arith.cmpi ne, %convert_element_type3A_153, %cond3A_154 : i32
      scf.if %cond3A_155 {
        %add3A_799 = arith.constant 2 : i32
        %add3A_800 = arith.addi %add3A_142, %add3A_799 : i32
        %add3A_801 = arith.addi %mul3A_2, %add3A_800 : i32
        %dma_wait3A_802 = arith.constant 0 : i32
        %dma_wait3A_803 = tpu.memref_slice %arg2[%add3A_801, %dma_wait3A_802] : memref<4096x200xi32, #tpu.memory_space<hbm>> -> memref<1x200xi32, #tpu.memory_space<hbm>>
        %dma_wait3A_804 = tpu.memref_squeeze %dma_wait3A_803 : memref<1x200xi32, #tpu.memory_space<hbm>> -> memref<200xi32, #tpu.memory_space<hbm>>
        %dma_wait3A_805 = arith.constant 0 : i32
        %dma_wait3A_806 = tpu.memref_slice %arg2[%add3A_801, %dma_wait3A_805] : memref<4096x200xi32, #tpu.memory_space<hbm>> -> memref<1x200xi32, #tpu.memory_space<hbm>>
        %dma_wait3A_807 = tpu.memref_squeeze %dma_wait3A_806 : memref<1x200xi32, #tpu.memory_space<hbm>> -> memref<200xi32, #tpu.memory_space<hbm>>
        tpu.wait_dma2 semaphore(%arg22 : memref<!tpu.dma_semaphore, #tpu.memory_space<semaphore_mem>>) src(%dma_wait3A_807 : memref<200xi32, #tpu.memory_space<hbm>>) dst(%arg11 : memref<200xi32, #tpu.memory_space<vmem>>)
        %dma_start3A_808 = arith.constant 0 : i32
        %dma_start3A_809 = arith.constant 0 : i32
        %dma_start3A_810 = tpu.memref_slice %arg15[%dma_start3A_808, %dma_start3A_809] : memref<200x64xf32, #tpu.memory_space<vmem>> -> memref<104x64xf32, #tpu.memory_space<vmem>>
        %dma_start3A_811 = arith.constant 0 : i32
        %dma_start3A_812 = tpu.memref_slice %arg11[%dma_start3A_811] : memref<200xi32, #tpu.memory_space<vmem>> -> memref<104xi32, #tpu.memory_space<vmem>>
        %dma_start3A_813 = arith.constant 0 : i32
        %dma_start3A_814 = arith.constant 0 : i32
        %dma_start3A_815 = tpu.memref_slice %arg4[%dma_start3A_813, %dma_start3A_814] : memref<1000000x64xf32, #tpu.memory_space<hbm>> -> memref<1000000x64xf32, #tpu.memory_space<hbm>>
        tpu.enqueue_indirect_dma source(%dma_start3A_815 : memref<1000000x64xf32, #tpu.memory_space<hbm>>) target(%dma_start3A_810 : memref<104x64xf32, #tpu.memory_space<vmem>>) offsets(%dma_start3A_812 : memref<104xi32, #tpu.memory_space<vmem>>) semaphore(%arg26 : memref<!tpu.dma_semaphore, #tpu.memory_space<semaphore_mem>>)
        %dma_start3A_816 = arith.constant 104 : i32
        %dma_start3A_817 = arith.constant 0 : i32
        %dma_start3A_818 = tpu.memref_slice %arg15[%dma_start3A_816, %dma_start3A_817] : memref<200x64xf32, #tpu.memory_space<vmem>> -> memref<96x64xf32, #tpu.memory_space<vmem>>
        %dma_start3A_819 = arith.constant 104 : i32
        %dma_start3A_820 = tpu.memref_slice %arg11[%dma_start3A_819] : memref<200xi32, #tpu.memory_space<vmem>> -> memref<96xi32, #tpu.memory_space<vmem>>
        %dma_start3A_821 = arith.constant 0 : i32
        %dma_start3A_822 = arith.constant 0 : i32
        %dma_start3A_823 = tpu.memref_slice %arg4[%dma_start3A_821, %dma_start3A_822] : memref<1000000x64xf32, #tpu.memory_space<hbm>> -> memref<1000000x64xf32, #tpu.memory_space<hbm>>
        tpu.enqueue_indirect_dma source(%dma_start3A_823 : memref<1000000x64xf32, #tpu.memory_space<hbm>>) target(%dma_start3A_818 : memref<96x64xf32, #tpu.memory_space<vmem>>) offsets(%dma_start3A_820 : memref<96xi32, #tpu.memory_space<vmem>>) semaphore(%arg26 : memref<!tpu.dma_semaphore, #tpu.memory_space<semaphore_mem>>)
      } else {
      }
      %dma_wait3A_156 = arith.constant 0 : i32
      %dma_wait3A_157 = arith.constant 0 : i32
      %dma_wait3A_158 = tpu.memref_slice %arg13[%dma_wait3A_156, %dma_wait3A_157] : memref<200x64xf32, #tpu.memory_space<vmem>> -> memref<104x64xf32, #tpu.memory_space<vmem>>
      %dma_wait3A_159 = arith.constant 0 : i32
      %dma_wait3A_160 = tpu.memref_slice %arg9[%dma_wait3A_159] : memref<200xi32, #tpu.memory_space<vmem>> -> memref<104xi32, #tpu.memory_space<vmem>>
      %dma_wait3A_161 = arith.constant 0 : i32
      %dma_wait3A_162 = arith.constant 0 : i32
      %dma_wait3A_163 = tpu.memref_slice %arg4[%dma_wait3A_161, %dma_wait3A_162] : memref<1000000x64xf32, #tpu.memory_space<hbm>> -> memref<1000000x64xf32, #tpu.memory_space<hbm>>
      tpu.wait_indirect_dma semaphore(%arg24 : memref<!tpu.dma_semaphore, #tpu.memory_space<semaphore_mem>>) src(%dma_wait3A_163 : memref<1000000x64xf32, #tpu.memory_space<hbm>>) dst(%dma_wait3A_158 : memref<104x64xf32, #tpu.memory_space<vmem>>)
      %dma_wait3A_164 = arith.constant 104 : i32
      %dma_wait3A_165 = arith.constant 0 : i32
      %dma_wait3A_166 = tpu.memref_slice %arg13[%dma_wait3A_164, %dma_wait3A_165] : memref<200x64xf32, #tpu.memory_space<vmem>> -> memref<96x64xf32, #tpu.memory_space<vmem>>
      %dma_wait3A_167 = arith.constant 104 : i32
      %dma_wait3A_168 = tpu.memref_slice %arg9[%dma_wait3A_167] : memref<200xi32, #tpu.memory_space<vmem>> -> memref<96xi32, #tpu.memory_space<vmem>>
      %dma_wait3A_169 = arith.constant 0 : i32
      %dma_wait3A_170 = arith.constant 0 : i32
      %dma_wait3A_171 = tpu.memref_slice %arg4[%dma_wait3A_169, %dma_wait3A_170] : memref<1000000x64xf32, #tpu.memory_space<hbm>> -> memref<1000000x64xf32, #tpu.memory_space<hbm>>
      tpu.wait_indirect_dma semaphore(%arg24 : memref<!tpu.dma_semaphore, #tpu.memory_space<semaphore_mem>>) src(%dma_wait3A_171 : memref<1000000x64xf32, #tpu.memory_space<hbm>>) dst(%dma_wait3A_166 : memref<96x64xf32, #tpu.memory_space<vmem>>)
      %add3A_172 = arith.constant 4 : i32
      %add3A_173 = arith.addi %add3A_142, %add3A_172 : i32
      %lt3A_174 = arith.constant 128 : i32
      %lt3A_175 = arith.cmpi slt, %add3A_173, %lt3A_174 : i32
      %convert_element_type3A_176 = arith.extui %lt3A_175 : i1 to i32
      %cond3A_177 = arith.constant 0 : i32
      %cond3A_178 = arith.cmpi ne, %convert_element_type3A_176, %cond3A_177 : i32
      scf.if %cond3A_178 {
        %add3A_799 = arith.constant 4 : i32
        %add3A_800 = arith.addi %add3A_142, %add3A_799 : i32
        %add3A_801 = arith.addi %mul3A_2, %add3A_800 : i32
        %dma_start3A_802 = arith.constant 0 : i32
        %dma_start3A_803 = tpu.memref_slice %arg2[%add3A_801, %dma_start3A_802] : memref<4096x200xi32, #tpu.memory_space<hbm>> -> memref<1x200xi32, #tpu.memory_space<hbm>>
        %dma_start3A_804 = tpu.memref_squeeze %dma_start3A_803 : memref<1x200xi32, #tpu.memory_space<hbm>> -> memref<200xi32, #tpu.memory_space<hbm>>
        %dma_start3A_805 = arith.constant 0 : i32
        %dma_start3A_806 = tpu.memref_slice %arg2[%add3A_801, %dma_start3A_805] : memref<4096x200xi32, #tpu.memory_space<hbm>> -> memref<1x200xi32, #tpu.memory_space<hbm>>
        %dma_start3A_807 = tpu.memref_squeeze %dma_start3A_806 : memref<1x200xi32, #tpu.memory_space<hbm>> -> memref<200xi32, #tpu.memory_space<hbm>>
        tpu.enqueue_dma source(%dma_start3A_807 : memref<200xi32, #tpu.memory_space<hbm>>) target(%arg9 : memref<200xi32, #tpu.memory_space<vmem>>) target_semaphore(%arg20 : memref<!tpu.dma_semaphore, #tpu.memory_space<semaphore_mem>>)
      } else {
      }
      %while3A_179 = arith.constant 0 : i32
      %while3A_180 = arith.subi %squeeze3A_147, %while3A_179 : i32
      %while3A_181 = arith.addi %while3A_179, %while3A_180 : i32
      %while3A_182 = arith.constant 1 : i32
      %while3A_183 = arith.divsi %while3A_180, %while3A_182 : i32
      %while3A_184 = arith.muli %while3A_183, %while3A_182 : i32
      %while3A_185 = arith.addi %while3A_179, %while3A_184 : i32
      %while3A_186 = arith.constant 1 : i32
      %while3A_187:4 = scf.for %while3A_799 = %while3A_179 to %while3A_185 step %while3A_186 iter_args(%while3A_800 = %broadcast_in_dim3A_3, %while3A_801 = %broadcast_in_dim3A_3, %while3A_802 = %broadcast_in_dim3A_3, %while3A_803 = %broadcast_in_dim3A_3) -> (vector<16xf32>, vector<16xf32>, vector<16xf32>, vector<16xf32>)  : i32 {
        %get3A_804 = arith.index_cast %while3A_799 : i32 to index
        %get3A_805 = arith.constant 0 : index
        %get3A_806 = tpu.vector_load %arg13[%get3A_804, %get3A_805] {strides = array<i32>} : memref<200x64xf32, #tpu.memory_space<vmem>>, vector<1x16xf32>,
        %get3A_807 = vector.shape_cast %get3A_806 : vector<1x16xf32> to vector<16xf32>
        %add3A_808 = arith.addf %while3A_800, %get3A_807 : vector<16xf32>
        %get3A_809 = arith.index_cast %while3A_799 : i32 to index
        %get3A_810 = arith.constant 16 : index
        %get3A_811 = tpu.vector_load %arg13[%get3A_809, %get3A_810] {strides = array<i32>} : memref<200x64xf32, #tpu.memory_space<vmem>>, vector<1x16xf32>,
        %get3A_812 = vector.shape_cast %get3A_811 : vector<1x16xf32> to vector<16xf32>
        %add3A_813 = arith.addf %while3A_801, %get3A_812 : vector<16xf32>
        %get3A_814 = arith.index_cast %while3A_799 : i32 to index
        %get3A_815 = arith.constant 32 : index
        %get3A_816 = tpu.vector_load %arg13[%get3A_814, %get3A_815] {strides = array<i32>} : memref<200x64xf32, #tpu.memory_space<vmem>>, vector<1x16xf32>,
        %get3A_817 = vector.shape_cast %get3A_816 : vector<1x16xf32> to vector<16xf32>
        %add3A_818 = arith.addf %while3A_802, %get3A_817 : vector<16xf32>
        %get3A_819 = arith.index_cast %while3A_799 : i32 to index
        %get3A_820 = arith.constant 48 : index
        %get3A_821 = tpu.vector_load %arg13[%get3A_819, %get3A_820] {strides = array<i32>} : memref<200x64xf32, #tpu.memory_space<vmem>>, vector<1x16xf32>,
        %get3A_822 = vector.shape_cast %get3A_821 : vector<1x16xf32> to vector<16xf32>
        %add3A_823 = arith.addf %while3A_803, %get3A_822 : vector<16xf32>
        scf.yield %add3A_808, %add3A_813, %add3A_818, %add3A_823 : vector<16xf32>, vector<16xf32>, vector<16xf32>, vector<16xf32>
      }
      %while3A_188 = arith.constant 1 : i32
      %while3A_189:4 = scf.for %while3A_799 = %while3A_185 to %while3A_181 step %while3A_188 iter_args(%while3A_800 = %while3A_187#0, %while3A_801 = %while3A_187#1, %while3A_802 = %while3A_187#2, %while3A_803 = %while3A_187#3) -> (vector<16xf32>, vector<16xf32>, vector<16xf32>, vector<16xf32>)  : i32 {
        %get3A_804 = arith.index_cast %while3A_799 : i32 to index
        %get3A_805 = arith.constant 0 : index
        %get3A_806 = tpu.vector_load %arg13[%get3A_804, %get3A_805] {strides = array<i32>} : memref<200x64xf32, #tpu.memory_space<vmem>>, vector<1x16xf32>,
        %get3A_807 = vector.shape_cast %get3A_806 : vector<1x16xf32> to vector<16xf32>
        %add3A_808 = arith.addf %while3A_800, %get3A_807 : vector<16xf32>
        %get3A_809 = arith.index_cast %while3A_799 : i32 to index
        %get3A_810 = arith.constant 16 : index
        %get3A_811 = tpu.vector_load %arg13[%get3A_809, %get3A_810] {strides = array<i32>} : memref<200x64xf32, #tpu.memory_space<vmem>>, vector<1x16xf32>,
        %get3A_812 = vector.shape_cast %get3A_811 : vector<1x16xf32> to vector<16xf32>
        %add3A_813 = arith.addf %while3A_801, %get3A_812 : vector<16xf32>
        %get3A_814 = arith.index_cast %while3A_799 : i32 to index
        %get3A_815 = arith.constant 32 : index
        %get3A_816 = tpu.vector_load %arg13[%get3A_814, %get3A_815] {strides = array<i32>} : memref<200x64xf32, #tpu.memory_space<vmem>>, vector<1x16xf32>,
        %get3A_817 = vector.shape_cast %get3A_816 : vector<1x16xf32> to vector<16xf32>
        %add3A_818 = arith.addf %while3A_802, %get3A_817 : vector<16xf32>
        %get3A_819 = arith.index_cast %while3A_799 : i32 to index
        %get3A_820 = arith.constant 48 : index
        %get3A_821 = tpu.vector_load %arg13[%get3A_819, %get3A_820] {strides = array<i32>} : memref<200x64xf32, #tpu.memory_space<vmem>>, vector<1x16xf32>,
        %get3A_822 = vector.shape_cast %get3A_821 : vector<1x16xf32> to vector<16xf32>
        %add3A_823 = arith.addf %while3A_803, %get3A_822 : vector<16xf32>
        scf.yield %add3A_808, %add3A_813, %add3A_818, %add3A_823 : vector<16xf32>, vector<16xf32>, vector<16xf32>, vector<16xf32>
      }
      %while3A_190 = arith.constant 200 : i32
      %while3A_191 = arith.constant 0 : i32
      %while3A_192 = arith.subi %while3A_190, %squeeze3A_147 : i32
      %while3A_193 = arith.addi %squeeze3A_147, %while3A_192 : i32
      %while3A_194 = arith.constant 1 : i32
      %while3A_195 = arith.divsi %while3A_192, %while3A_194 : i32
      %while3A_196 = arith.muli %while3A_195, %while3A_194 : i32
      %while3A_197 = arith.addi %squeeze3A_147, %while3A_196 : i32
      %while3A_198 = arith.constant 1 : i32
      %while3A_199 = scf.for %while3A_799 = %squeeze3A_147 to %while3A_197 step %while3A_198 iter_args(%while3A_800 = %while3A_191) -> (i32)  : i32 {
        %swap3A_801 = arith.index_cast %while3A_799 : i32 to index
        %swap3A_802 = arith.constant 0 : index
        %swap3A_803 = tpu.vector_load %arg13[%swap3A_801, %swap3A_802] {strides = array<i32>} : memref<200x64xf32, #tpu.memory_space<vmem>>, vector<1x16xf32>,
        %swap3A_804 = vector.shape_cast %swap3A_803 : vector<1x16xf32> to vector<16xf32>
        %swap3A_805 = vector.shape_cast %broadcast_in_dim3A_3 : vector<16xf32> to vector<1x16xf32>
        tpu.vector_store %arg13[%swap3A_801, %swap3A_802], %swap3A_805 {strides = array<i32>} : memref<200x64xf32, #tpu.memory_space<vmem>>, vector<1x16xf32>,
        %swap3A_806 = arith.index_cast %while3A_799 : i32 to index
        %swap3A_807 = arith.constant 16 : index
        %swap3A_808 = tpu.vector_load %arg13[%swap3A_806, %swap3A_807] {strides = array<i32>} : memref<200x64xf32, #tpu.memory_space<vmem>>, vector<1x16xf32>,
        %swap3A_809 = vector.shape_cast %swap3A_808 : vector<1x16xf32> to vector<16xf32>
        %swap3A_810 = vector.shape_cast %broadcast_in_dim3A_3 : vector<16xf32> to vector<1x16xf32>
        tpu.vector_store %arg13[%swap3A_806, %swap3A_807], %swap3A_810 {strides = array<i32>} : memref<200x64xf32, #tpu.memory_space<vmem>>, vector<1x16xf32>,
        %swap3A_811 = arith.index_cast %while3A_799 : i32 to index
        %swap3A_812 = arith.constant 32 : index
        %swap3A_813 = tpu.vector_load %arg13[%swap3A_811, %swap3A_812] {strides = array<i32>} : memref<200x64xf32, #tpu.memory_space<vmem>>, vector<1x16xf32>,
        %swap3A_814 = vector.shape_cast %swap3A_813 : vector<1x16xf32> to vector<16xf32>
        %swap3A_815 = vector.shape_cast %broadcast_in_dim3A_3 : vector<16xf32> to vector<1x16xf32>
        tpu.vector_store %arg13[%swap3A_811, %swap3A_812], %swap3A_815 {strides = array<i32>} : memref<200x64xf32, #tpu.memory_space<vmem>>, vector<1x16xf32>,
        %swap3A_816 = arith.index_cast %while3A_799 : i32 to index
        %swap3A_817 = arith.constant 48 : index
        %swap3A_818 = tpu.vector_load %arg13[%swap3A_816, %swap3A_817] {strides = array<i32>} : memref<200x64xf32, #tpu.memory_space<vmem>>, vector<1x16xf32>,
        %swap3A_819 = vector.shape_cast %swap3A_818 : vector<1x16xf32> to vector<16xf32>
        %swap3A_820 = vector.shape_cast %broadcast_in_dim3A_3 : vector<16xf32> to vector<1x16xf32>
        tpu.vector_store %arg13[%swap3A_816, %swap3A_817], %swap3A_820 {strides = array<i32>} : memref<200x64xf32, #tpu.memory_space<vmem>>, vector<1x16xf32>,
        %while3A_821 = arith.constant 0 : i32
        scf.yield %while3A_821 : i32
      }
      %while3A_200 = arith.constant 1 : i32
      %while3A_201 = scf.for %while3A_799 = %while3A_197 to %while3A_193 step %while3A_200 iter_args(%while3A_800 = %while3A_199) -> (i32)  : i32 {
        %swap3A_801 = arith.index_cast %while3A_799 : i32 to index
        %swap3A_802 = arith.constant 0 : index
        %swap3A_803 = tpu.vector_load %arg13[%swap3A_801, %swap3A_802] {strides = array<i32>} : memref<200x64xf32, #tpu.memory_space<vmem>>, vector<1x16xf32>,
        %swap3A_804 = vector.shape_cast %swap3A_803 : vector<1x16xf32> to vector<16xf32>
        %swap3A_805 = vector.shape_cast %broadcast_in_dim3A_3 : vector<16xf32> to vector<1x16xf32>
        tpu.vector_store %arg13[%swap3A_801, %swap3A_802], %swap3A_805 {strides = array<i32>} : memref<200x64xf32, #tpu.memory_space<vmem>>, vector<1x16xf32>,
        %swap3A_806 = arith.index_cast %while3A_799 : i32 to index
        %swap3A_807 = arith.constant 16 : index
        %swap3A_808 = tpu.vector_load %arg13[%swap3A_806, %swap3A_807] {strides = array<i32>} : memref<200x64xf32, #tpu.memory_space<vmem>>, vector<1x16xf32>,
        %swap3A_809 = vector.shape_cast %swap3A_808 : vector<1x16xf32> to vector<16xf32>
        %swap3A_810 = vector.shape_cast %broadcast_in_dim3A_3 : vector<16xf32> to vector<1x16xf32>
        tpu.vector_store %arg13[%swap3A_806, %swap3A_807], %swap3A_810 {strides = array<i32>} : memref<200x64xf32, #tpu.memory_space<vmem>>, vector<1x16xf32>,
        %swap3A_811 = arith.index_cast %while3A_799 : i32 to index
        %swap3A_812 = arith.constant 32 : index
        %swap3A_813 = tpu.vector_load %arg13[%swap3A_811, %swap3A_812] {strides = array<i32>} : memref<200x64xf32, #tpu.memory_space<vmem>>, vector<1x16xf32>,
        %swap3A_814 = vector.shape_cast %swap3A_813 : vector<1x16xf32> to vector<16xf32>
        %swap3A_815 = vector.shape_cast %broadcast_in_dim3A_3 : vector<16xf32> to vector<1x16xf32>
        tpu.vector_store %arg13[%swap3A_811, %swap3A_812], %swap3A_815 {strides = array<i32>} : memref<200x64xf32, #tpu.memory_space<vmem>>, vector<1x16xf32>,
        %swap3A_816 = arith.index_cast %while3A_799 : i32 to index
        %swap3A_817 = arith.constant 48 : index
        %swap3A_818 = tpu.vector_load %arg13[%swap3A_816, %swap3A_817] {strides = array<i32>} : memref<200x64xf32, #tpu.memory_space<vmem>>, vector<1x16xf32>,
        %swap3A_819 = vector.shape_cast %swap3A_818 : vector<1x16xf32> to vector<16xf32>
        %swap3A_820 = vector.shape_cast %broadcast_in_dim3A_3 : vector<16xf32> to vector<1x16xf32>
        tpu.vector_store %arg13[%swap3A_816, %swap3A_817], %swap3A_820 {strides = array<i32>} : memref<200x64xf32, #tpu.memory_space<vmem>>, vector<1x16xf32>,
        %while3A_821 = arith.constant 0 : i32
        scf.yield %while3A_821 : i32
      }
      %dma_start3A_202 = arith.constant 0 : i32
      %dma_start3A_203 = arith.constant 0 : i32
      %dma_start3A_204 = tpu.memref_slice %arg6[%dma_start3A_202, %add3A_143, %dma_start3A_203] : memref<200x4096x128xf32, #tpu.memory_space<hbm>> -> memref<200x1x64xf32, #tpu.memory_space<hbm>>
      %dma_start3A_205 = tpu.memref_squeeze %dma_start3A_204 : memref<200x1x64xf32, #tpu.memory_space<hbm>> -> memref<200x64xf32, #tpu.memory_space<hbm>>
      %dma_start3A_206 = arith.constant 0 : i32
      %dma_start3A_207 = arith.constant 0 : i32
      %dma_start3A_208 = tpu.memref_slice %arg6[%dma_start3A_206, %add3A_143, %dma_start3A_207] : memref<200x4096x128xf32, #tpu.memory_space<hbm>> -> memref<200x1x64xf32, #tpu.memory_space<hbm>>
      %dma_start3A_209 = tpu.memref_squeeze %dma_start3A_208 : memref<200x1x64xf32, #tpu.memory_space<hbm>> -> memref<200x64xf32, #tpu.memory_space<hbm>>
      tpu.enqueue_dma source(%arg13 : memref<200x64xf32, #tpu.memory_space<vmem>>) target(%dma_start3A_209 : memref<200x64xf32, #tpu.memory_space<hbm>>) target_semaphore(%arg28 : memref<!tpu.dma_semaphore, #tpu.memory_space<semaphore_mem>>)
      %broadcast_in_dim3A_210 = arith.constant 1.000000e+00 : f32
      %broadcast_in_dim3A_211 = vector.broadcast %broadcast_in_dim3A_210 : f32 to vector<16xf32>
      %convert_element_type3A_212 = arith.sitofp %squeeze3A_147 : i32 to f32
      %div3A = vector.broadcast %convert_element_type3A_212 : f32 to vector<16xf32>
      %div3A_213 = arith.divf %broadcast_in_dim3A_211, %div3A : vector<16xf32>
      %mul3A_214 = arith.mulf %while3A_189#0, %div3A_213 : vector<16xf32>
      %swap3A = arith.index_cast %add3A_142 : i32 to index
      %swap3A_215 = arith.constant 0 : index
      %swap3A_216 = tpu.vector_load %arg19[%swap3A, %swap3A_215] {strides = array<i32>} : memref<128x128xf32, #tpu.memory_space<vmem>>, vector<1x16xf32>,
      %swap3A_217 = vector.shape_cast %swap3A_216 : vector<1x16xf32> to vector<16xf32>
      %swap3A_218 = vector.shape_cast %mul3A_214 : vector<16xf32> to vector<1x16xf32>
      tpu.vector_store %arg19[%swap3A, %swap3A_215], %swap3A_218 {strides = array<i32>} : memref<128x128xf32, #tpu.memory_space<vmem>>, vector<1x16xf32>,
      %mul3A_219 = arith.mulf %while3A_189#1, %div3A_213 : vector<16xf32>
      %swap3A_220 = arith.index_cast %add3A_142 : i32 to index
      %swap3A_221 = arith.constant 16 : index
      %swap3A_222 = tpu.vector_load %arg19[%swap3A_220, %swap3A_221] {strides = array<i32>} : memref<128x128xf32, #tpu.memory_space<vmem>>, vector<1x16xf32>,
      %swap3A_223 = vector.shape_cast %swap3A_222 : vector<1x16xf32> to vector<16xf32>
      %swap3A_224 = vector.shape_cast %mul3A_219 : vector<16xf32> to vector<1x16xf32>
      tpu.vector_store %arg19[%swap3A_220, %swap3A_221], %swap3A_224 {strides = array<i32>} : memref<128x128xf32, #tpu.memory_space<vmem>>, vector<1x16xf32>,
      %mul3A_225 = arith.mulf %while3A_189#2, %div3A_213 : vector<16xf32>
      %swap3A_226 = arith.index_cast %add3A_142 : i32 to index
      %swap3A_227 = arith.constant 32 : index
      %swap3A_228 = tpu.vector_load %arg19[%swap3A_226, %swap3A_227] {strides = array<i32>} : memref<128x128xf32, #tpu.memory_space<vmem>>, vector<1x16xf32>,
      %swap3A_229 = vector.shape_cast %swap3A_228 : vector<1x16xf32> to vector<16xf32>
      %swap3A_230 = vector.shape_cast %mul3A_225 : vector<16xf32> to vector<1x16xf32>
      tpu.vector_store %arg19[%swap3A_226, %swap3A_227], %swap3A_230 {strides = array<i32>} : memref<128x128xf32, #tpu.memory_space<vmem>>, vector<1x16xf32>,
      %mul3A_231 = arith.mulf %while3A_189#3, %div3A_213 : vector<16xf32>
      %swap3A_232 = arith.index_cast %add3A_142 : i32 to index
      %swap3A_233 = arith.constant 48 : index
      %swap3A_234 = tpu.vector_load %arg19[%swap3A_232, %swap3A_233] {strides = array<i32>} : memref<128x128xf32, #tpu.memory_space<vmem>>, vector<1x16xf32>,
      %swap3A_235 = vector.shape_cast %swap3A_234 : vector<1x16xf32> to vector<16xf32>
      %swap3A_236 = vector.shape_cast %mul3A_231 : vector<16xf32> to vector<1x16xf32>
      tpu.vector_store %arg19[%swap3A_232, %swap3A_233], %swap3A_236 {strides = array<i32>} : memref<128x128xf32, #tpu.memory_space<vmem>>, vector<1x16xf32>,
      %sub3A = arith.constant 1 : i32
      %sub3A_237 = arith.subi %squeeze3A_147, %sub3A : i32
      %get3A_238 = arith.index_cast %sub3A_237 : i32 to index
      %get3A_239 = arith.constant 0 : index
      %get3A_240 = tpu.vector_load %arg18[%get3A_238, %get3A_239] {strides = array<i32>} : memref<200x64xf32, #tpu.memory_space<vmem>>, vector<1x16xf32>,
      %get3A_241 = vector.shape_cast %get3A_240 : vector<1x16xf32> to vector<16xf32>
      %mul3A_242 = arith.mulf %get3A_241, %div3A_213 : vector<16xf32>
      %swap3A_243 = arith.index_cast %add3A_142 : i32 to index
      %swap3A_244 = arith.constant 64 : index
      %swap3A_245 = tpu.vector_load %arg19[%swap3A_243, %swap3A_244] {strides = array<i32>} : memref<128x128xf32, #tpu.memory_space<vmem>>, vector<1x16xf32>,
      %swap3A_246 = vector.shape_cast %swap3A_245 : vector<1x16xf32> to vector<16xf32>
      %swap3A_247 = vector.shape_cast %mul3A_242 : vector<16xf32> to vector<1x16xf32>
      tpu.vector_store %arg19[%swap3A_243, %swap3A_244], %swap3A_247 {strides = array<i32>} : memref<128x128xf32, #tpu.memory_space<vmem>>, vector<1x16xf32>,
      %sub3A_248 = arith.constant 1 : i32
      %sub3A_249 = arith.subi %squeeze3A_147, %sub3A_248 : i32
      %get3A_250 = arith.index_cast %sub3A_249 : i32 to index
      %get3A_251 = arith.constant 16 : index
      %get3A_252 = tpu.vector_load %arg18[%get3A_250, %get3A_251] {strides = array<i32>} : memref<200x64xf32, #tpu.memory_space<vmem>>, vector<1x16xf32>,
      %get3A_253 = vector.shape_cast %get3A_252 : vector<1x16xf32> to vector<16xf32>
      %mul3A_254 = arith.mulf %get3A_253, %div3A_213 : vector<16xf32>
      %swap3A_255 = arith.index_cast %add3A_142 : i32 to index
      %swap3A_256 = arith.constant 80 : index
      %swap3A_257 = tpu.vector_load %arg19[%swap3A_255, %swap3A_256] {strides = array<i32>} : memref<128x128xf32, #tpu.memory_space<vmem>>, vector<1x16xf32>,
      %swap3A_258 = vector.shape_cast %swap3A_257 : vector<1x16xf32> to vector<16xf32>
      %swap3A_259 = vector.shape_cast %mul3A_254 : vector<16xf32> to vector<1x16xf32>
      tpu.vector_store %arg19[%swap3A_255, %swap3A_256], %swap3A_259 {strides = array<i32>} : memref<128x128xf32, #tpu.memory_space<vmem>>, vector<1x16xf32>,
      %sub3A_260 = arith.constant 1 : i32
      %sub3A_261 = arith.subi %squeeze3A_147, %sub3A_260 : i32
      %get3A_262 = arith.index_cast %sub3A_261 : i32 to index
      %get3A_263 = arith.constant 32 : index
      %get3A_264 = tpu.vector_load %arg18[%get3A_262, %get3A_263] {strides = array<i32>} : memref<200x64xf32, #tpu.memory_space<vmem>>, vector<1x16xf32>,
      %get3A_265 = vector.shape_cast %get3A_264 : vector<1x16xf32> to vector<16xf32>
      %mul3A_266 = arith.mulf %get3A_265, %div3A_213 : vector<16xf32>
      %swap3A_267 = arith.index_cast %add3A_142 : i32 to index
      %swap3A_268 = arith.constant 96 : index
      %swap3A_269 = tpu.vector_load %arg19[%swap3A_267, %swap3A_268] {strides = array<i32>} : memref<128x128xf32, #tpu.memory_space<vmem>>, vector<1x16xf32>,
      %swap3A_270 = vector.shape_cast %swap3A_269 : vector<1x16xf32> to vector<16xf32>
      %swap3A_271 = vector.shape_cast %mul3A_266 : vector<16xf32> to vector<1x16xf32>
      tpu.vector_store %arg19[%swap3A_267, %swap3A_268], %swap3A_271 {strides = array<i32>} : memref<128x128xf32, #tpu.memory_space<vmem>>, vector<1x16xf32>,
      %sub3A_272 = arith.constant 1 : i32
      %sub3A_273 = arith.subi %squeeze3A_147, %sub3A_272 : i32
      %get3A_274 = arith.index_cast %sub3A_273 : i32 to index
      %get3A_275 = arith.constant 48 : index
      %get3A_276 = tpu.vector_load %arg18[%get3A_274, %get3A_275] {strides = array<i32>} : memref<200x64xf32, #tpu.memory_space<vmem>>, vector<1x16xf32>,
      %get3A_277 = vector.shape_cast %get3A_276 : vector<1x16xf32> to vector<16xf32>
      %mul3A_278 = arith.mulf %get3A_277, %div3A_213 : vector<16xf32>
      %swap3A_279 = arith.index_cast %add3A_142 : i32 to index
      %swap3A_280 = arith.constant 112 : index
      %swap3A_281 = tpu.vector_load %arg19[%swap3A_279, %swap3A_280] {strides = array<i32>} : memref<128x128xf32, #tpu.memory_space<vmem>>, vector<1x16xf32>,
      %swap3A_282 = vector.shape_cast %swap3A_281 : vector<1x16xf32> to vector<16xf32>
      %swap3A_283 = vector.shape_cast %mul3A_278 : vector<16xf32> to vector<1x16xf32>
      tpu.vector_store %arg19[%swap3A_279, %swap3A_280], %swap3A_283 {strides = array<i32>} : memref<128x128xf32, #tpu.memory_space<vmem>>, vector<1x16xf32>,
      %add3A_284 = arith.addi %mul3A_2, %add3A_142 : i32
      %dma_wait3A_285 = arith.constant 0 : i32
      %dma_wait3A_286 = arith.constant 64 : i32
      %dma_wait3A_287 = tpu.memref_slice %arg6[%dma_wait3A_285, %add3A_284, %dma_wait3A_286] : memref<200x4096x128xf32, #tpu.memory_space<hbm>> -> memref<200x1x64xf32, #tpu.memory_space<hbm>>
      %dma_wait3A_288 = tpu.memref_squeeze %dma_wait3A_287 : memref<200x1x64xf32, #tpu.memory_space<hbm>> -> memref<200x64xf32, #tpu.memory_space<hbm>>
      %dma_wait3A_289 = arith.constant 0 : i32
      %dma_wait3A_290 = arith.constant 64 : i32
      %dma_wait3A_291 = tpu.memref_slice %arg6[%dma_wait3A_289, %add3A_284, %dma_wait3A_290] : memref<200x4096x128xf32, #tpu.memory_space<hbm>> -> memref<200x1x64xf32, #tpu.memory_space<hbm>>
      %dma_wait3A_292 = tpu.memref_squeeze %dma_wait3A_291 : memref<200x1x64xf32, #tpu.memory_space<hbm>> -> memref<200x64xf32, #tpu.memory_space<hbm>>
      tpu.wait_dma2 semaphore(%arg32 : memref<!tpu.dma_semaphore, #tpu.memory_space<semaphore_mem>>) src(%arg17 : memref<200x64xf32, #tpu.memory_space<vmem>>) dst(%dma_wait3A_292 : memref<200x64xf32, #tpu.memory_space<hbm>>)
      %add3A_293 = arith.constant 1 : i32
      %add3A_294 = arith.addi %add3A_142, %add3A_293 : i32
      %lt3A_295 = arith.constant 128 : i32
      %lt3A_296 = arith.cmpi slt, %add3A_294, %lt3A_295 : i32
      %convert_element_type3A_297 = arith.extui %lt3A_296 : i1 to i32
      %cond3A_298 = arith.constant 0 : i32
      %cond3A_299 = arith.cmpi ne, %convert_element_type3A_297, %cond3A_298 : i32
      scf.if %cond3A_299 {
        %add3A_799 = arith.constant 1 : i32
        %add3A_800 = arith.addi %add3A_142, %add3A_799 : i32
        %get3A_801 = arith.index_cast %add3A_800 : i32 to index
        %get3A_802 = tpu.vector_load %arg8[%get3A_801] {strides = array<i32>} : memref<128xi32, #tpu.memory_space<vmem>>, vector<1xi32>,
        %get3A_803 = vector.shape_cast %get3A_802 : vector<1xi32> to vector<1xi32>
        %squeeze3A_804 = vector.extract %get3A_803[0] : i32 from vector<1xi32>
        %add3A_805 = arith.constant 1 : i32
        %add3A_806 = arith.addi %add3A_142, %add3A_805 : i32
        %while3A_807 = arith.constant 0 : i32
        %while3A_808 = arith.subi %squeeze3A_147, %squeeze3A_804 : i32
        %while3A_809 = arith.addi %squeeze3A_804, %while3A_808 : i32
        %while3A_810 = arith.constant 1 : i32
        %while3A_811 = arith.divsi %while3A_808, %while3A_810 : i32
        %while3A_812 = arith.muli %while3A_811, %while3A_810 : i32
        %while3A_813 = arith.addi %squeeze3A_804, %while3A_812 : i32
        %while3A_814 = arith.constant 1 : i32
        %while3A_815 = scf.for %while3A_827 = %squeeze3A_804 to %while3A_813 step %while3A_814 iter_args(%while3A_828 = %while3A_807) -> (i32)  : i32 {
          %swap3A_829 = arith.index_cast %while3A_827 : i32 to index
          %swap3A_830 = arith.constant 0 : index
          %swap3A_831 = tpu.vector_load %arg17[%swap3A_829, %swap3A_830] {strides = array<i32>} : memref<200x64xf32, #tpu.memory_space<vmem>>, vector<1x16xf32>,
          %swap3A_832 = vector.shape_cast %swap3A_831 : vector<1x16xf32> to vector<16xf32>
          %swap3A_833 = vector.shape_cast %broadcast_in_dim3A_3 : vector<16xf32> to vector<1x16xf32>
          tpu.vector_store %arg17[%swap3A_829, %swap3A_830], %swap3A_833 {strides = array<i32>} : memref<200x64xf32, #tpu.memory_space<vmem>>, vector<1x16xf32>,
          %swap3A_834 = arith.index_cast %while3A_827 : i32 to index
          %swap3A_835 = arith.constant 16 : index
          %swap3A_836 = tpu.vector_load %arg17[%swap3A_834, %swap3A_835] {strides = array<i32>} : memref<200x64xf32, #tpu.memory_space<vmem>>, vector<1x16xf32>,
          %swap3A_837 = vector.shape_cast %swap3A_836 : vector<1x16xf32> to vector<16xf32>
          %swap3A_838 = vector.shape_cast %broadcast_in_dim3A_3 : vector<16xf32> to vector<1x16xf32>
          tpu.vector_store %arg17[%swap3A_834, %swap3A_835], %swap3A_838 {strides = array<i32>} : memref<200x64xf32, #tpu.memory_space<vmem>>, vector<1x16xf32>,
          %swap3A_839 = arith.index_cast %while3A_827 : i32 to index
          %swap3A_840 = arith.constant 32 : index
          %swap3A_841 = tpu.vector_load %arg17[%swap3A_839, %swap3A_840] {strides = array<i32>} : memref<200x64xf32, #tpu.memory_space<vmem>>, vector<1x16xf32>,
          %swap3A_842 = vector.shape_cast %swap3A_841 : vector<1x16xf32> to vector<16xf32>
          %swap3A_843 = vector.shape_cast %broadcast_in_dim3A_3 : vector<16xf32> to vector<1x16xf32>
          tpu.vector_store %arg17[%swap3A_839, %swap3A_840], %swap3A_843 {strides = array<i32>} : memref<200x64xf32, #tpu.memory_space<vmem>>, vector<1x16xf32>,
          %swap3A_844 = arith.index_cast %while3A_827 : i32 to index
          %swap3A_845 = arith.constant 48 : index
          %swap3A_846 = tpu.vector_load %arg17[%swap3A_844, %swap3A_845] {strides = array<i32>} : memref<200x64xf32, #tpu.memory_space<vmem>>, vector<1x16xf32>,
          %swap3A_847 = vector.shape_cast %swap3A_846 : vector<1x16xf32> to vector<16xf32>
          %swap3A_848 = vector.shape_cast %broadcast_in_dim3A_3 : vector<16xf32> to vector<1x16xf32>
          tpu.vector_store %arg17[%swap3A_844, %swap3A_845], %swap3A_848 {strides = array<i32>} : memref<200x64xf32, #tpu.memory_space<vmem>>, vector<1x16xf32>,
          %while3A_849 = arith.constant 0 : i32
          scf.yield %while3A_849 : i32
        }
        %while3A_816 = arith.constant 1 : i32
        %while3A_817 = scf.for %while3A_827 = %while3A_813 to %while3A_809 step %while3A_816 iter_args(%while3A_828 = %while3A_815) -> (i32)  : i32 {
          %swap3A_829 = arith.index_cast %while3A_827 : i32 to index
          %swap3A_830 = arith.constant 0 : index
          %swap3A_831 = tpu.vector_load %arg17[%swap3A_829, %swap3A_830] {strides = array<i32>} : memref<200x64xf32, #tpu.memory_space<vmem>>, vector<1x16xf32>,
          %swap3A_832 = vector.shape_cast %swap3A_831 : vector<1x16xf32> to vector<16xf32>
          %swap3A_833 = vector.shape_cast %broadcast_in_dim3A_3 : vector<16xf32> to vector<1x16xf32>
          tpu.vector_store %arg17[%swap3A_829, %swap3A_830], %swap3A_833 {strides = array<i32>} : memref<200x64xf32, #tpu.memory_space<vmem>>, vector<1x16xf32>,
          %swap3A_834 = arith.index_cast %while3A_827 : i32 to index
          %swap3A_835 = arith.constant 16 : index
          %swap3A_836 = tpu.vector_load %arg17[%swap3A_834, %swap3A_835] {strides = array<i32>} : memref<200x64xf32, #tpu.memory_space<vmem>>, vector<1x16xf32>,
          %swap3A_837 = vector.shape_cast %swap3A_836 : vector<1x16xf32> to vector<16xf32>
          %swap3A_838 = vector.shape_cast %broadcast_in_dim3A_3 : vector<16xf32> to vector<1x16xf32>
          tpu.vector_store %arg17[%swap3A_834, %swap3A_835], %swap3A_838 {strides = array<i32>} : memref<200x64xf32, #tpu.memory_space<vmem>>, vector<1x16xf32>,
          %swap3A_839 = arith.index_cast %while3A_827 : i32 to index
          %swap3A_840 = arith.constant 32 : index
          %swap3A_841 = tpu.vector_load %arg17[%swap3A_839, %swap3A_840] {strides = array<i32>} : memref<200x64xf32, #tpu.memory_space<vmem>>, vector<1x16xf32>,
          %swap3A_842 = vector.shape_cast %swap3A_841 : vector<1x16xf32> to vector<16xf32>
          %swap3A_843 = vector.shape_cast %broadcast_in_dim3A_3 : vector<16xf32> to vector<1x16xf32>
          tpu.vector_store %arg17[%swap3A_839, %swap3A_840], %swap3A_843 {strides = array<i32>} : memref<200x64xf32, #tpu.memory_space<vmem>>, vector<1x16xf32>,
          %swap3A_844 = arith.index_cast %while3A_827 : i32 to index
          %swap3A_845 = arith.constant 48 : index
          %swap3A_846 = tpu.vector_load %arg17[%swap3A_844, %swap3A_845] {strides = array<i32>} : memref<200x64xf32, #tpu.memory_space<vmem>>, vector<1x16xf32>,
          %swap3A_847 = vector.shape_cast %swap3A_846 : vector<1x16xf32> to vector<16xf32>
          %swap3A_848 = vector.shape_cast %broadcast_in_dim3A_3 : vector<16xf32> to vector<1x16xf32>
          tpu.vector_store %arg17[%swap3A_844, %swap3A_845], %swap3A_848 {strides = array<i32>} : memref<200x64xf32, #tpu.memory_space<vmem>>, vector<1x16xf32>,
          %while3A_849 = arith.constant 0 : i32
          scf.yield %while3A_849 : i32
        }
        %add3A_818 = arith.addi %mul3A_2, %add3A_806 : i32
        %dma_start3A_819 = arith.constant 0 : i32
        %dma_start3A_820 = arith.constant 64 : i32
        %dma_start3A_821 = tpu.memref_slice %arg6[%dma_start3A_819, %add3A_818, %dma_start3A_820] : memref<200x4096x128xf32, #tpu.memory_space<hbm>> -> memref<200x1x64xf32, #tpu.memory_space<hbm>>
        %dma_start3A_822 = tpu.memref_squeeze %dma_start3A_821 : memref<200x1x64xf32, #tpu.memory_space<hbm>> -> memref<200x64xf32, #tpu.memory_space<hbm>>
        %dma_start3A_823 = arith.constant 0 : i32
        %dma_start3A_824 = arith.constant 64 : i32
        %dma_start3A_825 = tpu.memref_slice %arg6[%dma_start3A_823, %add3A_818, %dma_start3A_824] : memref<200x4096x128xf32, #tpu.memory_space<hbm>> -> memref<200x1x64xf32, #tpu.memory_space<hbm>>
        %dma_start3A_826 = tpu.memref_squeeze %dma_start3A_825 : memref<200x1x64xf32, #tpu.memory_space<hbm>> -> memref<200x64xf32, #tpu.memory_space<hbm>>
        tpu.enqueue_dma source(%arg17 : memref<200x64xf32, #tpu.memory_space<vmem>>) target(%dma_start3A_826 : memref<200x64xf32, #tpu.memory_space<hbm>>) target_semaphore(%arg32 : memref<!tpu.dma_semaphore, #tpu.memory_space<semaphore_mem>>)
      } else {
      }
      %add3A_300 = arith.constant 1 : i32
      %add3A_301 = arith.addi %mul3A_140, %add3A_300 : i32
      %add3A_302 = arith.addi %mul3A_2, %add3A_301 : i32
      %get3A_303 = arith.index_cast %add3A_301 : i32 to index
      %get3A_304 = tpu.vector_load %arg8[%get3A_303] {strides = array<i32>} : memref<128xi32, #tpu.memory_space<vmem>>, vector<1xi32>,
      %get3A_305 = vector.shape_cast %get3A_304 : vector<1xi32> to vector<1xi32>
      %squeeze3A_306 = vector.extract %get3A_305[0] : i32 from vector<1xi32>
      %ge3A_307 = arith.constant 2 : i32
      %ge3A_308 = arith.cmpi sge, %add3A_301, %ge3A_307 : i32
      %convert_element_type3A_309 = arith.extui %ge3A_308 : i1 to i32
      %cond3A_310 = arith.constant 0 : i32
      %cond3A_311 = arith.cmpi ne, %convert_element_type3A_309, %cond3A_310 : i32
      scf.if %cond3A_311 {
        %sub3A_799 = arith.constant 2 : i32
        %sub3A_800 = arith.subi %add3A_301, %sub3A_799 : i32
        %add3A_801 = arith.addi %mul3A_2, %sub3A_800 : i32
        %dma_wait3A_802 = arith.constant 0 : i32
        %dma_wait3A_803 = arith.constant 0 : i32
        %dma_wait3A_804 = tpu.memref_slice %arg6[%dma_wait3A_802, %add3A_801, %dma_wait3A_803] : memref<200x4096x128xf32, #tpu.memory_space<hbm>> -> memref<200x1x64xf32, #tpu.memory_space<hbm>>
        %dma_wait3A_805 = tpu.memref_squeeze %dma_wait3A_804 : memref<200x1x64xf32, #tpu.memory_space<hbm>> -> memref<200x64xf32, #tpu.memory_space<hbm>>
        %dma_wait3A_806 = arith.constant 0 : i32
        %dma_wait3A_807 = arith.constant 0 : i32
        %dma_wait3A_808 = tpu.memref_slice %arg6[%dma_wait3A_806, %add3A_801, %dma_wait3A_807] : memref<200x4096x128xf32, #tpu.memory_space<hbm>> -> memref<200x1x64xf32, #tpu.memory_space<hbm>>
        %dma_wait3A_809 = tpu.memref_squeeze %dma_wait3A_808 : memref<200x1x64xf32, #tpu.memory_space<hbm>> -> memref<200x64xf32, #tpu.memory_space<hbm>>
        tpu.wait_dma2 semaphore(%arg31 : memref<!tpu.dma_semaphore, #tpu.memory_space<semaphore_mem>>) src(%arg16 : memref<200x64xf32, #tpu.memory_space<vmem>>) dst(%dma_wait3A_809 : memref<200x64xf32, #tpu.memory_space<hbm>>)
      } else {
      }
      %add3A_312 = arith.constant 2 : i32
      %add3A_313 = arith.addi %add3A_301, %add3A_312 : i32
      %lt3A_314 = arith.constant 128 : i32
      %lt3A_315 = arith.cmpi slt, %add3A_313, %lt3A_314 : i32
      %convert_element_type3A_316 = arith.extui %lt3A_315 : i1 to i32
      %cond3A_317 = arith.constant 0 : i32
      %cond3A_318 = arith.cmpi ne, %convert_element_type3A_316, %cond3A_317 : i32
      scf.if %cond3A_318 {
        %add3A_799 = arith.constant 2 : i32
        %add3A_800 = arith.addi %add3A_301, %add3A_799 : i32
        %add3A_801 = arith.addi %mul3A_2, %add3A_800 : i32
        %dma_wait3A_802 = arith.constant 0 : i32
        %dma_wait3A_803 = tpu.memref_slice %arg2[%add3A_801, %dma_wait3A_802] : memref<4096x200xi32, #tpu.memory_space<hbm>> -> memref<1x200xi32, #tpu.memory_space<hbm>>
        %dma_wait3A_804 = tpu.memref_squeeze %dma_wait3A_803 : memref<1x200xi32, #tpu.memory_space<hbm>> -> memref<200xi32, #tpu.memory_space<hbm>>
        %dma_wait3A_805 = arith.constant 0 : i32
        %dma_wait3A_806 = tpu.memref_slice %arg2[%add3A_801, %dma_wait3A_805] : memref<4096x200xi32, #tpu.memory_space<hbm>> -> memref<1x200xi32, #tpu.memory_space<hbm>>
        %dma_wait3A_807 = tpu.memref_squeeze %dma_wait3A_806 : memref<1x200xi32, #tpu.memory_space<hbm>> -> memref<200xi32, #tpu.memory_space<hbm>>
        tpu.wait_dma2 semaphore(%arg23 : memref<!tpu.dma_semaphore, #tpu.memory_space<semaphore_mem>>) src(%dma_wait3A_807 : memref<200xi32, #tpu.memory_space<hbm>>) dst(%arg12 : memref<200xi32, #tpu.memory_space<vmem>>)
        %dma_start3A_808 = arith.constant 0 : i32
        %dma_start3A_809 = arith.constant 0 : i32
        %dma_start3A_810 = tpu.memref_slice %arg16[%dma_start3A_808, %dma_start3A_809] : memref<200x64xf32, #tpu.memory_space<vmem>> -> memref<104x64xf32, #tpu.memory_space<vmem>>
        %dma_start3A_811 = arith.constant 0 : i32
        %dma_start3A_812 = tpu.memref_slice %arg12[%dma_start3A_811] : memref<200xi32, #tpu.memory_space<vmem>> -> memref<104xi32, #tpu.memory_space<vmem>>
        %dma_start3A_813 = arith.constant 0 : i32
        %dma_start3A_814 = arith.constant 0 : i32
        %dma_start3A_815 = tpu.memref_slice %arg4[%dma_start3A_813, %dma_start3A_814] : memref<1000000x64xf32, #tpu.memory_space<hbm>> -> memref<1000000x64xf32, #tpu.memory_space<hbm>>
        tpu.enqueue_indirect_dma source(%dma_start3A_815 : memref<1000000x64xf32, #tpu.memory_space<hbm>>) target(%dma_start3A_810 : memref<104x64xf32, #tpu.memory_space<vmem>>) offsets(%dma_start3A_812 : memref<104xi32, #tpu.memory_space<vmem>>) semaphore(%arg27 : memref<!tpu.dma_semaphore, #tpu.memory_space<semaphore_mem>>)
        %dma_start3A_816 = arith.constant 104 : i32
        %dma_start3A_817 = arith.constant 0 : i32
        %dma_start3A_818 = tpu.memref_slice %arg16[%dma_start3A_816, %dma_start3A_817] : memref<200x64xf32, #tpu.memory_space<vmem>> -> memref<96x64xf32, #tpu.memory_space<vmem>>
        %dma_start3A_819 = arith.constant 104 : i32
        %dma_start3A_820 = tpu.memref_slice %arg12[%dma_start3A_819] : memref<200xi32, #tpu.memory_space<vmem>> -> memref<96xi32, #tpu.memory_space<vmem>>
        %dma_start3A_821 = arith.constant 0 : i32
        %dma_start3A_822 = arith.constant 0 : i32
        %dma_start3A_823 = tpu.memref_slice %arg4[%dma_start3A_821, %dma_start3A_822] : memref<1000000x64xf32, #tpu.memory_space<hbm>> -> memref<1000000x64xf32, #tpu.memory_space<hbm>>
        tpu.enqueue_indirect_dma source(%dma_start3A_823 : memref<1000000x64xf32, #tpu.memory_space<hbm>>) target(%dma_start3A_818 : memref<96x64xf32, #tpu.memory_space<vmem>>) offsets(%dma_start3A_820 : memref<96xi32, #tpu.memory_space<vmem>>) semaphore(%arg27 : memref<!tpu.dma_semaphore, #tpu.memory_space<semaphore_mem>>)
      } else {
      }
      %dma_wait3A_319 = arith.constant 0 : i32
      %dma_wait3A_320 = arith.constant 0 : i32
      %dma_wait3A_321 = tpu.memref_slice %arg14[%dma_wait3A_319, %dma_wait3A_320] : memref<200x64xf32, #tpu.memory_space<vmem>> -> memref<104x64xf32, #tpu.memory_space<vmem>>
      %dma_wait3A_322 = arith.constant 0 : i32
      %dma_wait3A_323 = tpu.memref_slice %arg10[%dma_wait3A_322] : memref<200xi32, #tpu.memory_space<vmem>> -> memref<104xi32, #tpu.memory_space<vmem>>
      %dma_wait3A_324 = arith.constant 0 : i32
      %dma_wait3A_325 = arith.constant 0 : i32
      %dma_wait3A_326 = tpu.memref_slice %arg4[%dma_wait3A_324, %dma_wait3A_325] : memref<1000000x64xf32, #tpu.memory_space<hbm>> -> memref<1000000x64xf32, #tpu.memory_space<hbm>>
      tpu.wait_indirect_dma semaphore(%arg25 : memref<!tpu.dma_semaphore, #tpu.memory_space<semaphore_mem>>) src(%dma_wait3A_326 : memref<1000000x64xf32, #tpu.memory_space<hbm>>) dst(%dma_wait3A_321 : memref<104x64xf32, #tpu.memory_space<vmem>>)
      %dma_wait3A_327 = arith.constant 104 : i32
      %dma_wait3A_328 = arith.constant 0 : i32
      %dma_wait3A_329 = tpu.memref_slice %arg14[%dma_wait3A_327, %dma_wait3A_328] : memref<200x64xf32, #tpu.memory_space<vmem>> -> memref<96x64xf32, #tpu.memory_space<vmem>>
      %dma_wait3A_330 = arith.constant 104 : i32
      %dma_wait3A_331 = tpu.memref_slice %arg10[%dma_wait3A_330] : memref<200xi32, #tpu.memory_space<vmem>> -> memref<96xi32, #tpu.memory_space<vmem>>
      %dma_wait3A_332 = arith.constant 0 : i32
      %dma_wait3A_333 = arith.constant 0 : i32
      %dma_wait3A_334 = tpu.memref_slice %arg4[%dma_wait3A_332, %dma_wait3A_333] : memref<1000000x64xf32, #tpu.memory_space<hbm>> -> memref<1000000x64xf32, #tpu.memory_space<hbm>>
      tpu.wait_indirect_dma semaphore(%arg25 : memref<!tpu.dma_semaphore, #tpu.memory_space<semaphore_mem>>) src(%dma_wait3A_334 : memref<1000000x64xf32, #tpu.memory_space<hbm>>) dst(%dma_wait3A_329 : memref<96x64xf32, #tpu.memory_space<vmem>>)
      %add3A_335 = arith.constant 4 : i32
      %add3A_336 = arith.addi %add3A_301, %add3A_335 : i32
      %lt3A_337 = arith.constant 128 : i32
      %lt3A_338 = arith.cmpi slt, %add3A_336, %lt3A_337 : i32
      %convert_element_type3A_339 = arith.extui %lt3A_338 : i1 to i32
      %cond3A_340 = arith.constant 0 : i32
      %cond3A_341 = arith.cmpi ne, %convert_element_type3A_339, %cond3A_340 : i32
      scf.if %cond3A_341 {
        %add3A_799 = arith.constant 4 : i32
        %add3A_800 = arith.addi %add3A_301, %add3A_799 : i32
        %add3A_801 = arith.addi %mul3A_2, %add3A_800 : i32
        %dma_start3A_802 = arith.constant 0 : i32
        %dma_start3A_803 = tpu.memref_slice %arg2[%add3A_801, %dma_start3A_802] : memref<4096x200xi32, #tpu.memory_space<hbm>> -> memref<1x200xi32, #tpu.memory_space<hbm>>
        %dma_start3A_804 = tpu.memref_squeeze %dma_start3A_803 : memref<1x200xi32, #tpu.memory_space<hbm>> -> memref<200xi32, #tpu.memory_space<hbm>>
        %dma_start3A_805 = arith.constant 0 : i32
        %dma_start3A_806 = tpu.memref_slice %arg2[%add3A_801, %dma_start3A_805] : memref<4096x200xi32, #tpu.memory_space<hbm>> -> memref<1x200xi32, #tpu.memory_space<hbm>>
        %dma_start3A_807 = tpu.memref_squeeze %dma_start3A_806 : memref<1x200xi32, #tpu.memory_space<hbm>> -> memref<200xi32, #tpu.memory_space<hbm>>
        tpu.enqueue_dma source(%dma_start3A_807 : memref<200xi32, #tpu.memory_space<hbm>>) target(%arg10 : memref<200xi32, #tpu.memory_space<vmem>>) target_semaphore(%arg21 : memref<!tpu.dma_semaphore, #tpu.memory_space<semaphore_mem>>)
      } else {
      }
      %while3A_342 = arith.constant 0 : i32
      %while3A_343 = arith.subi %squeeze3A_306, %while3A_342 : i32
      %while3A_344 = arith.addi %while3A_342, %while3A_343 : i32
      %while3A_345 = arith.constant 1 : i32
      %while3A_346 = arith.divsi %while3A_343, %while3A_345 : i32
      %while3A_347 = arith.muli %while3A_346, %while3A_345 : i32
      %while3A_348 = arith.addi %while3A_342, %while3A_347 : i32
      %while3A_349 = arith.constant 1 : i32
      %while3A_350:4 = scf.for %while3A_799 = %while3A_342 to %while3A_348 step %while3A_349 iter_args(%while3A_800 = %broadcast_in_dim3A_3, %while3A_801 = %broadcast_in_dim3A_3, %while3A_802 = %broadcast_in_dim3A_3, %while3A_803 = %broadcast_in_dim3A_3) -> (vector<16xf32>, vector<16xf32>, vector<16xf32>, vector<16xf32>)  : i32 {
        %get3A_804 = arith.index_cast %while3A_799 : i32 to index
        %get3A_805 = arith.constant 0 : index
        %get3A_806 = tpu.vector_load %arg14[%get3A_804, %get3A_805] {strides = array<i32>} : memref<200x64xf32, #tpu.memory_space<vmem>>, vector<1x16xf32>,
        %get3A_807 = vector.shape_cast %get3A_806 : vector<1x16xf32> to vector<16xf32>
        %add3A_808 = arith.addf %while3A_800, %get3A_807 : vector<16xf32>
        %get3A_809 = arith.index_cast %while3A_799 : i32 to index
        %get3A_810 = arith.constant 16 : index
        %get3A_811 = tpu.vector_load %arg14[%get3A_809, %get3A_810] {strides = array<i32>} : memref<200x64xf32, #tpu.memory_space<vmem>>, vector<1x16xf32>,
        %get3A_812 = vector.shape_cast %get3A_811 : vector<1x16xf32> to vector<16xf32>
        %add3A_813 = arith.addf %while3A_801, %get3A_812 : vector<16xf32>
        %get3A_814 = arith.index_cast %while3A_799 : i32 to index
        %get3A_815 = arith.constant 32 : index
        %get3A_816 = tpu.vector_load %arg14[%get3A_814, %get3A_815] {strides = array<i32>} : memref<200x64xf32, #tpu.memory_space<vmem>>, vector<1x16xf32>,
        %get3A_817 = vector.shape_cast %get3A_816 : vector<1x16xf32> to vector<16xf32>
        %add3A_818 = arith.addf %while3A_802, %get3A_817 : vector<16xf32>
        %get3A_819 = arith.index_cast %while3A_799 : i32 to index
        %get3A_820 = arith.constant 48 : index
        %get3A_821 = tpu.vector_load %arg14[%get3A_819, %get3A_820] {strides = array<i32>} : memref<200x64xf32, #tpu.memory_space<vmem>>, vector<1x16xf32>,
        %get3A_822 = vector.shape_cast %get3A_821 : vector<1x16xf32> to vector<16xf32>
        %add3A_823 = arith.addf %while3A_803, %get3A_822 : vector<16xf32>
        scf.yield %add3A_808, %add3A_813, %add3A_818, %add3A_823 : vector<16xf32>, vector<16xf32>, vector<16xf32>, vector<16xf32>
      }
      %while3A_351 = arith.constant 1 : i32
      %while3A_352:4 = scf.for %while3A_799 = %while3A_348 to %while3A_344 step %while3A_351 iter_args(%while3A_800 = %while3A_350#0, %while3A_801 = %while3A_350#1, %while3A_802 = %while3A_350#2, %while3A_803 = %while3A_350#3) -> (vector<16xf32>, vector<16xf32>, vector<16xf32>, vector<16xf32>)  : i32 {
        %get3A_804 = arith.index_cast %while3A_799 : i32 to index
        %get3A_805 = arith.constant 0 : index
        %get3A_806 = tpu.vector_load %arg14[%get3A_804, %get3A_805] {strides = array<i32>} : memref<200x64xf32, #tpu.memory_space<vmem>>, vector<1x16xf32>,
        %get3A_807 = vector.shape_cast %get3A_806 : vector<1x16xf32> to vector<16xf32>
        %add3A_808 = arith.addf %while3A_800, %get3A_807 : vector<16xf32>
        %get3A_809 = arith.index_cast %while3A_799 : i32 to index
        %get3A_810 = arith.constant 16 : index
        %get3A_811 = tpu.vector_load %arg14[%get3A_809, %get3A_810] {strides = array<i32>} : memref<200x64xf32, #tpu.memory_space<vmem>>, vector<1x16xf32>,
        %get3A_812 = vector.shape_cast %get3A_811 : vector<1x16xf32> to vector<16xf32>
        %add3A_813 = arith.addf %while3A_801, %get3A_812 : vector<16xf32>
        %get3A_814 = arith.index_cast %while3A_799 : i32 to index
        %get3A_815 = arith.constant 32 : index
        %get3A_816 = tpu.vector_load %arg14[%get3A_814, %get3A_815] {strides = array<i32>} : memref<200x64xf32, #tpu.memory_space<vmem>>, vector<1x16xf32>,
        %get3A_817 = vector.shape_cast %get3A_816 : vector<1x16xf32> to vector<16xf32>
        %add3A_818 = arith.addf %while3A_802, %get3A_817 : vector<16xf32>
        %get3A_819 = arith.index_cast %while3A_799 : i32 to index
        %get3A_820 = arith.constant 48 : index
        %get3A_821 = tpu.vector_load %arg14[%get3A_819, %get3A_820] {strides = array<i32>} : memref<200x64xf32, #tpu.memory_space<vmem>>, vector<1x16xf32>,
        %get3A_822 = vector.shape_cast %get3A_821 : vector<1x16xf32> to vector<16xf32>
        %add3A_823 = arith.addf %while3A_803, %get3A_822 : vector<16xf32>
        scf.yield %add3A_808, %add3A_813, %add3A_818, %add3A_823 : vector<16xf32>, vector<16xf32>, vector<16xf32>, vector<16xf32>
      }
      %while3A_353 = arith.constant 200 : i32
      %while3A_354 = arith.constant 0 : i32
      %while3A_355 = arith.subi %while3A_353, %squeeze3A_306 : i32
      %while3A_356 = arith.addi %squeeze3A_306, %while3A_355 : i32
      %while3A_357 = arith.constant 1 : i32
      %while3A_358 = arith.divsi %while3A_355, %while3A_357 : i32
      %while3A_359 = arith.muli %while3A_358, %while3A_357 : i32
      %while3A_360 = arith.addi %squeeze3A_306, %while3A_359 : i32
      %while3A_361 = arith.constant 1 : i32
      %while3A_362 = scf.for %while3A_799 = %squeeze3A_306 to %while3A_360 step %while3A_361 iter_args(%while3A_800 = %while3A_354) -> (i32)  : i32 {
        %swap3A_801 = arith.index_cast %while3A_799 : i32 to index
        %swap3A_802 = arith.constant 0 : index
        %swap3A_803 = tpu.vector_load %arg14[%swap3A_801, %swap3A_802] {strides = array<i32>} : memref<200x64xf32, #tpu.memory_space<vmem>>, vector<1x16xf32>,
        %swap3A_804 = vector.shape_cast %swap3A_803 : vector<1x16xf32> to vector<16xf32>
        %swap3A_805 = vector.shape_cast %broadcast_in_dim3A_3 : vector<16xf32> to vector<1x16xf32>
        tpu.vector_store %arg14[%swap3A_801, %swap3A_802], %swap3A_805 {strides = array<i32>} : memref<200x64xf32, #tpu.memory_space<vmem>>, vector<1x16xf32>,
        %swap3A_806 = arith.index_cast %while3A_799 : i32 to index
        %swap3A_807 = arith.constant 16 : index
        %swap3A_808 = tpu.vector_load %arg14[%swap3A_806, %swap3A_807] {strides = array<i32>} : memref<200x64xf32, #tpu.memory_space<vmem>>, vector<1x16xf32>,
        %swap3A_809 = vector.shape_cast %swap3A_808 : vector<1x16xf32> to vector<16xf32>
        %swap3A_810 = vector.shape_cast %broadcast_in_dim3A_3 : vector<16xf32> to vector<1x16xf32>
        tpu.vector_store %arg14[%swap3A_806, %swap3A_807], %swap3A_810 {strides = array<i32>} : memref<200x64xf32, #tpu.memory_space<vmem>>, vector<1x16xf32>,
        %swap3A_811 = arith.index_cast %while3A_799 : i32 to index
        %swap3A_812 = arith.constant 32 : index
        %swap3A_813 = tpu.vector_load %arg14[%swap3A_811, %swap3A_812] {strides = array<i32>} : memref<200x64xf32, #tpu.memory_space<vmem>>, vector<1x16xf32>,
        %swap3A_814 = vector.shape_cast %swap3A_813 : vector<1x16xf32> to vector<16xf32>
        %swap3A_815 = vector.shape_cast %broadcast_in_dim3A_3 : vector<16xf32> to vector<1x16xf32>
        tpu.vector_store %arg14[%swap3A_811, %swap3A_812], %swap3A_815 {strides = array<i32>} : memref<200x64xf32, #tpu.memory_space<vmem>>, vector<1x16xf32>,
        %swap3A_816 = arith.index_cast %while3A_799 : i32 to index
        %swap3A_817 = arith.constant 48 : index
        %swap3A_818 = tpu.vector_load %arg14[%swap3A_816, %swap3A_817] {strides = array<i32>} : memref<200x64xf32, #tpu.memory_space<vmem>>, vector<1x16xf32>,
        %swap3A_819 = vector.shape_cast %swap3A_818 : vector<1x16xf32> to vector<16xf32>
        %swap3A_820 = vector.shape_cast %broadcast_in_dim3A_3 : vector<16xf32> to vector<1x16xf32>
        tpu.vector_store %arg14[%swap3A_816, %swap3A_817], %swap3A_820 {strides = array<i32>} : memref<200x64xf32, #tpu.memory_space<vmem>>, vector<1x16xf32>,
        %while3A_821 = arith.constant 0 : i32
        scf.yield %while3A_821 : i32
      }
      %while3A_363 = arith.constant 1 : i32
      %while3A_364 = scf.for %while3A_799 = %while3A_360 to %while3A_356 step %while3A_363 iter_args(%while3A_800 = %while3A_362) -> (i32)  : i32 {
        %swap3A_801 = arith.index_cast %while3A_799 : i32 to index
        %swap3A_802 = arith.constant 0 : index
        %swap3A_803 = tpu.vector_load %arg14[%swap3A_801, %swap3A_802] {strides = array<i32>} : memref<200x64xf32, #tpu.memory_space<vmem>>, vector<1x16xf32>,
        %swap3A_804 = vector.shape_cast %swap3A_803 : vector<1x16xf32> to vector<16xf32>
        %swap3A_805 = vector.shape_cast %broadcast_in_dim3A_3 : vector<16xf32> to vector<1x16xf32>
        tpu.vector_store %arg14[%swap3A_801, %swap3A_802], %swap3A_805 {strides = array<i32>} : memref<200x64xf32, #tpu.memory_space<vmem>>, vector<1x16xf32>,
        %swap3A_806 = arith.index_cast %while3A_799 : i32 to index
        %swap3A_807 = arith.constant 16 : index
        %swap3A_808 = tpu.vector_load %arg14[%swap3A_806, %swap3A_807] {strides = array<i32>} : memref<200x64xf32, #tpu.memory_space<vmem>>, vector<1x16xf32>,
        %swap3A_809 = vector.shape_cast %swap3A_808 : vector<1x16xf32> to vector<16xf32>
        %swap3A_810 = vector.shape_cast %broadcast_in_dim3A_3 : vector<16xf32> to vector<1x16xf32>
        tpu.vector_store %arg14[%swap3A_806, %swap3A_807], %swap3A_810 {strides = array<i32>} : memref<200x64xf32, #tpu.memory_space<vmem>>, vector<1x16xf32>,
        %swap3A_811 = arith.index_cast %while3A_799 : i32 to index
        %swap3A_812 = arith.constant 32 : index
        %swap3A_813 = tpu.vector_load %arg14[%swap3A_811, %swap3A_812] {strides = array<i32>} : memref<200x64xf32, #tpu.memory_space<vmem>>, vector<1x16xf32>,
        %swap3A_814 = vector.shape_cast %swap3A_813 : vector<1x16xf32> to vector<16xf32>
        %swap3A_815 = vector.shape_cast %broadcast_in_dim3A_3 : vector<16xf32> to vector<1x16xf32>
        tpu.vector_store %arg14[%swap3A_811, %swap3A_812], %swap3A_815 {strides = array<i32>} : memref<200x64xf32, #tpu.memory_space<vmem>>, vector<1x16xf32>,
        %swap3A_816 = arith.index_cast %while3A_799 : i32 to index
        %swap3A_817 = arith.constant 48 : index
        %swap3A_818 = tpu.vector_load %arg14[%swap3A_816, %swap3A_817] {strides = array<i32>} : memref<200x64xf32, #tpu.memory_space<vmem>>, vector<1x16xf32>,
        %swap3A_819 = vector.shape_cast %swap3A_818 : vector<1x16xf32> to vector<16xf32>
        %swap3A_820 = vector.shape_cast %broadcast_in_dim3A_3 : vector<16xf32> to vector<1x16xf32>
        tpu.vector_store %arg14[%swap3A_816, %swap3A_817], %swap3A_820 {strides = array<i32>} : memref<200x64xf32, #tpu.memory_space<vmem>>, vector<1x16xf32>,
        %while3A_821 = arith.constant 0 : i32
        scf.yield %while3A_821 : i32
      }
      %dma_start3A_365 = arith.constant 0 : i32
      %dma_start3A_366 = arith.constant 0 : i32
      %dma_start3A_367 = tpu.memref_slice %arg6[%dma_start3A_365, %add3A_302, %dma_start3A_366] : memref<200x4096x128xf32, #tpu.memory_space<hbm>> -> memref<200x1x64xf32, #tpu.memory_space<hbm>>
      %dma_start3A_368 = tpu.memref_squeeze %dma_start3A_367 : memref<200x1x64xf32, #tpu.memory_space<hbm>> -> memref<200x64xf32, #tpu.memory_space<hbm>>
      %dma_start3A_369 = arith.constant 0 : i32
      %dma_start3A_370 = arith.constant 0 : i32
      %dma_start3A_371 = tpu.memref_slice %arg6[%dma_start3A_369, %add3A_302, %dma_start3A_370] : memref<200x4096x128xf32, #tpu.memory_space<hbm>> -> memref<200x1x64xf32, #tpu.memory_space<hbm>>
      %dma_start3A_372 = tpu.memref_squeeze %dma_start3A_371 : memref<200x1x64xf32, #tpu.memory_space<hbm>> -> memref<200x64xf32, #tpu.memory_space<hbm>>
      tpu.enqueue_dma source(%arg14 : memref<200x64xf32, #tpu.memory_space<vmem>>) target(%dma_start3A_372 : memref<200x64xf32, #tpu.memory_space<hbm>>) target_semaphore(%arg29 : memref<!tpu.dma_semaphore, #tpu.memory_space<semaphore_mem>>)
      %broadcast_in_dim3A_373 = arith.constant 1.000000e+00 : f32
      %broadcast_in_dim3A_374 = vector.broadcast %broadcast_in_dim3A_373 : f32 to vector<16xf32>
      %convert_element_type3A_375 = arith.sitofp %squeeze3A_306 : i32 to f32
      %div3A_376 = vector.broadcast %convert_element_type3A_375 : f32 to vector<16xf32>
      %div3A_377 = arith.divf %broadcast_in_dim3A_374, %div3A_376 : vector<16xf32>
      %mul3A_378 = arith.mulf %while3A_352#0, %div3A_377 : vector<16xf32>
      %swap3A_379 = arith.index_cast %add3A_301 : i32 to index
      %swap3A_380 = arith.constant 0 : index
      %swap3A_381 = tpu.vector_load %arg19[%swap3A_379, %swap3A_380] {strides = array<i32>} : memref<128x128xf32, #tpu.memory_space<vmem>>, vector<1x16xf32>,
      %swap3A_382 = vector.shape_cast %swap3A_381 : vector<1x16xf32> to vector<16xf32>
      %swap3A_383 = vector.shape_cast %mul3A_378 : vector<16xf32> to vector<1x16xf32>
      tpu.vector_store %arg19[%swap3A_379, %swap3A_380], %swap3A_383 {strides = array<i32>} : memref<128x128xf32, #tpu.memory_space<vmem>>, vector<1x16xf32>,
      %mul3A_384 = arith.mulf %while3A_352#1, %div3A_377 : vector<16xf32>
      %swap3A_385 = arith.index_cast %add3A_301 : i32 to index
      %swap3A_386 = arith.constant 16 : index
      %swap3A_387 = tpu.vector_load %arg19[%swap3A_385, %swap3A_386] {strides = array<i32>} : memref<128x128xf32, #tpu.memory_space<vmem>>, vector<1x16xf32>,
      %swap3A_388 = vector.shape_cast %swap3A_387 : vector<1x16xf32> to vector<16xf32>
      %swap3A_389 = vector.shape_cast %mul3A_384 : vector<16xf32> to vector<1x16xf32>
      tpu.vector_store %arg19[%swap3A_385, %swap3A_386], %swap3A_389 {strides = array<i32>} : memref<128x128xf32, #tpu.memory_space<vmem>>, vector<1x16xf32>,
      %mul3A_390 = arith.mulf %while3A_352#2, %div3A_377 : vector<16xf32>
      %swap3A_391 = arith.index_cast %add3A_301 : i32 to index
      %swap3A_392 = arith.constant 32 : index
      %swap3A_393 = tpu.vector_load %arg19[%swap3A_391, %swap3A_392] {strides = array<i32>} : memref<128x128xf32, #tpu.memory_space<vmem>>, vector<1x16xf32>,
      %swap3A_394 = vector.shape_cast %swap3A_393 : vector<1x16xf32> to vector<16xf32>
      %swap3A_395 = vector.shape_cast %mul3A_390 : vector<16xf32> to vector<1x16xf32>
      tpu.vector_store %arg19[%swap3A_391, %swap3A_392], %swap3A_395 {strides = array<i32>} : memref<128x128xf32, #tpu.memory_space<vmem>>, vector<1x16xf32>,
      %mul3A_396 = arith.mulf %while3A_352#3, %div3A_377 : vector<16xf32>
      %swap3A_397 = arith.index_cast %add3A_301 : i32 to index
      %swap3A_398 = arith.constant 48 : index
      %swap3A_399 = tpu.vector_load %arg19[%swap3A_397, %swap3A_398] {strides = array<i32>} : memref<128x128xf32, #tpu.memory_space<vmem>>, vector<1x16xf32>,
      %swap3A_400 = vector.shape_cast %swap3A_399 : vector<1x16xf32> to vector<16xf32>
      %swap3A_401 = vector.shape_cast %mul3A_396 : vector<16xf32> to vector<1x16xf32>
      tpu.vector_store %arg19[%swap3A_397, %swap3A_398], %swap3A_401 {strides = array<i32>} : memref<128x128xf32, #tpu.memory_space<vmem>>, vector<1x16xf32>,
      %sub3A_402 = arith.constant 1 : i32
      %sub3A_403 = arith.subi %squeeze3A_306, %sub3A_402 : i32
      %get3A_404 = arith.index_cast %sub3A_403 : i32 to index
      %get3A_405 = arith.constant 0 : index
      %get3A_406 = tpu.vector_load %arg18[%get3A_404, %get3A_405] {strides = array<i32>} : memref<200x64xf32, #tpu.memory_space<vmem>>, vector<1x16xf32>,
      %get3A_407 = vector.shape_cast %get3A_406 : vector<1x16xf32> to vector<16xf32>
      %mul3A_408 = arith.mulf %get3A_407, %div3A_377 : vector<16xf32>
      %swap3A_409 = arith.index_cast %add3A_301 : i32 to index
      %swap3A_410 = arith.constant 64 : index
      %swap3A_411 = tpu.vector_load %arg19[%swap3A_409, %swap3A_410] {strides = array<i32>} : memref<128x128xf32, #tpu.memory_space<vmem>>, vector<1x16xf32>,
      %swap3A_412 = vector.shape_cast %swap3A_411 : vector<1x16xf32> to vector<16xf32>
      %swap3A_413 = vector.shape_cast %mul3A_408 : vector<16xf32> to vector<1x16xf32>
      tpu.vector_store %arg19[%swap3A_409, %swap3A_410], %swap3A_413 {strides = array<i32>} : memref<128x128xf32, #tpu.memory_space<vmem>>, vector<1x16xf32>,
      %sub3A_414 = arith.constant 1 : i32
      %sub3A_415 = arith.subi %squeeze3A_306, %sub3A_414 : i32
      %get3A_416 = arith.index_cast %sub3A_415 : i32 to index
      %get3A_417 = arith.constant 16 : index
      %get3A_418 = tpu.vector_load %arg18[%get3A_416, %get3A_417] {strides = array<i32>} : memref<200x64xf32, #tpu.memory_space<vmem>>, vector<1x16xf32>,
      %get3A_419 = vector.shape_cast %get3A_418 : vector<1x16xf32> to vector<16xf32>
      %mul3A_420 = arith.mulf %get3A_419, %div3A_377 : vector<16xf32>
      %swap3A_421 = arith.index_cast %add3A_301 : i32 to index
      %swap3A_422 = arith.constant 80 : index
      %swap3A_423 = tpu.vector_load %arg19[%swap3A_421, %swap3A_422] {strides = array<i32>} : memref<128x128xf32, #tpu.memory_space<vmem>>, vector<1x16xf32>,
      %swap3A_424 = vector.shape_cast %swap3A_423 : vector<1x16xf32> to vector<16xf32>
      %swap3A_425 = vector.shape_cast %mul3A_420 : vector<16xf32> to vector<1x16xf32>
      tpu.vector_store %arg19[%swap3A_421, %swap3A_422], %swap3A_425 {strides = array<i32>} : memref<128x128xf32, #tpu.memory_space<vmem>>, vector<1x16xf32>,
      %sub3A_426 = arith.constant 1 : i32
      %sub3A_427 = arith.subi %squeeze3A_306, %sub3A_426 : i32
      %get3A_428 = arith.index_cast %sub3A_427 : i32 to index
      %get3A_429 = arith.constant 32 : index
      %get3A_430 = tpu.vector_load %arg18[%get3A_428, %get3A_429] {strides = array<i32>} : memref<200x64xf32, #tpu.memory_space<vmem>>, vector<1x16xf32>,
      %get3A_431 = vector.shape_cast %get3A_430 : vector<1x16xf32> to vector<16xf32>
      %mul3A_432 = arith.mulf %get3A_431, %div3A_377 : vector<16xf32>
      %swap3A_433 = arith.index_cast %add3A_301 : i32 to index
      %swap3A_434 = arith.constant 96 : index
      %swap3A_435 = tpu.vector_load %arg19[%swap3A_433, %swap3A_434] {strides = array<i32>} : memref<128x128xf32, #tpu.memory_space<vmem>>, vector<1x16xf32>,
      %swap3A_436 = vector.shape_cast %swap3A_435 : vector<1x16xf32> to vector<16xf32>
      %swap3A_437 = vector.shape_cast %mul3A_432 : vector<16xf32> to vector<1x16xf32>
      tpu.vector_store %arg19[%swap3A_433, %swap3A_434], %swap3A_437 {strides = array<i32>} : memref<128x128xf32, #tpu.memory_space<vmem>>, vector<1x16xf32>,
      %sub3A_438 = arith.constant 1 : i32
      %sub3A_439 = arith.subi %squeeze3A_306, %sub3A_438 : i32
      %get3A_440 = arith.index_cast %sub3A_439 : i32 to index
      %get3A_441 = arith.constant 48 : index
      %get3A_442 = tpu.vector_load %arg18[%get3A_440, %get3A_441] {strides = array<i32>} : memref<200x64xf32, #tpu.memory_space<vmem>>, vector<1x16xf32>,
      %get3A_443 = vector.shape_cast %get3A_442 : vector<1x16xf32> to vector<16xf32>
      %mul3A_444 = arith.mulf %get3A_443, %div3A_377 : vector<16xf32>
      %swap3A_445 = arith.index_cast %add3A_301 : i32 to index
      %swap3A_446 = arith.constant 112 : index
      %swap3A_447 = tpu.vector_load %arg19[%swap3A_445, %swap3A_446] {strides = array<i32>} : memref<128x128xf32, #tpu.memory_space<vmem>>, vector<1x16xf32>,
      %swap3A_448 = vector.shape_cast %swap3A_447 : vector<1x16xf32> to vector<16xf32>
      %swap3A_449 = vector.shape_cast %mul3A_444 : vector<16xf32> to vector<1x16xf32>
      tpu.vector_store %arg19[%swap3A_445, %swap3A_446], %swap3A_449 {strides = array<i32>} : memref<128x128xf32, #tpu.memory_space<vmem>>, vector<1x16xf32>,
      %add3A_450 = arith.addi %mul3A_2, %add3A_301 : i32
      %dma_wait3A_451 = arith.constant 0 : i32
      %dma_wait3A_452 = arith.constant 64 : i32
      %dma_wait3A_453 = tpu.memref_slice %arg6[%dma_wait3A_451, %add3A_450, %dma_wait3A_452] : memref<200x4096x128xf32, #tpu.memory_space<hbm>> -> memref<200x1x64xf32, #tpu.memory_space<hbm>>
      %dma_wait3A_454 = tpu.memref_squeeze %dma_wait3A_453 : memref<200x1x64xf32, #tpu.memory_space<hbm>> -> memref<200x64xf32, #tpu.memory_space<hbm>>
      %dma_wait3A_455 = arith.constant 0 : i32
      %dma_wait3A_456 = arith.constant 64 : i32
      %dma_wait3A_457 = tpu.memref_slice %arg6[%dma_wait3A_455, %add3A_450, %dma_wait3A_456] : memref<200x4096x128xf32, #tpu.memory_space<hbm>> -> memref<200x1x64xf32, #tpu.memory_space<hbm>>
      %dma_wait3A_458 = tpu.memref_squeeze %dma_wait3A_457 : memref<200x1x64xf32, #tpu.memory_space<hbm>> -> memref<200x64xf32, #tpu.memory_space<hbm>>
      tpu.wait_dma2 semaphore(%arg32 : memref<!tpu.dma_semaphore, #tpu.memory_space<semaphore_mem>>) src(%arg17 : memref<200x64xf32, #tpu.memory_space<vmem>>) dst(%dma_wait3A_458 : memref<200x64xf32, #tpu.memory_space<hbm>>)
      %add3A_459 = arith.constant 1 : i32
      %add3A_460 = arith.addi %add3A_301, %add3A_459 : i32
      %lt3A_461 = arith.constant 128 : i32
      %lt3A_462 = arith.cmpi slt, %add3A_460, %lt3A_461 : i32
      %convert_element_type3A_463 = arith.extui %lt3A_462 : i1 to i32
      %cond3A_464 = arith.constant 0 : i32
      %cond3A_465 = arith.cmpi ne, %convert_element_type3A_463, %cond3A_464 : i32
      scf.if %cond3A_465 {
        %add3A_799 = arith.constant 1 : i32
        %add3A_800 = arith.addi %add3A_301, %add3A_799 : i32
        %get3A_801 = arith.index_cast %add3A_800 : i32 to index
        %get3A_802 = tpu.vector_load %arg8[%get3A_801] {strides = array<i32>} : memref<128xi32, #tpu.memory_space<vmem>>, vector<1xi32>,
        %get3A_803 = vector.shape_cast %get3A_802 : vector<1xi32> to vector<1xi32>
        %squeeze3A_804 = vector.extract %get3A_803[0] : i32 from vector<1xi32>
        %add3A_805 = arith.constant 1 : i32
        %add3A_806 = arith.addi %add3A_301, %add3A_805 : i32
        %while3A_807 = arith.constant 0 : i32
        %while3A_808 = arith.subi %squeeze3A_306, %squeeze3A_804 : i32
        %while3A_809 = arith.addi %squeeze3A_804, %while3A_808 : i32
        %while3A_810 = arith.constant 1 : i32
        %while3A_811 = arith.divsi %while3A_808, %while3A_810 : i32
        %while3A_812 = arith.muli %while3A_811, %while3A_810 : i32
        %while3A_813 = arith.addi %squeeze3A_804, %while3A_812 : i32
        %while3A_814 = arith.constant 1 : i32
        %while3A_815 = scf.for %while3A_827 = %squeeze3A_804 to %while3A_813 step %while3A_814 iter_args(%while3A_828 = %while3A_807) -> (i32)  : i32 {
          %swap3A_829 = arith.index_cast %while3A_827 : i32 to index
          %swap3A_830 = arith.constant 0 : index
          %swap3A_831 = tpu.vector_load %arg17[%swap3A_829, %swap3A_830] {strides = array<i32>} : memref<200x64xf32, #tpu.memory_space<vmem>>, vector<1x16xf32>,
          %swap3A_832 = vector.shape_cast %swap3A_831 : vector<1x16xf32> to vector<16xf32>
          %swap3A_833 = vector.shape_cast %broadcast_in_dim3A_3 : vector<16xf32> to vector<1x16xf32>
          tpu.vector_store %arg17[%swap3A_829, %swap3A_830], %swap3A_833 {strides = array<i32>} : memref<200x64xf32, #tpu.memory_space<vmem>>, vector<1x16xf32>,
          %swap3A_834 = arith.index_cast %while3A_827 : i32 to index
          %swap3A_835 = arith.constant 16 : index
          %swap3A_836 = tpu.vector_load %arg17[%swap3A_834, %swap3A_835] {strides = array<i32>} : memref<200x64xf32, #tpu.memory_space<vmem>>, vector<1x16xf32>,
          %swap3A_837 = vector.shape_cast %swap3A_836 : vector<1x16xf32> to vector<16xf32>
          %swap3A_838 = vector.shape_cast %broadcast_in_dim3A_3 : vector<16xf32> to vector<1x16xf32>
          tpu.vector_store %arg17[%swap3A_834, %swap3A_835], %swap3A_838 {strides = array<i32>} : memref<200x64xf32, #tpu.memory_space<vmem>>, vector<1x16xf32>,
          %swap3A_839 = arith.index_cast %while3A_827 : i32 to index
          %swap3A_840 = arith.constant 32 : index
          %swap3A_841 = tpu.vector_load %arg17[%swap3A_839, %swap3A_840] {strides = array<i32>} : memref<200x64xf32, #tpu.memory_space<vmem>>, vector<1x16xf32>,
          %swap3A_842 = vector.shape_cast %swap3A_841 : vector<1x16xf32> to vector<16xf32>
          %swap3A_843 = vector.shape_cast %broadcast_in_dim3A_3 : vector<16xf32> to vector<1x16xf32>
          tpu.vector_store %arg17[%swap3A_839, %swap3A_840], %swap3A_843 {strides = array<i32>} : memref<200x64xf32, #tpu.memory_space<vmem>>, vector<1x16xf32>,
          %swap3A_844 = arith.index_cast %while3A_827 : i32 to index
          %swap3A_845 = arith.constant 48 : index
          %swap3A_846 = tpu.vector_load %arg17[%swap3A_844, %swap3A_845] {strides = array<i32>} : memref<200x64xf32, #tpu.memory_space<vmem>>, vector<1x16xf32>,
          %swap3A_847 = vector.shape_cast %swap3A_846 : vector<1x16xf32> to vector<16xf32>
          %swap3A_848 = vector.shape_cast %broadcast_in_dim3A_3 : vector<16xf32> to vector<1x16xf32>
          tpu.vector_store %arg17[%swap3A_844, %swap3A_845], %swap3A_848 {strides = array<i32>} : memref<200x64xf32, #tpu.memory_space<vmem>>, vector<1x16xf32>,
          %while3A_849 = arith.constant 0 : i32
          scf.yield %while3A_849 : i32
        }
        %while3A_816 = arith.constant 1 : i32
        %while3A_817 = scf.for %while3A_827 = %while3A_813 to %while3A_809 step %while3A_816 iter_args(%while3A_828 = %while3A_815) -> (i32)  : i32 {
          %swap3A_829 = arith.index_cast %while3A_827 : i32 to index
          %swap3A_830 = arith.constant 0 : index
          %swap3A_831 = tpu.vector_load %arg17[%swap3A_829, %swap3A_830] {strides = array<i32>} : memref<200x64xf32, #tpu.memory_space<vmem>>, vector<1x16xf32>,
          %swap3A_832 = vector.shape_cast %swap3A_831 : vector<1x16xf32> to vector<16xf32>
          %swap3A_833 = vector.shape_cast %broadcast_in_dim3A_3 : vector<16xf32> to vector<1x16xf32>
          tpu.vector_store %arg17[%swap3A_829, %swap3A_830], %swap3A_833 {strides = array<i32>} : memref<200x64xf32, #tpu.memory_space<vmem>>, vector<1x16xf32>,
          %swap3A_834 = arith.index_cast %while3A_827 : i32 to index
          %swap3A_835 = arith.constant 16 : index
          %swap3A_836 = tpu.vector_load %arg17[%swap3A_834, %swap3A_835] {strides = array<i32>} : memref<200x64xf32, #tpu.memory_space<vmem>>, vector<1x16xf32>,
          %swap3A_837 = vector.shape_cast %swap3A_836 : vector<1x16xf32> to vector<16xf32>
          %swap3A_838 = vector.shape_cast %broadcast_in_dim3A_3 : vector<16xf32> to vector<1x16xf32>
          tpu.vector_store %arg17[%swap3A_834, %swap3A_835], %swap3A_838 {strides = array<i32>} : memref<200x64xf32, #tpu.memory_space<vmem>>, vector<1x16xf32>,
          %swap3A_839 = arith.index_cast %while3A_827 : i32 to index
          %swap3A_840 = arith.constant 32 : index
          %swap3A_841 = tpu.vector_load %arg17[%swap3A_839, %swap3A_840] {strides = array<i32>} : memref<200x64xf32, #tpu.memory_space<vmem>>, vector<1x16xf32>,
          %swap3A_842 = vector.shape_cast %swap3A_841 : vector<1x16xf32> to vector<16xf32>
          %swap3A_843 = vector.shape_cast %broadcast_in_dim3A_3 : vector<16xf32> to vector<1x16xf32>
          tpu.vector_store %arg17[%swap3A_839, %swap3A_840], %swap3A_843 {strides = array<i32>} : memref<200x64xf32, #tpu.memory_space<vmem>>, vector<1x16xf32>,
          %swap3A_844 = arith.index_cast %while3A_827 : i32 to index
          %swap3A_845 = arith.constant 48 : index
          %swap3A_846 = tpu.vector_load %arg17[%swap3A_844, %swap3A_845] {strides = array<i32>} : memref<200x64xf32, #tpu.memory_space<vmem>>, vector<1x16xf32>,
          %swap3A_847 = vector.shape_cast %swap3A_846 : vector<1x16xf32> to vector<16xf32>
          %swap3A_848 = vector.shape_cast %broadcast_in_dim3A_3 : vector<16xf32> to vector<1x16xf32>
          tpu.vector_store %arg17[%swap3A_844, %swap3A_845], %swap3A_848 {strides = array<i32>} : memref<200x64xf32, #tpu.memory_space<vmem>>, vector<1x16xf32>,
          %while3A_849 = arith.constant 0 : i32
          scf.yield %while3A_849 : i32
        }
        %add3A_818 = arith.addi %mul3A_2, %add3A_806 : i32
        %dma_start3A_819 = arith.constant 0 : i32
        %dma_start3A_820 = arith.constant 64 : i32
        %dma_start3A_821 = tpu.memref_slice %arg6[%dma_start3A_819, %add3A_818, %dma_start3A_820] : memref<200x4096x128xf32, #tpu.memory_space<hbm>> -> memref<200x1x64xf32, #tpu.memory_space<hbm>>
        %dma_start3A_822 = tpu.memref_squeeze %dma_start3A_821 : memref<200x1x64xf32, #tpu.memory_space<hbm>> -> memref<200x64xf32, #tpu.memory_space<hbm>>
        %dma_start3A_823 = arith.constant 0 : i32
        %dma_start3A_824 = arith.constant 64 : i32
        %dma_start3A_825 = tpu.memref_slice %arg6[%dma_start3A_823, %add3A_818, %dma_start3A_824] : memref<200x4096x128xf32, #tpu.memory_space<hbm>> -> memref<200x1x64xf32, #tpu.memory_space<hbm>>
        %dma_start3A_826 = tpu.memref_squeeze %dma_start3A_825 : memref<200x1x64xf32, #tpu.memory_space<hbm>> -> memref<200x64xf32, #tpu.memory_space<hbm>>
        tpu.enqueue_dma source(%arg17 : memref<200x64xf32, #tpu.memory_space<vmem>>) target(%dma_start3A_826 : memref<200x64xf32, #tpu.memory_space<hbm>>) target_semaphore(%arg32 : memref<!tpu.dma_semaphore, #tpu.memory_space<semaphore_mem>>)
      } else {
      }
      %add3A_466 = arith.constant 2 : i32
      %add3A_467 = arith.addi %mul3A_140, %add3A_466 : i32
      %add3A_468 = arith.addi %mul3A_2, %add3A_467 : i32
      %get3A_469 = arith.index_cast %add3A_467 : i32 to index
      %get3A_470 = tpu.vector_load %arg8[%get3A_469] {strides = array<i32>} : memref<128xi32, #tpu.memory_space<vmem>>, vector<1xi32>,
      %get3A_471 = vector.shape_cast %get3A_470 : vector<1xi32> to vector<1xi32>
      %squeeze3A_472 = vector.extract %get3A_471[0] : i32 from vector<1xi32>
      %ge3A_473 = arith.constant 2 : i32
      %ge3A_474 = arith.cmpi sge, %add3A_467, %ge3A_473 : i32
      %convert_element_type3A_475 = arith.extui %ge3A_474 : i1 to i32
      %cond3A_476 = arith.constant 0 : i32
      %cond3A_477 = arith.cmpi ne, %convert_element_type3A_475, %cond3A_476 : i32
      scf.if %cond3A_477 {
        %sub3A_799 = arith.constant 2 : i32
        %sub3A_800 = arith.subi %add3A_467, %sub3A_799 : i32
        %add3A_801 = arith.addi %mul3A_2, %sub3A_800 : i32
        %dma_wait3A_802 = arith.constant 0 : i32
        %dma_wait3A_803 = arith.constant 0 : i32
        %dma_wait3A_804 = tpu.memref_slice %arg6[%dma_wait3A_802, %add3A_801, %dma_wait3A_803] : memref<200x4096x128xf32, #tpu.memory_space<hbm>> -> memref<200x1x64xf32, #tpu.memory_space<hbm>>
        %dma_wait3A_805 = tpu.memref_squeeze %dma_wait3A_804 : memref<200x1x64xf32, #tpu.memory_space<hbm>> -> memref<200x64xf32, #tpu.memory_space<hbm>>
        %dma_wait3A_806 = arith.constant 0 : i32
        %dma_wait3A_807 = arith.constant 0 : i32
        %dma_wait3A_808 = tpu.memref_slice %arg6[%dma_wait3A_806, %add3A_801, %dma_wait3A_807] : memref<200x4096x128xf32, #tpu.memory_space<hbm>> -> memref<200x1x64xf32, #tpu.memory_space<hbm>>
        %dma_wait3A_809 = tpu.memref_squeeze %dma_wait3A_808 : memref<200x1x64xf32, #tpu.memory_space<hbm>> -> memref<200x64xf32, #tpu.memory_space<hbm>>
        tpu.wait_dma2 semaphore(%arg28 : memref<!tpu.dma_semaphore, #tpu.memory_space<semaphore_mem>>) src(%arg13 : memref<200x64xf32, #tpu.memory_space<vmem>>) dst(%dma_wait3A_809 : memref<200x64xf32, #tpu.memory_space<hbm>>)
      } else {
      }
      %add3A_478 = arith.constant 2 : i32
      %add3A_479 = arith.addi %add3A_467, %add3A_478 : i32
      %lt3A_480 = arith.constant 128 : i32
      %lt3A_481 = arith.cmpi slt, %add3A_479, %lt3A_480 : i32
      %convert_element_type3A_482 = arith.extui %lt3A_481 : i1 to i32
      %cond3A_483 = arith.constant 0 : i32
      %cond3A_484 = arith.cmpi ne, %convert_element_type3A_482, %cond3A_483 : i32
      scf.if %cond3A_484 {
        %add3A_799 = arith.constant 2 : i32
        %add3A_800 = arith.addi %add3A_467, %add3A_799 : i32
        %add3A_801 = arith.addi %mul3A_2, %add3A_800 : i32
        %dma_wait3A_802 = arith.constant 0 : i32
        %dma_wait3A_803 = tpu.memref_slice %arg2[%add3A_801, %dma_wait3A_802] : memref<4096x200xi32, #tpu.memory_space<hbm>> -> memref<1x200xi32, #tpu.memory_space<hbm>>
        %dma_wait3A_804 = tpu.memref_squeeze %dma_wait3A_803 : memref<1x200xi32, #tpu.memory_space<hbm>> -> memref<200xi32, #tpu.memory_space<hbm>>
        %dma_wait3A_805 = arith.constant 0 : i32
        %dma_wait3A_806 = tpu.memref_slice %arg2[%add3A_801, %dma_wait3A_805] : memref<4096x200xi32, #tpu.memory_space<hbm>> -> memref<1x200xi32, #tpu.memory_space<hbm>>
        %dma_wait3A_807 = tpu.memref_squeeze %dma_wait3A_806 : memref<1x200xi32, #tpu.memory_space<hbm>> -> memref<200xi32, #tpu.memory_space<hbm>>
        tpu.wait_dma2 semaphore(%arg20 : memref<!tpu.dma_semaphore, #tpu.memory_space<semaphore_mem>>) src(%dma_wait3A_807 : memref<200xi32, #tpu.memory_space<hbm>>) dst(%arg9 : memref<200xi32, #tpu.memory_space<vmem>>)
        %dma_start3A_808 = arith.constant 0 : i32
        %dma_start3A_809 = arith.constant 0 : i32
        %dma_start3A_810 = tpu.memref_slice %arg13[%dma_start3A_808, %dma_start3A_809] : memref<200x64xf32, #tpu.memory_space<vmem>> -> memref<104x64xf32, #tpu.memory_space<vmem>>
        %dma_start3A_811 = arith.constant 0 : i32
        %dma_start3A_812 = tpu.memref_slice %arg9[%dma_start3A_811] : memref<200xi32, #tpu.memory_space<vmem>> -> memref<104xi32, #tpu.memory_space<vmem>>
        %dma_start3A_813 = arith.constant 0 : i32
        %dma_start3A_814 = arith.constant 0 : i32
        %dma_start3A_815 = tpu.memref_slice %arg4[%dma_start3A_813, %dma_start3A_814] : memref<1000000x64xf32, #tpu.memory_space<hbm>> -> memref<1000000x64xf32, #tpu.memory_space<hbm>>
        tpu.enqueue_indirect_dma source(%dma_start3A_815 : memref<1000000x64xf32, #tpu.memory_space<hbm>>) target(%dma_start3A_810 : memref<104x64xf32, #tpu.memory_space<vmem>>) offsets(%dma_start3A_812 : memref<104xi32, #tpu.memory_space<vmem>>) semaphore(%arg24 : memref<!tpu.dma_semaphore, #tpu.memory_space<semaphore_mem>>)
        %dma_start3A_816 = arith.constant 104 : i32
        %dma_start3A_817 = arith.constant 0 : i32
        %dma_start3A_818 = tpu.memref_slice %arg13[%dma_start3A_816, %dma_start3A_817] : memref<200x64xf32, #tpu.memory_space<vmem>> -> memref<96x64xf32, #tpu.memory_space<vmem>>
        %dma_start3A_819 = arith.constant 104 : i32
        %dma_start3A_820 = tpu.memref_slice %arg9[%dma_start3A_819] : memref<200xi32, #tpu.memory_space<vmem>> -> memref<96xi32, #tpu.memory_space<vmem>>
        %dma_start3A_821 = arith.constant 0 : i32
        %dma_start3A_822 = arith.constant 0 : i32
        %dma_start3A_823 = tpu.memref_slice %arg4[%dma_start3A_821, %dma_start3A_822] : memref<1000000x64xf32, #tpu.memory_space<hbm>> -> memref<1000000x64xf32, #tpu.memory_space<hbm>>
        tpu.enqueue_indirect_dma source(%dma_start3A_823 : memref<1000000x64xf32, #tpu.memory_space<hbm>>) target(%dma_start3A_818 : memref<96x64xf32, #tpu.memory_space<vmem>>) offsets(%dma_start3A_820 : memref<96xi32, #tpu.memory_space<vmem>>) semaphore(%arg24 : memref<!tpu.dma_semaphore, #tpu.memory_space<semaphore_mem>>)
      } else {
      }
      %dma_wait3A_485 = arith.constant 0 : i32
      %dma_wait3A_486 = arith.constant 0 : i32
      %dma_wait3A_487 = tpu.memref_slice %arg15[%dma_wait3A_485, %dma_wait3A_486] : memref<200x64xf32, #tpu.memory_space<vmem>> -> memref<104x64xf32, #tpu.memory_space<vmem>>
      %dma_wait3A_488 = arith.constant 0 : i32
      %dma_wait3A_489 = tpu.memref_slice %arg11[%dma_wait3A_488] : memref<200xi32, #tpu.memory_space<vmem>> -> memref<104xi32, #tpu.memory_space<vmem>>
      %dma_wait3A_490 = arith.constant 0 : i32
      %dma_wait3A_491 = arith.constant 0 : i32
      %dma_wait3A_492 = tpu.memref_slice %arg4[%dma_wait3A_490, %dma_wait3A_491] : memref<1000000x64xf32, #tpu.memory_space<hbm>> -> memref<1000000x64xf32, #tpu.memory_space<hbm>>
      tpu.wait_indirect_dma semaphore(%arg26 : memref<!tpu.dma_semaphore, #tpu.memory_space<semaphore_mem>>) src(%dma_wait3A_492 : memref<1000000x64xf32, #tpu.memory_space<hbm>>) dst(%dma_wait3A_487 : memref<104x64xf32, #tpu.memory_space<vmem>>)
      %dma_wait3A_493 = arith.constant 104 : i32
      %dma_wait3A_494 = arith.constant 0 : i32
      %dma_wait3A_495 = tpu.memref_slice %arg15[%dma_wait3A_493, %dma_wait3A_494] : memref<200x64xf32, #tpu.memory_space<vmem>> -> memref<96x64xf32, #tpu.memory_space<vmem>>
      %dma_wait3A_496 = arith.constant 104 : i32
      %dma_wait3A_497 = tpu.memref_slice %arg11[%dma_wait3A_496] : memref<200xi32, #tpu.memory_space<vmem>> -> memref<96xi32, #tpu.memory_space<vmem>>
      %dma_wait3A_498 = arith.constant 0 : i32
      %dma_wait3A_499 = arith.constant 0 : i32
      %dma_wait3A_500 = tpu.memref_slice %arg4[%dma_wait3A_498, %dma_wait3A_499] : memref<1000000x64xf32, #tpu.memory_space<hbm>> -> memref<1000000x64xf32, #tpu.memory_space<hbm>>
      tpu.wait_indirect_dma semaphore(%arg26 : memref<!tpu.dma_semaphore, #tpu.memory_space<semaphore_mem>>) src(%dma_wait3A_500 : memref<1000000x64xf32, #tpu.memory_space<hbm>>) dst(%dma_wait3A_495 : memref<96x64xf32, #tpu.memory_space<vmem>>)
      %add3A_501 = arith.constant 4 : i32
      %add3A_502 = arith.addi %add3A_467, %add3A_501 : i32
      %lt3A_503 = arith.constant 128 : i32
      %lt3A_504 = arith.cmpi slt, %add3A_502, %lt3A_503 : i32
      %convert_element_type3A_505 = arith.extui %lt3A_504 : i1 to i32
      %cond3A_506 = arith.constant 0 : i32
      %cond3A_507 = arith.cmpi ne, %convert_element_type3A_505, %cond3A_506 : i32
      scf.if %cond3A_507 {
        %add3A_799 = arith.constant 4 : i32
        %add3A_800 = arith.addi %add3A_467, %add3A_799 : i32
        %add3A_801 = arith.addi %mul3A_2, %add3A_800 : i32
        %dma_start3A_802 = arith.constant 0 : i32
        %dma_start3A_803 = tpu.memref_slice %arg2[%add3A_801, %dma_start3A_802] : memref<4096x200xi32, #tpu.memory_space<hbm>> -> memref<1x200xi32, #tpu.memory_space<hbm>>
        %dma_start3A_804 = tpu.memref_squeeze %dma_start3A_803 : memref<1x200xi32, #tpu.memory_space<hbm>> -> memref<200xi32, #tpu.memory_space<hbm>>
        %dma_start3A_805 = arith.constant 0 : i32
        %dma_start3A_806 = tpu.memref_slice %arg2[%add3A_801, %dma_start3A_805] : memref<4096x200xi32, #tpu.memory_space<hbm>> -> memref<1x200xi32, #tpu.memory_space<hbm>>
        %dma_start3A_807 = tpu.memref_squeeze %dma_start3A_806 : memref<1x200xi32, #tpu.memory_space<hbm>> -> memref<200xi32, #tpu.memory_space<hbm>>
        tpu.enqueue_dma source(%dma_start3A_807 : memref<200xi32, #tpu.memory_space<hbm>>) target(%arg11 : memref<200xi32, #tpu.memory_space<vmem>>) target_semaphore(%arg22 : memref<!tpu.dma_semaphore, #tpu.memory_space<semaphore_mem>>)
      } else {
      }
      %while3A_508 = arith.constant 0 : i32
      %while3A_509 = arith.subi %squeeze3A_472, %while3A_508 : i32
      %while3A_510 = arith.addi %while3A_508, %while3A_509 : i32
      %while3A_511 = arith.constant 1 : i32
      %while3A_512 = arith.divsi %while3A_509, %while3A_511 : i32
      %while3A_513 = arith.muli %while3A_512, %while3A_511 : i32
      %while3A_514 = arith.addi %while3A_508, %while3A_513 : i32
      %while3A_515 = arith.constant 1 : i32
      %while3A_516:4 = scf.for %while3A_799 = %while3A_508 to %while3A_514 step %while3A_515 iter_args(%while3A_800 = %broadcast_in_dim3A_3, %while3A_801 = %broadcast_in_dim3A_3, %while3A_802 = %broadcast_in_dim3A_3, %while3A_803 = %broadcast_in_dim3A_3) -> (vector<16xf32>, vector<16xf32>, vector<16xf32>, vector<16xf32>)  : i32 {
        %get3A_804 = arith.index_cast %while3A_799 : i32 to index
        %get3A_805 = arith.constant 0 : index
        %get3A_806 = tpu.vector_load %arg15[%get3A_804, %get3A_805] {strides = array<i32>} : memref<200x64xf32, #tpu.memory_space<vmem>>, vector<1x16xf32>,
        %get3A_807 = vector.shape_cast %get3A_806 : vector<1x16xf32> to vector<16xf32>
        %add3A_808 = arith.addf %while3A_800, %get3A_807 : vector<16xf32>
        %get3A_809 = arith.index_cast %while3A_799 : i32 to index
        %get3A_810 = arith.constant 16 : index
        %get3A_811 = tpu.vector_load %arg15[%get3A_809, %get3A_810] {strides = array<i32>} : memref<200x64xf32, #tpu.memory_space<vmem>>, vector<1x16xf32>,
        %get3A_812 = vector.shape_cast %get3A_811 : vector<1x16xf32> to vector<16xf32>
        %add3A_813 = arith.addf %while3A_801, %get3A_812 : vector<16xf32>
        %get3A_814 = arith.index_cast %while3A_799 : i32 to index
        %get3A_815 = arith.constant 32 : index
        %get3A_816 = tpu.vector_load %arg15[%get3A_814, %get3A_815] {strides = array<i32>} : memref<200x64xf32, #tpu.memory_space<vmem>>, vector<1x16xf32>,
        %get3A_817 = vector.shape_cast %get3A_816 : vector<1x16xf32> to vector<16xf32>
        %add3A_818 = arith.addf %while3A_802, %get3A_817 : vector<16xf32>
        %get3A_819 = arith.index_cast %while3A_799 : i32 to index
        %get3A_820 = arith.constant 48 : index
        %get3A_821 = tpu.vector_load %arg15[%get3A_819, %get3A_820] {strides = array<i32>} : memref<200x64xf32, #tpu.memory_space<vmem>>, vector<1x16xf32>,
        %get3A_822 = vector.shape_cast %get3A_821 : vector<1x16xf32> to vector<16xf32>
        %add3A_823 = arith.addf %while3A_803, %get3A_822 : vector<16xf32>
        scf.yield %add3A_808, %add3A_813, %add3A_818, %add3A_823 : vector<16xf32>, vector<16xf32>, vector<16xf32>, vector<16xf32>
      }
      %while3A_517 = arith.constant 1 : i32
      %while3A_518:4 = scf.for %while3A_799 = %while3A_514 to %while3A_510 step %while3A_517 iter_args(%while3A_800 = %while3A_516#0, %while3A_801 = %while3A_516#1, %while3A_802 = %while3A_516#2, %while3A_803 = %while3A_516#3) -> (vector<16xf32>, vector<16xf32>, vector<16xf32>, vector<16xf32>)  : i32 {
        %get3A_804 = arith.index_cast %while3A_799 : i32 to index
        %get3A_805 = arith.constant 0 : index
        %get3A_806 = tpu.vector_load %arg15[%get3A_804, %get3A_805] {strides = array<i32>} : memref<200x64xf32, #tpu.memory_space<vmem>>, vector<1x16xf32>,
        %get3A_807 = vector.shape_cast %get3A_806 : vector<1x16xf32> to vector<16xf32>
        %add3A_808 = arith.addf %while3A_800, %get3A_807 : vector<16xf32>
        %get3A_809 = arith.index_cast %while3A_799 : i32 to index
        %get3A_810 = arith.constant 16 : index
        %get3A_811 = tpu.vector_load %arg15[%get3A_809, %get3A_810] {strides = array<i32>} : memref<200x64xf32, #tpu.memory_space<vmem>>, vector<1x16xf32>,
        %get3A_812 = vector.shape_cast %get3A_811 : vector<1x16xf32> to vector<16xf32>
        %add3A_813 = arith.addf %while3A_801, %get3A_812 : vector<16xf32>
        %get3A_814 = arith.index_cast %while3A_799 : i32 to index
        %get3A_815 = arith.constant 32 : index
        %get3A_816 = tpu.vector_load %arg15[%get3A_814, %get3A_815] {strides = array<i32>} : memref<200x64xf32, #tpu.memory_space<vmem>>, vector<1x16xf32>,
        %get3A_817 = vector.shape_cast %get3A_816 : vector<1x16xf32> to vector<16xf32>
        %add3A_818 = arith.addf %while3A_802, %get3A_817 : vector<16xf32>
        %get3A_819 = arith.index_cast %while3A_799 : i32 to index
        %get3A_820 = arith.constant 48 : index
        %get3A_821 = tpu.vector_load %arg15[%get3A_819, %get3A_820] {strides = array<i32>} : memref<200x64xf32, #tpu.memory_space<vmem>>, vector<1x16xf32>,
        %get3A_822 = vector.shape_cast %get3A_821 : vector<1x16xf32> to vector<16xf32>
        %add3A_823 = arith.addf %while3A_803, %get3A_822 : vector<16xf32>
        scf.yield %add3A_808, %add3A_813, %add3A_818, %add3A_823 : vector<16xf32>, vector<16xf32>, vector<16xf32>, vector<16xf32>
      }
      %while3A_519 = arith.constant 200 : i32
      %while3A_520 = arith.constant 0 : i32
      %while3A_521 = arith.subi %while3A_519, %squeeze3A_472 : i32
      %while3A_522 = arith.addi %squeeze3A_472, %while3A_521 : i32
      %while3A_523 = arith.constant 1 : i32
      %while3A_524 = arith.divsi %while3A_521, %while3A_523 : i32
      %while3A_525 = arith.muli %while3A_524, %while3A_523 : i32
      %while3A_526 = arith.addi %squeeze3A_472, %while3A_525 : i32
      %while3A_527 = arith.constant 1 : i32
      %while3A_528 = scf.for %while3A_799 = %squeeze3A_472 to %while3A_526 step %while3A_527 iter_args(%while3A_800 = %while3A_520) -> (i32)  : i32 {
        %swap3A_801 = arith.index_cast %while3A_799 : i32 to index
        %swap3A_802 = arith.constant 0 : index
        %swap3A_803 = tpu.vector_load %arg15[%swap3A_801, %swap3A_802] {strides = array<i32>} : memref<200x64xf32, #tpu.memory_space<vmem>>, vector<1x16xf32>,
        %swap3A_804 = vector.shape_cast %swap3A_803 : vector<1x16xf32> to vector<16xf32>
        %swap3A_805 = vector.shape_cast %broadcast_in_dim3A_3 : vector<16xf32> to vector<1x16xf32>
        tpu.vector_store %arg15[%swap3A_801, %swap3A_802], %swap3A_805 {strides = array<i32>} : memref<200x64xf32, #tpu.memory_space<vmem>>, vector<1x16xf32>,
        %swap3A_806 = arith.index_cast %while3A_799 : i32 to index
        %swap3A_807 = arith.constant 16 : index
        %swap3A_808 = tpu.vector_load %arg15[%swap3A_806, %swap3A_807] {strides = array<i32>} : memref<200x64xf32, #tpu.memory_space<vmem>>, vector<1x16xf32>,
        %swap3A_809 = vector.shape_cast %swap3A_808 : vector<1x16xf32> to vector<16xf32>
        %swap3A_810 = vector.shape_cast %broadcast_in_dim3A_3 : vector<16xf32> to vector<1x16xf32>
        tpu.vector_store %arg15[%swap3A_806, %swap3A_807], %swap3A_810 {strides = array<i32>} : memref<200x64xf32, #tpu.memory_space<vmem>>, vector<1x16xf32>,
        %swap3A_811 = arith.index_cast %while3A_799 : i32 to index
        %swap3A_812 = arith.constant 32 : index
        %swap3A_813 = tpu.vector_load %arg15[%swap3A_811, %swap3A_812] {strides = array<i32>} : memref<200x64xf32, #tpu.memory_space<vmem>>, vector<1x16xf32>,
        %swap3A_814 = vector.shape_cast %swap3A_813 : vector<1x16xf32> to vector<16xf32>
        %swap3A_815 = vector.shape_cast %broadcast_in_dim3A_3 : vector<16xf32> to vector<1x16xf32>
        tpu.vector_store %arg15[%swap3A_811, %swap3A_812], %swap3A_815 {strides = array<i32>} : memref<200x64xf32, #tpu.memory_space<vmem>>, vector<1x16xf32>,
        %swap3A_816 = arith.index_cast %while3A_799 : i32 to index
        %swap3A_817 = arith.constant 48 : index
        %swap3A_818 = tpu.vector_load %arg15[%swap3A_816, %swap3A_817] {strides = array<i32>} : memref<200x64xf32, #tpu.memory_space<vmem>>, vector<1x16xf32>,
        %swap3A_819 = vector.shape_cast %swap3A_818 : vector<1x16xf32> to vector<16xf32>
        %swap3A_820 = vector.shape_cast %broadcast_in_dim3A_3 : vector<16xf32> to vector<1x16xf32>
        tpu.vector_store %arg15[%swap3A_816, %swap3A_817], %swap3A_820 {strides = array<i32>} : memref<200x64xf32, #tpu.memory_space<vmem>>, vector<1x16xf32>,
        %while3A_821 = arith.constant 0 : i32
        scf.yield %while3A_821 : i32
      }
      %while3A_529 = arith.constant 1 : i32
      %while3A_530 = scf.for %while3A_799 = %while3A_526 to %while3A_522 step %while3A_529 iter_args(%while3A_800 = %while3A_528) -> (i32)  : i32 {
        %swap3A_801 = arith.index_cast %while3A_799 : i32 to index
        %swap3A_802 = arith.constant 0 : index
        %swap3A_803 = tpu.vector_load %arg15[%swap3A_801, %swap3A_802] {strides = array<i32>} : memref<200x64xf32, #tpu.memory_space<vmem>>, vector<1x16xf32>,
        %swap3A_804 = vector.shape_cast %swap3A_803 : vector<1x16xf32> to vector<16xf32>
        %swap3A_805 = vector.shape_cast %broadcast_in_dim3A_3 : vector<16xf32> to vector<1x16xf32>
        tpu.vector_store %arg15[%swap3A_801, %swap3A_802], %swap3A_805 {strides = array<i32>} : memref<200x64xf32, #tpu.memory_space<vmem>>, vector<1x16xf32>,
        %swap3A_806 = arith.index_cast %while3A_799 : i32 to index
        %swap3A_807 = arith.constant 16 : index
        %swap3A_808 = tpu.vector_load %arg15[%swap3A_806, %swap3A_807] {strides = array<i32>} : memref<200x64xf32, #tpu.memory_space<vmem>>, vector<1x16xf32>,
        %swap3A_809 = vector.shape_cast %swap3A_808 : vector<1x16xf32> to vector<16xf32>
        %swap3A_810 = vector.shape_cast %broadcast_in_dim3A_3 : vector<16xf32> to vector<1x16xf32>
        tpu.vector_store %arg15[%swap3A_806, %swap3A_807], %swap3A_810 {strides = array<i32>} : memref<200x64xf32, #tpu.memory_space<vmem>>, vector<1x16xf32>,
        %swap3A_811 = arith.index_cast %while3A_799 : i32 to index
        %swap3A_812 = arith.constant 32 : index
        %swap3A_813 = tpu.vector_load %arg15[%swap3A_811, %swap3A_812] {strides = array<i32>} : memref<200x64xf32, #tpu.memory_space<vmem>>, vector<1x16xf32>,
        %swap3A_814 = vector.shape_cast %swap3A_813 : vector<1x16xf32> to vector<16xf32>
        %swap3A_815 = vector.shape_cast %broadcast_in_dim3A_3 : vector<16xf32> to vector<1x16xf32>
        tpu.vector_store %arg15[%swap3A_811, %swap3A_812], %swap3A_815 {strides = array<i32>} : memref<200x64xf32, #tpu.memory_space<vmem>>, vector<1x16xf32>,
        %swap3A_816 = arith.index_cast %while3A_799 : i32 to index
        %swap3A_817 = arith.constant 48 : index
        %swap3A_818 = tpu.vector_load %arg15[%swap3A_816, %swap3A_817] {strides = array<i32>} : memref<200x64xf32, #tpu.memory_space<vmem>>, vector<1x16xf32>,
        %swap3A_819 = vector.shape_cast %swap3A_818 : vector<1x16xf32> to vector<16xf32>
        %swap3A_820 = vector.shape_cast %broadcast_in_dim3A_3 : vector<16xf32> to vector<1x16xf32>
        tpu.vector_store %arg15[%swap3A_816, %swap3A_817], %swap3A_820 {strides = array<i32>} : memref<200x64xf32, #tpu.memory_space<vmem>>, vector<1x16xf32>,
        %while3A_821 = arith.constant 0 : i32
        scf.yield %while3A_821 : i32
      }
      %dma_start3A_531 = arith.constant 0 : i32
      %dma_start3A_532 = arith.constant 0 : i32
      %dma_start3A_533 = tpu.memref_slice %arg6[%dma_start3A_531, %add3A_468, %dma_start3A_532] : memref<200x4096x128xf32, #tpu.memory_space<hbm>> -> memref<200x1x64xf32, #tpu.memory_space<hbm>>
      %dma_start3A_534 = tpu.memref_squeeze %dma_start3A_533 : memref<200x1x64xf32, #tpu.memory_space<hbm>> -> memref<200x64xf32, #tpu.memory_space<hbm>>
      %dma_start3A_535 = arith.constant 0 : i32
      %dma_start3A_536 = arith.constant 0 : i32
      %dma_start3A_537 = tpu.memref_slice %arg6[%dma_start3A_535, %add3A_468, %dma_start3A_536] : memref<200x4096x128xf32, #tpu.memory_space<hbm>> -> memref<200x1x64xf32, #tpu.memory_space<hbm>>
      %dma_start3A_538 = tpu.memref_squeeze %dma_start3A_537 : memref<200x1x64xf32, #tpu.memory_space<hbm>> -> memref<200x64xf32, #tpu.memory_space<hbm>>
      tpu.enqueue_dma source(%arg15 : memref<200x64xf32, #tpu.memory_space<vmem>>) target(%dma_start3A_538 : memref<200x64xf32, #tpu.memory_space<hbm>>) target_semaphore(%arg30 : memref<!tpu.dma_semaphore, #tpu.memory_space<semaphore_mem>>)
      %broadcast_in_dim3A_539 = arith.constant 1.000000e+00 : f32
      %broadcast_in_dim3A_540 = vector.broadcast %broadcast_in_dim3A_539 : f32 to vector<16xf32>
      %convert_element_type3A_541 = arith.sitofp %squeeze3A_472 : i32 to f32
      %div3A_542 = vector.broadcast %convert_element_type3A_541 : f32 to vector<16xf32>
      %div3A_543 = arith.divf %broadcast_in_dim3A_540, %div3A_542 : vector<16xf32>
      %mul3A_544 = arith.mulf %while3A_518#0, %div3A_543 : vector<16xf32>
      %swap3A_545 = arith.index_cast %add3A_467 : i32 to index
      %swap3A_546 = arith.constant 0 : index
      %swap3A_547 = tpu.vector_load %arg19[%swap3A_545, %swap3A_546] {strides = array<i32>} : memref<128x128xf32, #tpu.memory_space<vmem>>, vector<1x16xf32>,
      %swap3A_548 = vector.shape_cast %swap3A_547 : vector<1x16xf32> to vector<16xf32>
      %swap3A_549 = vector.shape_cast %mul3A_544 : vector<16xf32> to vector<1x16xf32>
      tpu.vector_store %arg19[%swap3A_545, %swap3A_546], %swap3A_549 {strides = array<i32>} : memref<128x128xf32, #tpu.memory_space<vmem>>, vector<1x16xf32>,
      %mul3A_550 = arith.mulf %while3A_518#1, %div3A_543 : vector<16xf32>
      %swap3A_551 = arith.index_cast %add3A_467 : i32 to index
      %swap3A_552 = arith.constant 16 : index
      %swap3A_553 = tpu.vector_load %arg19[%swap3A_551, %swap3A_552] {strides = array<i32>} : memref<128x128xf32, #tpu.memory_space<vmem>>, vector<1x16xf32>,
      %swap3A_554 = vector.shape_cast %swap3A_553 : vector<1x16xf32> to vector<16xf32>
      %swap3A_555 = vector.shape_cast %mul3A_550 : vector<16xf32> to vector<1x16xf32>
      tpu.vector_store %arg19[%swap3A_551, %swap3A_552], %swap3A_555 {strides = array<i32>} : memref<128x128xf32, #tpu.memory_space<vmem>>, vector<1x16xf32>,
      %mul3A_556 = arith.mulf %while3A_518#2, %div3A_543 : vector<16xf32>
      %swap3A_557 = arith.index_cast %add3A_467 : i32 to index
      %swap3A_558 = arith.constant 32 : index
      %swap3A_559 = tpu.vector_load %arg19[%swap3A_557, %swap3A_558] {strides = array<i32>} : memref<128x128xf32, #tpu.memory_space<vmem>>, vector<1x16xf32>,
      %swap3A_560 = vector.shape_cast %swap3A_559 : vector<1x16xf32> to vector<16xf32>
      %swap3A_561 = vector.shape_cast %mul3A_556 : vector<16xf32> to vector<1x16xf32>
      tpu.vector_store %arg19[%swap3A_557, %swap3A_558], %swap3A_561 {strides = array<i32>} : memref<128x128xf32, #tpu.memory_space<vmem>>, vector<1x16xf32>,
      %mul3A_562 = arith.mulf %while3A_518#3, %div3A_543 : vector<16xf32>
      %swap3A_563 = arith.index_cast %add3A_467 : i32 to index
      %swap3A_564 = arith.constant 48 : index
      %swap3A_565 = tpu.vector_load %arg19[%swap3A_563, %swap3A_564] {strides = array<i32>} : memref<128x128xf32, #tpu.memory_space<vmem>>, vector<1x16xf32>,
      %swap3A_566 = vector.shape_cast %swap3A_565 : vector<1x16xf32> to vector<16xf32>
      %swap3A_567 = vector.shape_cast %mul3A_562 : vector<16xf32> to vector<1x16xf32>
      tpu.vector_store %arg19[%swap3A_563, %swap3A_564], %swap3A_567 {strides = array<i32>} : memref<128x128xf32, #tpu.memory_space<vmem>>, vector<1x16xf32>,
      %sub3A_568 = arith.constant 1 : i32
      %sub3A_569 = arith.subi %squeeze3A_472, %sub3A_568 : i32
      %get3A_570 = arith.index_cast %sub3A_569 : i32 to index
      %get3A_571 = arith.constant 0 : index
      %get3A_572 = tpu.vector_load %arg18[%get3A_570, %get3A_571] {strides = array<i32>} : memref<200x64xf32, #tpu.memory_space<vmem>>, vector<1x16xf32>,
      %get3A_573 = vector.shape_cast %get3A_572 : vector<1x16xf32> to vector<16xf32>
      %mul3A_574 = arith.mulf %get3A_573, %div3A_543 : vector<16xf32>
      %swap3A_575 = arith.index_cast %add3A_467 : i32 to index
      %swap3A_576 = arith.constant 64 : index
      %swap3A_577 = tpu.vector_load %arg19[%swap3A_575, %swap3A_576] {strides = array<i32>} : memref<128x128xf32, #tpu.memory_space<vmem>>, vector<1x16xf32>,
      %swap3A_578 = vector.shape_cast %swap3A_577 : vector<1x16xf32> to vector<16xf32>
      %swap3A_579 = vector.shape_cast %mul3A_574 : vector<16xf32> to vector<1x16xf32>
      tpu.vector_store %arg19[%swap3A_575, %swap3A_576], %swap3A_579 {strides = array<i32>} : memref<128x128xf32, #tpu.memory_space<vmem>>, vector<1x16xf32>,
      %sub3A_580 = arith.constant 1 : i32
      %sub3A_581 = arith.subi %squeeze3A_472, %sub3A_580 : i32
      %get3A_582 = arith.index_cast %sub3A_581 : i32 to index
      %get3A_583 = arith.constant 16 : index
      %get3A_584 = tpu.vector_load %arg18[%get3A_582, %get3A_583] {strides = array<i32>} : memref<200x64xf32, #tpu.memory_space<vmem>>, vector<1x16xf32>,
      %get3A_585 = vector.shape_cast %get3A_584 : vector<1x16xf32> to vector<16xf32>
      %mul3A_586 = arith.mulf %get3A_585, %div3A_543 : vector<16xf32>
      %swap3A_587 = arith.index_cast %add3A_467 : i32 to index
      %swap3A_588 = arith.constant 80 : index
      %swap3A_589 = tpu.vector_load %arg19[%swap3A_587, %swap3A_588] {strides = array<i32>} : memref<128x128xf32, #tpu.memory_space<vmem>>, vector<1x16xf32>,
      %swap3A_590 = vector.shape_cast %swap3A_589 : vector<1x16xf32> to vector<16xf32>
      %swap3A_591 = vector.shape_cast %mul3A_586 : vector<16xf32> to vector<1x16xf32>
      tpu.vector_store %arg19[%swap3A_587, %swap3A_588], %swap3A_591 {strides = array<i32>} : memref<128x128xf32, #tpu.memory_space<vmem>>, vector<1x16xf32>,
      %sub3A_592 = arith.constant 1 : i32
      %sub3A_593 = arith.subi %squeeze3A_472, %sub3A_592 : i32
      %get3A_594 = arith.index_cast %sub3A_593 : i32 to index
      %get3A_595 = arith.constant 32 : index
      %get3A_596 = tpu.vector_load %arg18[%get3A_594, %get3A_595] {strides = array<i32>} : memref<200x64xf32, #tpu.memory_space<vmem>>, vector<1x16xf32>,
      %get3A_597 = vector.shape_cast %get3A_596 : vector<1x16xf32> to vector<16xf32>
      %mul3A_598 = arith.mulf %get3A_597, %div3A_543 : vector<16xf32>
      %swap3A_599 = arith.index_cast %add3A_467 : i32 to index
      %swap3A_600 = arith.constant 96 : index
      %swap3A_601 = tpu.vector_load %arg19[%swap3A_599, %swap3A_600] {strides = array<i32>} : memref<128x128xf32, #tpu.memory_space<vmem>>, vector<1x16xf32>,
      %swap3A_602 = vector.shape_cast %swap3A_601 : vector<1x16xf32> to vector<16xf32>
      %swap3A_603 = vector.shape_cast %mul3A_598 : vector<16xf32> to vector<1x16xf32>
      tpu.vector_store %arg19[%swap3A_599, %swap3A_600], %swap3A_603 {strides = array<i32>} : memref<128x128xf32, #tpu.memory_space<vmem>>, vector<1x16xf32>,
      %sub3A_604 = arith.constant 1 : i32
      %sub3A_605 = arith.subi %squeeze3A_472, %sub3A_604 : i32
      %get3A_606 = arith.index_cast %sub3A_605 : i32 to index
      %get3A_607 = arith.constant 48 : index
      %get3A_608 = tpu.vector_load %arg18[%get3A_606, %get3A_607] {strides = array<i32>} : memref<200x64xf32, #tpu.memory_space<vmem>>, vector<1x16xf32>,
      %get3A_609 = vector.shape_cast %get3A_608 : vector<1x16xf32> to vector<16xf32>
      %mul3A_610 = arith.mulf %get3A_609, %div3A_543 : vector<16xf32>
      %swap3A_611 = arith.index_cast %add3A_467 : i32 to index
      %swap3A_612 = arith.constant 112 : index
      %swap3A_613 = tpu.vector_load %arg19[%swap3A_611, %swap3A_612] {strides = array<i32>} : memref<128x128xf32, #tpu.memory_space<vmem>>, vector<1x16xf32>,
      %swap3A_614 = vector.shape_cast %swap3A_613 : vector<1x16xf32> to vector<16xf32>
      %swap3A_615 = vector.shape_cast %mul3A_610 : vector<16xf32> to vector<1x16xf32>
      tpu.vector_store %arg19[%swap3A_611, %swap3A_612], %swap3A_615 {strides = array<i32>} : memref<128x128xf32, #tpu.memory_space<vmem>>, vector<1x16xf32>,
      %add3A_616 = arith.addi %mul3A_2, %add3A_467 : i32
      %dma_wait3A_617 = arith.constant 0 : i32
      %dma_wait3A_618 = arith.constant 64 : i32
      %dma_wait3A_619 = tpu.memref_slice %arg6[%dma_wait3A_617, %add3A_616, %dma_wait3A_618] : memref<200x4096x128xf32, #tpu.memory_space<hbm>> -> memref<200x1x64xf32, #tpu.memory_space<hbm>>
      %dma_wait3A_620 = tpu.memref_squeeze %dma_wait3A_619 : memref<200x1x64xf32, #tpu.memory_space<hbm>> -> memref<200x64xf32, #tpu.memory_space<hbm>>
      %dma_wait3A_621 = arith.constant 0 : i32
      %dma_wait3A_622 = arith.constant 64 : i32
      %dma_wait3A_623 = tpu.memref_slice %arg6[%dma_wait3A_621, %add3A_616, %dma_wait3A_622] : memref<200x4096x128xf32, #tpu.memory_space<hbm>> -> memref<200x1x64xf32, #tpu.memory_space<hbm>>
      %dma_wait3A_624 = tpu.memref_squeeze %dma_wait3A_623 : memref<200x1x64xf32, #tpu.memory_space<hbm>> -> memref<200x64xf32, #tpu.memory_space<hbm>>
      tpu.wait_dma2 semaphore(%arg32 : memref<!tpu.dma_semaphore, #tpu.memory_space<semaphore_mem>>) src(%arg17 : memref<200x64xf32, #tpu.memory_space<vmem>>) dst(%dma_wait3A_624 : memref<200x64xf32, #tpu.memory_space<hbm>>)
      %add3A_625 = arith.constant 1 : i32
      %add3A_626 = arith.addi %add3A_467, %add3A_625 : i32
      %lt3A_627 = arith.constant 128 : i32
      %lt3A_628 = arith.cmpi slt, %add3A_626, %lt3A_627 : i32
      %convert_element_type3A_629 = arith.extui %lt3A_628 : i1 to i32
      %cond3A_630 = arith.constant 0 : i32
      %cond3A_631 = arith.cmpi ne, %convert_element_type3A_629, %cond3A_630 : i32
      scf.if %cond3A_631 {
        %add3A_799 = arith.constant 1 : i32
        %add3A_800 = arith.addi %add3A_467, %add3A_799 : i32
        %get3A_801 = arith.index_cast %add3A_800 : i32 to index
        %get3A_802 = tpu.vector_load %arg8[%get3A_801] {strides = array<i32>} : memref<128xi32, #tpu.memory_space<vmem>>, vector<1xi32>,
        %get3A_803 = vector.shape_cast %get3A_802 : vector<1xi32> to vector<1xi32>
        %squeeze3A_804 = vector.extract %get3A_803[0] : i32 from vector<1xi32>
        %add3A_805 = arith.constant 1 : i32
        %add3A_806 = arith.addi %add3A_467, %add3A_805 : i32
        %while3A_807 = arith.constant 0 : i32
        %while3A_808 = arith.subi %squeeze3A_472, %squeeze3A_804 : i32
        %while3A_809 = arith.addi %squeeze3A_804, %while3A_808 : i32
        %while3A_810 = arith.constant 1 : i32
        %while3A_811 = arith.divsi %while3A_808, %while3A_810 : i32
        %while3A_812 = arith.muli %while3A_811, %while3A_810 : i32
        %while3A_813 = arith.addi %squeeze3A_804, %while3A_812 : i32
        %while3A_814 = arith.constant 1 : i32
        %while3A_815 = scf.for %while3A_827 = %squeeze3A_804 to %while3A_813 step %while3A_814 iter_args(%while3A_828 = %while3A_807) -> (i32)  : i32 {
          %swap3A_829 = arith.index_cast %while3A_827 : i32 to index
          %swap3A_830 = arith.constant 0 : index
          %swap3A_831 = tpu.vector_load %arg17[%swap3A_829, %swap3A_830] {strides = array<i32>} : memref<200x64xf32, #tpu.memory_space<vmem>>, vector<1x16xf32>,
          %swap3A_832 = vector.shape_cast %swap3A_831 : vector<1x16xf32> to vector<16xf32>
          %swap3A_833 = vector.shape_cast %broadcast_in_dim3A_3 : vector<16xf32> to vector<1x16xf32>
          tpu.vector_store %arg17[%swap3A_829, %swap3A_830], %swap3A_833 {strides = array<i32>} : memref<200x64xf32, #tpu.memory_space<vmem>>, vector<1x16xf32>,
          %swap3A_834 = arith.index_cast %while3A_827 : i32 to index
          %swap3A_835 = arith.constant 16 : index
          %swap3A_836 = tpu.vector_load %arg17[%swap3A_834, %swap3A_835] {strides = array<i32>} : memref<200x64xf32, #tpu.memory_space<vmem>>, vector<1x16xf32>,
          %swap3A_837 = vector.shape_cast %swap3A_836 : vector<1x16xf32> to vector<16xf32>
          %swap3A_838 = vector.shape_cast %broadcast_in_dim3A_3 : vector<16xf32> to vector<1x16xf32>
          tpu.vector_store %arg17[%swap3A_834, %swap3A_835], %swap3A_838 {strides = array<i32>} : memref<200x64xf32, #tpu.memory_space<vmem>>, vector<1x16xf32>,
          %swap3A_839 = arith.index_cast %while3A_827 : i32 to index
          %swap3A_840 = arith.constant 32 : index
          %swap3A_841 = tpu.vector_load %arg17[%swap3A_839, %swap3A_840] {strides = array<i32>} : memref<200x64xf32, #tpu.memory_space<vmem>>, vector<1x16xf32>,
          %swap3A_842 = vector.shape_cast %swap3A_841 : vector<1x16xf32> to vector<16xf32>
          %swap3A_843 = vector.shape_cast %broadcast_in_dim3A_3 : vector<16xf32> to vector<1x16xf32>
          tpu.vector_store %arg17[%swap3A_839, %swap3A_840], %swap3A_843 {strides = array<i32>} : memref<200x64xf32, #tpu.memory_space<vmem>>, vector<1x16xf32>,
          %swap3A_844 = arith.index_cast %while3A_827 : i32 to index
          %swap3A_845 = arith.constant 48 : index
          %swap3A_846 = tpu.vector_load %arg17[%swap3A_844, %swap3A_845] {strides = array<i32>} : memref<200x64xf32, #tpu.memory_space<vmem>>, vector<1x16xf32>,
          %swap3A_847 = vector.shape_cast %swap3A_846 : vector<1x16xf32> to vector<16xf32>
          %swap3A_848 = vector.shape_cast %broadcast_in_dim3A_3 : vector<16xf32> to vector<1x16xf32>
          tpu.vector_store %arg17[%swap3A_844, %swap3A_845], %swap3A_848 {strides = array<i32>} : memref<200x64xf32, #tpu.memory_space<vmem>>, vector<1x16xf32>,
          %while3A_849 = arith.constant 0 : i32
          scf.yield %while3A_849 : i32
        }
        %while3A_816 = arith.constant 1 : i32
        %while3A_817 = scf.for %while3A_827 = %while3A_813 to %while3A_809 step %while3A_816 iter_args(%while3A_828 = %while3A_815) -> (i32)  : i32 {
          %swap3A_829 = arith.index_cast %while3A_827 : i32 to index
          %swap3A_830 = arith.constant 0 : index
          %swap3A_831 = tpu.vector_load %arg17[%swap3A_829, %swap3A_830] {strides = array<i32>} : memref<200x64xf32, #tpu.memory_space<vmem>>, vector<1x16xf32>,
          %swap3A_832 = vector.shape_cast %swap3A_831 : vector<1x16xf32> to vector<16xf32>
          %swap3A_833 = vector.shape_cast %broadcast_in_dim3A_3 : vector<16xf32> to vector<1x16xf32>
          tpu.vector_store %arg17[%swap3A_829, %swap3A_830], %swap3A_833 {strides = array<i32>} : memref<200x64xf32, #tpu.memory_space<vmem>>, vector<1x16xf32>,
          %swap3A_834 = arith.index_cast %while3A_827 : i32 to index
          %swap3A_835 = arith.constant 16 : index
          %swap3A_836 = tpu.vector_load %arg17[%swap3A_834, %swap3A_835] {strides = array<i32>} : memref<200x64xf32, #tpu.memory_space<vmem>>, vector<1x16xf32>,
          %swap3A_837 = vector.shape_cast %swap3A_836 : vector<1x16xf32> to vector<16xf32>
          %swap3A_838 = vector.shape_cast %broadcast_in_dim3A_3 : vector<16xf32> to vector<1x16xf32>
          tpu.vector_store %arg17[%swap3A_834, %swap3A_835], %swap3A_838 {strides = array<i32>} : memref<200x64xf32, #tpu.memory_space<vmem>>, vector<1x16xf32>,
          %swap3A_839 = arith.index_cast %while3A_827 : i32 to index
          %swap3A_840 = arith.constant 32 : index
          %swap3A_841 = tpu.vector_load %arg17[%swap3A_839, %swap3A_840] {strides = array<i32>} : memref<200x64xf32, #tpu.memory_space<vmem>>, vector<1x16xf32>,
          %swap3A_842 = vector.shape_cast %swap3A_841 : vector<1x16xf32> to vector<16xf32>
          %swap3A_843 = vector.shape_cast %broadcast_in_dim3A_3 : vector<16xf32> to vector<1x16xf32>
          tpu.vector_store %arg17[%swap3A_839, %swap3A_840], %swap3A_843 {strides = array<i32>} : memref<200x64xf32, #tpu.memory_space<vmem>>, vector<1x16xf32>,
          %swap3A_844 = arith.index_cast %while3A_827 : i32 to index
          %swap3A_845 = arith.constant 48 : index
          %swap3A_846 = tpu.vector_load %arg17[%swap3A_844, %swap3A_845] {strides = array<i32>} : memref<200x64xf32, #tpu.memory_space<vmem>>, vector<1x16xf32>,
          %swap3A_847 = vector.shape_cast %swap3A_846 : vector<1x16xf32> to vector<16xf32>
          %swap3A_848 = vector.shape_cast %broadcast_in_dim3A_3 : vector<16xf32> to vector<1x16xf32>
          tpu.vector_store %arg17[%swap3A_844, %swap3A_845], %swap3A_848 {strides = array<i32>} : memref<200x64xf32, #tpu.memory_space<vmem>>, vector<1x16xf32>,
          %while3A_849 = arith.constant 0 : i32
          scf.yield %while3A_849 : i32
        }
        %add3A_818 = arith.addi %mul3A_2, %add3A_806 : i32
        %dma_start3A_819 = arith.constant 0 : i32
        %dma_start3A_820 = arith.constant 64 : i32
        %dma_start3A_821 = tpu.memref_slice %arg6[%dma_start3A_819, %add3A_818, %dma_start3A_820] : memref<200x4096x128xf32, #tpu.memory_space<hbm>> -> memref<200x1x64xf32, #tpu.memory_space<hbm>>
        %dma_start3A_822 = tpu.memref_squeeze %dma_start3A_821 : memref<200x1x64xf32, #tpu.memory_space<hbm>> -> memref<200x64xf32, #tpu.memory_space<hbm>>
        %dma_start3A_823 = arith.constant 0 : i32
        %dma_start3A_824 = arith.constant 64 : i32
        %dma_start3A_825 = tpu.memref_slice %arg6[%dma_start3A_823, %add3A_818, %dma_start3A_824] : memref<200x4096x128xf32, #tpu.memory_space<hbm>> -> memref<200x1x64xf32, #tpu.memory_space<hbm>>
        %dma_start3A_826 = tpu.memref_squeeze %dma_start3A_825 : memref<200x1x64xf32, #tpu.memory_space<hbm>> -> memref<200x64xf32, #tpu.memory_space<hbm>>
        tpu.enqueue_dma source(%arg17 : memref<200x64xf32, #tpu.memory_space<vmem>>) target(%dma_start3A_826 : memref<200x64xf32, #tpu.memory_space<hbm>>) target_semaphore(%arg32 : memref<!tpu.dma_semaphore, #tpu.memory_space<semaphore_mem>>)
      } else {
      }
      %add3A_632 = arith.constant 3 : i32
      %add3A_633 = arith.addi %mul3A_140, %add3A_632 : i32
      %add3A_634 = arith.addi %mul3A_2, %add3A_633 : i32
      %get3A_635 = arith.index_cast %add3A_633 : i32 to index
      %get3A_636 = tpu.vector_load %arg8[%get3A_635] {strides = array<i32>} : memref<128xi32, #tpu.memory_space<vmem>>, vector<1xi32>,
      %get3A_637 = vector.shape_cast %get3A_636 : vector<1xi32> to vector<1xi32>
      %squeeze3A_638 = vector.extract %get3A_637[0] : i32 from vector<1xi32>
      %ge3A_639 = arith.constant 2 : i32
      %ge3A_640 = arith.cmpi sge, %add3A_633, %ge3A_639 : i32
      %convert_element_type3A_641 = arith.extui %ge3A_640 : i1 to i32
      %cond3A_642 = arith.constant 0 : i32
      %cond3A_643 = arith.cmpi ne, %convert_element_type3A_641, %cond3A_642 : i32
      scf.if %cond3A_643 {
        %sub3A_799 = arith.constant 2 : i32
        %sub3A_800 = arith.subi %add3A_633, %sub3A_799 : i32
        %add3A_801 = arith.addi %mul3A_2, %sub3A_800 : i32
        %dma_wait3A_802 = arith.constant 0 : i32
        %dma_wait3A_803 = arith.constant 0 : i32
        %dma_wait3A_804 = tpu.memref_slice %arg6[%dma_wait3A_802, %add3A_801, %dma_wait3A_803] : memref<200x4096x128xf32, #tpu.memory_space<hbm>> -> memref<200x1x64xf32, #tpu.memory_space<hbm>>
        %dma_wait3A_805 = tpu.memref_squeeze %dma_wait3A_804 : memref<200x1x64xf32, #tpu.memory_space<hbm>> -> memref<200x64xf32, #tpu.memory_space<hbm>>
        %dma_wait3A_806 = arith.constant 0 : i32
        %dma_wait3A_807 = arith.constant 0 : i32
        %dma_wait3A_808 = tpu.memref_slice %arg6[%dma_wait3A_806, %add3A_801, %dma_wait3A_807] : memref<200x4096x128xf32, #tpu.memory_space<hbm>> -> memref<200x1x64xf32, #tpu.memory_space<hbm>>
        %dma_wait3A_809 = tpu.memref_squeeze %dma_wait3A_808 : memref<200x1x64xf32, #tpu.memory_space<hbm>> -> memref<200x64xf32, #tpu.memory_space<hbm>>
        tpu.wait_dma2 semaphore(%arg29 : memref<!tpu.dma_semaphore, #tpu.memory_space<semaphore_mem>>) src(%arg14 : memref<200x64xf32, #tpu.memory_space<vmem>>) dst(%dma_wait3A_809 : memref<200x64xf32, #tpu.memory_space<hbm>>)
      } else {
      }
      %add3A_644 = arith.constant 2 : i32
      %add3A_645 = arith.addi %add3A_633, %add3A_644 : i32
      %lt3A_646 = arith.constant 128 : i32
      %lt3A_647 = arith.cmpi slt, %add3A_645, %lt3A_646 : i32
      %convert_element_type3A_648 = arith.extui %lt3A_647 : i1 to i32
      %cond3A_649 = arith.constant 0 : i32
      %cond3A_650 = arith.cmpi ne, %convert_element_type3A_648, %cond3A_649 : i32
      scf.if %cond3A_650 {
        %add3A_799 = arith.constant 2 : i32
        %add3A_800 = arith.addi %add3A_633, %add3A_799 : i32
        %add3A_801 = arith.addi %mul3A_2, %add3A_800 : i32
        %dma_wait3A_802 = arith.constant 0 : i32
        %dma_wait3A_803 = tpu.memref_slice %arg2[%add3A_801, %dma_wait3A_802] : memref<4096x200xi32, #tpu.memory_space<hbm>> -> memref<1x200xi32, #tpu.memory_space<hbm>>
        %dma_wait3A_804 = tpu.memref_squeeze %dma_wait3A_803 : memref<1x200xi32, #tpu.memory_space<hbm>> -> memref<200xi32, #tpu.memory_space<hbm>>
        %dma_wait3A_805 = arith.constant 0 : i32
        %dma_wait3A_806 = tpu.memref_slice %arg2[%add3A_801, %dma_wait3A_805] : memref<4096x200xi32, #tpu.memory_space<hbm>> -> memref<1x200xi32, #tpu.memory_space<hbm>>
        %dma_wait3A_807 = tpu.memref_squeeze %dma_wait3A_806 : memref<1x200xi32, #tpu.memory_space<hbm>> -> memref<200xi32, #tpu.memory_space<hbm>>
        tpu.wait_dma2 semaphore(%arg21 : memref<!tpu.dma_semaphore, #tpu.memory_space<semaphore_mem>>) src(%dma_wait3A_807 : memref<200xi32, #tpu.memory_space<hbm>>) dst(%arg10 : memref<200xi32, #tpu.memory_space<vmem>>)
        %dma_start3A_808 = arith.constant 0 : i32
        %dma_start3A_809 = arith.constant 0 : i32
        %dma_start3A_810 = tpu.memref_slice %arg14[%dma_start3A_808, %dma_start3A_809] : memref<200x64xf32, #tpu.memory_space<vmem>> -> memref<104x64xf32, #tpu.memory_space<vmem>>
        %dma_start3A_811 = arith.constant 0 : i32
        %dma_start3A_812 = tpu.memref_slice %arg10[%dma_start3A_811] : memref<200xi32, #tpu.memory_space<vmem>> -> memref<104xi32, #tpu.memory_space<vmem>>
        %dma_start3A_813 = arith.constant 0 : i32
        %dma_start3A_814 = arith.constant 0 : i32
        %dma_start3A_815 = tpu.memref_slice %arg4[%dma_start3A_813, %dma_start3A_814] : memref<1000000x64xf32, #tpu.memory_space<hbm>> -> memref<1000000x64xf32, #tpu.memory_space<hbm>>
        tpu.enqueue_indirect_dma source(%dma_start3A_815 : memref<1000000x64xf32, #tpu.memory_space<hbm>>) target(%dma_start3A_810 : memref<104x64xf32, #tpu.memory_space<vmem>>) offsets(%dma_start3A_812 : memref<104xi32, #tpu.memory_space<vmem>>) semaphore(%arg25 : memref<!tpu.dma_semaphore, #tpu.memory_space<semaphore_mem>>)
        %dma_start3A_816 = arith.constant 104 : i32
        %dma_start3A_817 = arith.constant 0 : i32
        %dma_start3A_818 = tpu.memref_slice %arg14[%dma_start3A_816, %dma_start3A_817] : memref<200x64xf32, #tpu.memory_space<vmem>> -> memref<96x64xf32, #tpu.memory_space<vmem>>
        %dma_start3A_819 = arith.constant 104 : i32
        %dma_start3A_820 = tpu.memref_slice %arg10[%dma_start3A_819] : memref<200xi32, #tpu.memory_space<vmem>> -> memref<96xi32, #tpu.memory_space<vmem>>
        %dma_start3A_821 = arith.constant 0 : i32
        %dma_start3A_822 = arith.constant 0 : i32
        %dma_start3A_823 = tpu.memref_slice %arg4[%dma_start3A_821, %dma_start3A_822] : memref<1000000x64xf32, #tpu.memory_space<hbm>> -> memref<1000000x64xf32, #tpu.memory_space<hbm>>
        tpu.enqueue_indirect_dma source(%dma_start3A_823 : memref<1000000x64xf32, #tpu.memory_space<hbm>>) target(%dma_start3A_818 : memref<96x64xf32, #tpu.memory_space<vmem>>) offsets(%dma_start3A_820 : memref<96xi32, #tpu.memory_space<vmem>>) semaphore(%arg25 : memref<!tpu.dma_semaphore, #tpu.memory_space<semaphore_mem>>)
      } else {
      }
      %dma_wait3A_651 = arith.constant 0 : i32
      %dma_wait3A_652 = arith.constant 0 : i32
      %dma_wait3A_653 = tpu.memref_slice %arg16[%dma_wait3A_651, %dma_wait3A_652] : memref<200x64xf32, #tpu.memory_space<vmem>> -> memref<104x64xf32, #tpu.memory_space<vmem>>
      %dma_wait3A_654 = arith.constant 0 : i32
      %dma_wait3A_655 = tpu.memref_slice %arg12[%dma_wait3A_654] : memref<200xi32, #tpu.memory_space<vmem>> -> memref<104xi32, #tpu.memory_space<vmem>>
      %dma_wait3A_656 = arith.constant 0 : i32
      %dma_wait3A_657 = arith.constant 0 : i32
      %dma_wait3A_658 = tpu.memref_slice %arg4[%dma_wait3A_656, %dma_wait3A_657] : memref<1000000x64xf32, #tpu.memory_space<hbm>> -> memref<1000000x64xf32, #tpu.memory_space<hbm>>
      tpu.wait_indirect_dma semaphore(%arg27 : memref<!tpu.dma_semaphore, #tpu.memory_space<semaphore_mem>>) src(%dma_wait3A_658 : memref<1000000x64xf32, #tpu.memory_space<hbm>>) dst(%dma_wait3A_653 : memref<104x64xf32, #tpu.memory_space<vmem>>)
      %dma_wait3A_659 = arith.constant 104 : i32
      %dma_wait3A_660 = arith.constant 0 : i32
      %dma_wait3A_661 = tpu.memref_slice %arg16[%dma_wait3A_659, %dma_wait3A_660] : memref<200x64xf32, #tpu.memory_space<vmem>> -> memref<96x64xf32, #tpu.memory_space<vmem>>
      %dma_wait3A_662 = arith.constant 104 : i32
      %dma_wait3A_663 = tpu.memref_slice %arg12[%dma_wait3A_662] : memref<200xi32, #tpu.memory_space<vmem>> -> memref<96xi32, #tpu.memory_space<vmem>>
      %dma_wait3A_664 = arith.constant 0 : i32
      %dma_wait3A_665 = arith.constant 0 : i32
      %dma_wait3A_666 = tpu.memref_slice %arg4[%dma_wait3A_664, %dma_wait3A_665] : memref<1000000x64xf32, #tpu.memory_space<hbm>> -> memref<1000000x64xf32, #tpu.memory_space<hbm>>
      tpu.wait_indirect_dma semaphore(%arg27 : memref<!tpu.dma_semaphore, #tpu.memory_space<semaphore_mem>>) src(%dma_wait3A_666 : memref<1000000x64xf32, #tpu.memory_space<hbm>>) dst(%dma_wait3A_661 : memref<96x64xf32, #tpu.memory_space<vmem>>)
      %add3A_667 = arith.constant 4 : i32
      %add3A_668 = arith.addi %add3A_633, %add3A_667 : i32
      %lt3A_669 = arith.constant 128 : i32
      %lt3A_670 = arith.cmpi slt, %add3A_668, %lt3A_669 : i32
      %convert_element_type3A_671 = arith.extui %lt3A_670 : i1 to i32
      %cond3A_672 = arith.constant 0 : i32
      %cond3A_673 = arith.cmpi ne, %convert_element_type3A_671, %cond3A_672 : i32
      scf.if %cond3A_673 {
        %add3A_799 = arith.constant 4 : i32
        %add3A_800 = arith.addi %add3A_633, %add3A_799 : i32
        %add3A_801 = arith.addi %mul3A_2, %add3A_800 : i32
        %dma_start3A_802 = arith.constant 0 : i32
        %dma_start3A_803 = tpu.memref_slice %arg2[%add3A_801, %dma_start3A_802] : memref<4096x200xi32, #tpu.memory_space<hbm>> -> memref<1x200xi32, #tpu.memory_space<hbm>>
        %dma_start3A_804 = tpu.memref_squeeze %dma_start3A_803 : memref<1x200xi32, #tpu.memory_space<hbm>> -> memref<200xi32, #tpu.memory_space<hbm>>
        %dma_start3A_805 = arith.constant 0 : i32
        %dma_start3A_806 = tpu.memref_slice %arg2[%add3A_801, %dma_start3A_805] : memref<4096x200xi32, #tpu.memory_space<hbm>> -> memref<1x200xi32, #tpu.memory_space<hbm>>
        %dma_start3A_807 = tpu.memref_squeeze %dma_start3A_806 : memref<1x200xi32, #tpu.memory_space<hbm>> -> memref<200xi32, #tpu.memory_space<hbm>>
        tpu.enqueue_dma source(%dma_start3A_807 : memref<200xi32, #tpu.memory_space<hbm>>) target(%arg12 : memref<200xi32, #tpu.memory_space<vmem>>) target_semaphore(%arg23 : memref<!tpu.dma_semaphore, #tpu.memory_space<semaphore_mem>>)
      } else {
      }
      %while3A_674 = arith.constant 0 : i32
      %while3A_675 = arith.subi %squeeze3A_638, %while3A_674 : i32
      %while3A_676 = arith.addi %while3A_674, %while3A_675 : i32
      %while3A_677 = arith.constant 1 : i32
      %while3A_678 = arith.divsi %while3A_675, %while3A_677 : i32
      %while3A_679 = arith.muli %while3A_678, %while3A_677 : i32
      %while3A_680 = arith.addi %while3A_674, %while3A_679 : i32
      %while3A_681 = arith.constant 1 : i32
      %while3A_682:4 = scf.for %while3A_799 = %while3A_674 to %while3A_680 step %while3A_681 iter_args(%while3A_800 = %broadcast_in_dim3A_3, %while3A_801 = %broadcast_in_dim3A_3, %while3A_802 = %broadcast_in_dim3A_3, %while3A_803 = %broadcast_in_dim3A_3) -> (vector<16xf32>, vector<16xf32>, vector<16xf32>, vector<16xf32>)  : i32 {
        %get3A_804 = arith.index_cast %while3A_799 : i32 to index
        %get3A_805 = arith.constant 0 : index
        %get3A_806 = tpu.vector_load %arg16[%get3A_804, %get3A_805] {strides = array<i32>} : memref<200x64xf32, #tpu.memory_space<vmem>>, vector<1x16xf32>,
        %get3A_807 = vector.shape_cast %get3A_806 : vector<1x16xf32> to vector<16xf32>
        %add3A_808 = arith.addf %while3A_800, %get3A_807 : vector<16xf32>
        %get3A_809 = arith.index_cast %while3A_799 : i32 to index
        %get3A_810 = arith.constant 16 : index
        %get3A_811 = tpu.vector_load %arg16[%get3A_809, %get3A_810] {strides = array<i32>} : memref<200x64xf32, #tpu.memory_space<vmem>>, vector<1x16xf32>,
        %get3A_812 = vector.shape_cast %get3A_811 : vector<1x16xf32> to vector<16xf32>
        %add3A_813 = arith.addf %while3A_801, %get3A_812 : vector<16xf32>
        %get3A_814 = arith.index_cast %while3A_799 : i32 to index
        %get3A_815 = arith.constant 32 : index
        %get3A_816 = tpu.vector_load %arg16[%get3A_814, %get3A_815] {strides = array<i32>} : memref<200x64xf32, #tpu.memory_space<vmem>>, vector<1x16xf32>,
        %get3A_817 = vector.shape_cast %get3A_816 : vector<1x16xf32> to vector<16xf32>
        %add3A_818 = arith.addf %while3A_802, %get3A_817 : vector<16xf32>
        %get3A_819 = arith.index_cast %while3A_799 : i32 to index
        %get3A_820 = arith.constant 48 : index
        %get3A_821 = tpu.vector_load %arg16[%get3A_819, %get3A_820] {strides = array<i32>} : memref<200x64xf32, #tpu.memory_space<vmem>>, vector<1x16xf32>,
        %get3A_822 = vector.shape_cast %get3A_821 : vector<1x16xf32> to vector<16xf32>
        %add3A_823 = arith.addf %while3A_803, %get3A_822 : vector<16xf32>
        scf.yield %add3A_808, %add3A_813, %add3A_818, %add3A_823 : vector<16xf32>, vector<16xf32>, vector<16xf32>, vector<16xf32>
      }
      %while3A_683 = arith.constant 1 : i32
      %while3A_684:4 = scf.for %while3A_799 = %while3A_680 to %while3A_676 step %while3A_683 iter_args(%while3A_800 = %while3A_682#0, %while3A_801 = %while3A_682#1, %while3A_802 = %while3A_682#2, %while3A_803 = %while3A_682#3) -> (vector<16xf32>, vector<16xf32>, vector<16xf32>, vector<16xf32>)  : i32 {
        %get3A_804 = arith.index_cast %while3A_799 : i32 to index
        %get3A_805 = arith.constant 0 : index
        %get3A_806 = tpu.vector_load %arg16[%get3A_804, %get3A_805] {strides = array<i32>} : memref<200x64xf32, #tpu.memory_space<vmem>>, vector<1x16xf32>,
        %get3A_807 = vector.shape_cast %get3A_806 : vector<1x16xf32> to vector<16xf32>
        %add3A_808 = arith.addf %while3A_800, %get3A_807 : vector<16xf32>
        %get3A_809 = arith.index_cast %while3A_799 : i32 to index
        %get3A_810 = arith.constant 16 : index
        %get3A_811 = tpu.vector_load %arg16[%get3A_809, %get3A_810] {strides = array<i32>} : memref<200x64xf32, #tpu.memory_space<vmem>>, vector<1x16xf32>,
        %get3A_812 = vector.shape_cast %get3A_811 : vector<1x16xf32> to vector<16xf32>
        %add3A_813 = arith.addf %while3A_801, %get3A_812 : vector<16xf32>
        %get3A_814 = arith.index_cast %while3A_799 : i32 to index
        %get3A_815 = arith.constant 32 : index
        %get3A_816 = tpu.vector_load %arg16[%get3A_814, %get3A_815] {strides = array<i32>} : memref<200x64xf32, #tpu.memory_space<vmem>>, vector<1x16xf32>,
        %get3A_817 = vector.shape_cast %get3A_816 : vector<1x16xf32> to vector<16xf32>
        %add3A_818 = arith.addf %while3A_802, %get3A_817 : vector<16xf32>
        %get3A_819 = arith.index_cast %while3A_799 : i32 to index
        %get3A_820 = arith.constant 48 : index
        %get3A_821 = tpu.vector_load %arg16[%get3A_819, %get3A_820] {strides = array<i32>} : memref<200x64xf32, #tpu.memory_space<vmem>>, vector<1x16xf32>,
        %get3A_822 = vector.shape_cast %get3A_821 : vector<1x16xf32> to vector<16xf32>
        %add3A_823 = arith.addf %while3A_803, %get3A_822 : vector<16xf32>
        scf.yield %add3A_808, %add3A_813, %add3A_818, %add3A_823 : vector<16xf32>, vector<16xf32>, vector<16xf32>, vector<16xf32>
      }
      %while3A_685 = arith.constant 200 : i32
      %while3A_686 = arith.constant 0 : i32
      %while3A_687 = arith.subi %while3A_685, %squeeze3A_638 : i32
      %while3A_688 = arith.addi %squeeze3A_638, %while3A_687 : i32
      %while3A_689 = arith.constant 1 : i32
      %while3A_690 = arith.divsi %while3A_687, %while3A_689 : i32
      %while3A_691 = arith.muli %while3A_690, %while3A_689 : i32
      %while3A_692 = arith.addi %squeeze3A_638, %while3A_691 : i32
      %while3A_693 = arith.constant 1 : i32
      %while3A_694 = scf.for %while3A_799 = %squeeze3A_638 to %while3A_692 step %while3A_693 iter_args(%while3A_800 = %while3A_686) -> (i32)  : i32 {
        %swap3A_801 = arith.index_cast %while3A_799 : i32 to index
        %swap3A_802 = arith.constant 0 : index
        %swap3A_803 = tpu.vector_load %arg16[%swap3A_801, %swap3A_802] {strides = array<i32>} : memref<200x64xf32, #tpu.memory_space<vmem>>, vector<1x16xf32>,
        %swap3A_804 = vector.shape_cast %swap3A_803 : vector<1x16xf32> to vector<16xf32>
        %swap3A_805 = vector.shape_cast %broadcast_in_dim3A_3 : vector<16xf32> to vector<1x16xf32>
        tpu.vector_store %arg16[%swap3A_801, %swap3A_802], %swap3A_805 {strides = array<i32>} : memref<200x64xf32, #tpu.memory_space<vmem>>, vector<1x16xf32>,
        %swap3A_806 = arith.index_cast %while3A_799 : i32 to index
        %swap3A_807 = arith.constant 16 : index
        %swap3A_808 = tpu.vector_load %arg16[%swap3A_806, %swap3A_807] {strides = array<i32>} : memref<200x64xf32, #tpu.memory_space<vmem>>, vector<1x16xf32>,
        %swap3A_809 = vector.shape_cast %swap3A_808 : vector<1x16xf32> to vector<16xf32>
        %swap3A_810 = vector.shape_cast %broadcast_in_dim3A_3 : vector<16xf32> to vector<1x16xf32>
        tpu.vector_store %arg16[%swap3A_806, %swap3A_807], %swap3A_810 {strides = array<i32>} : memref<200x64xf32, #tpu.memory_space<vmem>>, vector<1x16xf32>,
        %swap3A_811 = arith.index_cast %while3A_799 : i32 to index
        %swap3A_812 = arith.constant 32 : index
        %swap3A_813 = tpu.vector_load %arg16[%swap3A_811, %swap3A_812] {strides = array<i32>} : memref<200x64xf32, #tpu.memory_space<vmem>>, vector<1x16xf32>,
        %swap3A_814 = vector.shape_cast %swap3A_813 : vector<1x16xf32> to vector<16xf32>
        %swap3A_815 = vector.shape_cast %broadcast_in_dim3A_3 : vector<16xf32> to vector<1x16xf32>
        tpu.vector_store %arg16[%swap3A_811, %swap3A_812], %swap3A_815 {strides = array<i32>} : memref<200x64xf32, #tpu.memory_space<vmem>>, vector<1x16xf32>,
        %swap3A_816 = arith.index_cast %while3A_799 : i32 to index
        %swap3A_817 = arith.constant 48 : index
        %swap3A_818 = tpu.vector_load %arg16[%swap3A_816, %swap3A_817] {strides = array<i32>} : memref<200x64xf32, #tpu.memory_space<vmem>>, vector<1x16xf32>,
        %swap3A_819 = vector.shape_cast %swap3A_818 : vector<1x16xf32> to vector<16xf32>
        %swap3A_820 = vector.shape_cast %broadcast_in_dim3A_3 : vector<16xf32> to vector<1x16xf32>
        tpu.vector_store %arg16[%swap3A_816, %swap3A_817], %swap3A_820 {strides = array<i32>} : memref<200x64xf32, #tpu.memory_space<vmem>>, vector<1x16xf32>,
        %while3A_821 = arith.constant 0 : i32
        scf.yield %while3A_821 : i32
      }
      %while3A_695 = arith.constant 1 : i32
      %while3A_696 = scf.for %while3A_799 = %while3A_692 to %while3A_688 step %while3A_695 iter_args(%while3A_800 = %while3A_694) -> (i32)  : i32 {
        %swap3A_801 = arith.index_cast %while3A_799 : i32 to index
        %swap3A_802 = arith.constant 0 : index
        %swap3A_803 = tpu.vector_load %arg16[%swap3A_801, %swap3A_802] {strides = array<i32>} : memref<200x64xf32, #tpu.memory_space<vmem>>, vector<1x16xf32>,
        %swap3A_804 = vector.shape_cast %swap3A_803 : vector<1x16xf32> to vector<16xf32>
        %swap3A_805 = vector.shape_cast %broadcast_in_dim3A_3 : vector<16xf32> to vector<1x16xf32>
        tpu.vector_store %arg16[%swap3A_801, %swap3A_802], %swap3A_805 {strides = array<i32>} : memref<200x64xf32, #tpu.memory_space<vmem>>, vector<1x16xf32>,
        %swap3A_806 = arith.index_cast %while3A_799 : i32 to index
        %swap3A_807 = arith.constant 16 : index
        %swap3A_808 = tpu.vector_load %arg16[%swap3A_806, %swap3A_807] {strides = array<i32>} : memref<200x64xf32, #tpu.memory_space<vmem>>, vector<1x16xf32>,
        %swap3A_809 = vector.shape_cast %swap3A_808 : vector<1x16xf32> to vector<16xf32>
        %swap3A_810 = vector.shape_cast %broadcast_in_dim3A_3 : vector<16xf32> to vector<1x16xf32>
        tpu.vector_store %arg16[%swap3A_806, %swap3A_807], %swap3A_810 {strides = array<i32>} : memref<200x64xf32, #tpu.memory_space<vmem>>, vector<1x16xf32>,
        %swap3A_811 = arith.index_cast %while3A_799 : i32 to index
        %swap3A_812 = arith.constant 32 : index
        %swap3A_813 = tpu.vector_load %arg16[%swap3A_811, %swap3A_812] {strides = array<i32>} : memref<200x64xf32, #tpu.memory_space<vmem>>, vector<1x16xf32>,
        %swap3A_814 = vector.shape_cast %swap3A_813 : vector<1x16xf32> to vector<16xf32>
        %swap3A_815 = vector.shape_cast %broadcast_in_dim3A_3 : vector<16xf32> to vector<1x16xf32>
        tpu.vector_store %arg16[%swap3A_811, %swap3A_812], %swap3A_815 {strides = array<i32>} : memref<200x64xf32, #tpu.memory_space<vmem>>, vector<1x16xf32>,
        %swap3A_816 = arith.index_cast %while3A_799 : i32 to index
        %swap3A_817 = arith.constant 48 : index
        %swap3A_818 = tpu.vector_load %arg16[%swap3A_816, %swap3A_817] {strides = array<i32>} : memref<200x64xf32, #tpu.memory_space<vmem>>, vector<1x16xf32>,
        %swap3A_819 = vector.shape_cast %swap3A_818 : vector<1x16xf32> to vector<16xf32>
        %swap3A_820 = vector.shape_cast %broadcast_in_dim3A_3 : vector<16xf32> to vector<1x16xf32>
        tpu.vector_store %arg16[%swap3A_816, %swap3A_817], %swap3A_820 {strides = array<i32>} : memref<200x64xf32, #tpu.memory_space<vmem>>, vector<1x16xf32>,
        %while3A_821 = arith.constant 0 : i32
        scf.yield %while3A_821 : i32
      }
      %dma_start3A_697 = arith.constant 0 : i32
      %dma_start3A_698 = arith.constant 0 : i32
      %dma_start3A_699 = tpu.memref_slice %arg6[%dma_start3A_697, %add3A_634, %dma_start3A_698] : memref<200x4096x128xf32, #tpu.memory_space<hbm>> -> memref<200x1x64xf32, #tpu.memory_space<hbm>>
      %dma_start3A_700 = tpu.memref_squeeze %dma_start3A_699 : memref<200x1x64xf32, #tpu.memory_space<hbm>> -> memref<200x64xf32, #tpu.memory_space<hbm>>
      %dma_start3A_701 = arith.constant 0 : i32
      %dma_start3A_702 = arith.constant 0 : i32
      %dma_start3A_703 = tpu.memref_slice %arg6[%dma_start3A_701, %add3A_634, %dma_start3A_702] : memref<200x4096x128xf32, #tpu.memory_space<hbm>> -> memref<200x1x64xf32, #tpu.memory_space<hbm>>
      %dma_start3A_704 = tpu.memref_squeeze %dma_start3A_703 : memref<200x1x64xf32, #tpu.memory_space<hbm>> -> memref<200x64xf32, #tpu.memory_space<hbm>>
      tpu.enqueue_dma source(%arg16 : memref<200x64xf32, #tpu.memory_space<vmem>>) target(%dma_start3A_704 : memref<200x64xf32, #tpu.memory_space<hbm>>) target_semaphore(%arg31 : memref<!tpu.dma_semaphore, #tpu.memory_space<semaphore_mem>>)
      %broadcast_in_dim3A_705 = arith.constant 1.000000e+00 : f32
      %broadcast_in_dim3A_706 = vector.broadcast %broadcast_in_dim3A_705 : f32 to vector<16xf32>
      %convert_element_type3A_707 = arith.sitofp %squeeze3A_638 : i32 to f32
      %div3A_708 = vector.broadcast %convert_element_type3A_707 : f32 to vector<16xf32>
      %div3A_709 = arith.divf %broadcast_in_dim3A_706, %div3A_708 : vector<16xf32>
      %mul3A_710 = arith.mulf %while3A_684#0, %div3A_709 : vector<16xf32>
      %swap3A_711 = arith.index_cast %add3A_633 : i32 to index
      %swap3A_712 = arith.constant 0 : index
      %swap3A_713 = tpu.vector_load %arg19[%swap3A_711, %swap3A_712] {strides = array<i32>} : memref<128x128xf32, #tpu.memory_space<vmem>>, vector<1x16xf32>,
      %swap3A_714 = vector.shape_cast %swap3A_713 : vector<1x16xf32> to vector<16xf32>
      %swap3A_715 = vector.shape_cast %mul3A_710 : vector<16xf32> to vector<1x16xf32>
      tpu.vector_store %arg19[%swap3A_711, %swap3A_712], %swap3A_715 {strides = array<i32>} : memref<128x128xf32, #tpu.memory_space<vmem>>, vector<1x16xf32>,
      %mul3A_716 = arith.mulf %while3A_684#1, %div3A_709 : vector<16xf32>
      %swap3A_717 = arith.index_cast %add3A_633 : i32 to index
      %swap3A_718 = arith.constant 16 : index
      %swap3A_719 = tpu.vector_load %arg19[%swap3A_717, %swap3A_718] {strides = array<i32>} : memref<128x128xf32, #tpu.memory_space<vmem>>, vector<1x16xf32>,
      %swap3A_720 = vector.shape_cast %swap3A_719 : vector<1x16xf32> to vector<16xf32>
      %swap3A_721 = vector.shape_cast %mul3A_716 : vector<16xf32> to vector<1x16xf32>
      tpu.vector_store %arg19[%swap3A_717, %swap3A_718], %swap3A_721 {strides = array<i32>} : memref<128x128xf32, #tpu.memory_space<vmem>>, vector<1x16xf32>,
      %mul3A_722 = arith.mulf %while3A_684#2, %div3A_709 : vector<16xf32>
      %swap3A_723 = arith.index_cast %add3A_633 : i32 to index
      %swap3A_724 = arith.constant 32 : index
      %swap3A_725 = tpu.vector_load %arg19[%swap3A_723, %swap3A_724] {strides = array<i32>} : memref<128x128xf32, #tpu.memory_space<vmem>>, vector<1x16xf32>,
      %swap3A_726 = vector.shape_cast %swap3A_725 : vector<1x16xf32> to vector<16xf32>
      %swap3A_727 = vector.shape_cast %mul3A_722 : vector<16xf32> to vector<1x16xf32>
      tpu.vector_store %arg19[%swap3A_723, %swap3A_724], %swap3A_727 {strides = array<i32>} : memref<128x128xf32, #tpu.memory_space<vmem>>, vector<1x16xf32>,
      %mul3A_728 = arith.mulf %while3A_684#3, %div3A_709 : vector<16xf32>
      %swap3A_729 = arith.index_cast %add3A_633 : i32 to index
      %swap3A_730 = arith.constant 48 : index
      %swap3A_731 = tpu.vector_load %arg19[%swap3A_729, %swap3A_730] {strides = array<i32>} : memref<128x128xf32, #tpu.memory_space<vmem>>, vector<1x16xf32>,
      %swap3A_732 = vector.shape_cast %swap3A_731 : vector<1x16xf32> to vector<16xf32>
      %swap3A_733 = vector.shape_cast %mul3A_728 : vector<16xf32> to vector<1x16xf32>
      tpu.vector_store %arg19[%swap3A_729, %swap3A_730], %swap3A_733 {strides = array<i32>} : memref<128x128xf32, #tpu.memory_space<vmem>>, vector<1x16xf32>,
      %sub3A_734 = arith.constant 1 : i32
      %sub3A_735 = arith.subi %squeeze3A_638, %sub3A_734 : i32
      %get3A_736 = arith.index_cast %sub3A_735 : i32 to index
      %get3A_737 = arith.constant 0 : index
      %get3A_738 = tpu.vector_load %arg18[%get3A_736, %get3A_737] {strides = array<i32>} : memref<200x64xf32, #tpu.memory_space<vmem>>, vector<1x16xf32>,
      %get3A_739 = vector.shape_cast %get3A_738 : vector<1x16xf32> to vector<16xf32>
      %mul3A_740 = arith.mulf %get3A_739, %div3A_709 : vector<16xf32>
      %swap3A_741 = arith.index_cast %add3A_633 : i32 to index
      %swap3A_742 = arith.constant 64 : index
      %swap3A_743 = tpu.vector_load %arg19[%swap3A_741, %swap3A_742] {strides = array<i32>} : memref<128x128xf32, #tpu.memory_space<vmem>>, vector<1x16xf32>,
      %swap3A_744 = vector.shape_cast %swap3A_743 : vector<1x16xf32> to vector<16xf32>
      %swap3A_745 = vector.shape_cast %mul3A_740 : vector<16xf32> to vector<1x16xf32>
      tpu.vector_store %arg19[%swap3A_741, %swap3A_742], %swap3A_745 {strides = array<i32>} : memref<128x128xf32, #tpu.memory_space<vmem>>, vector<1x16xf32>,
      %sub3A_746 = arith.constant 1 : i32
      %sub3A_747 = arith.subi %squeeze3A_638, %sub3A_746 : i32
      %get3A_748 = arith.index_cast %sub3A_747 : i32 to index
      %get3A_749 = arith.constant 16 : index
      %get3A_750 = tpu.vector_load %arg18[%get3A_748, %get3A_749] {strides = array<i32>} : memref<200x64xf32, #tpu.memory_space<vmem>>, vector<1x16xf32>,
      %get3A_751 = vector.shape_cast %get3A_750 : vector<1x16xf32> to vector<16xf32>
      %mul3A_752 = arith.mulf %get3A_751, %div3A_709 : vector<16xf32>
      %swap3A_753 = arith.index_cast %add3A_633 : i32 to index
      %swap3A_754 = arith.constant 80 : index
      %swap3A_755 = tpu.vector_load %arg19[%swap3A_753, %swap3A_754] {strides = array<i32>} : memref<128x128xf32, #tpu.memory_space<vmem>>, vector<1x16xf32>,
      %swap3A_756 = vector.shape_cast %swap3A_755 : vector<1x16xf32> to vector<16xf32>
      %swap3A_757 = vector.shape_cast %mul3A_752 : vector<16xf32> to vector<1x16xf32>
      tpu.vector_store %arg19[%swap3A_753, %swap3A_754], %swap3A_757 {strides = array<i32>} : memref<128x128xf32, #tpu.memory_space<vmem>>, vector<1x16xf32>,
      %sub3A_758 = arith.constant 1 : i32
      %sub3A_759 = arith.subi %squeeze3A_638, %sub3A_758 : i32
      %get3A_760 = arith.index_cast %sub3A_759 : i32 to index
      %get3A_761 = arith.constant 32 : index
      %get3A_762 = tpu.vector_load %arg18[%get3A_760, %get3A_761] {strides = array<i32>} : memref<200x64xf32, #tpu.memory_space<vmem>>, vector<1x16xf32>,
      %get3A_763 = vector.shape_cast %get3A_762 : vector<1x16xf32> to vector<16xf32>
      %mul3A_764 = arith.mulf %get3A_763, %div3A_709 : vector<16xf32>
      %swap3A_765 = arith.index_cast %add3A_633 : i32 to index
      %swap3A_766 = arith.constant 96 : index
      %swap3A_767 = tpu.vector_load %arg19[%swap3A_765, %swap3A_766] {strides = array<i32>} : memref<128x128xf32, #tpu.memory_space<vmem>>, vector<1x16xf32>,
      %swap3A_768 = vector.shape_cast %swap3A_767 : vector<1x16xf32> to vector<16xf32>
      %swap3A_769 = vector.shape_cast %mul3A_764 : vector<16xf32> to vector<1x16xf32>
      tpu.vector_store %arg19[%swap3A_765, %swap3A_766], %swap3A_769 {strides = array<i32>} : memref<128x128xf32, #tpu.memory_space<vmem>>, vector<1x16xf32>,
      %sub3A_770 = arith.constant 1 : i32
      %sub3A_771 = arith.subi %squeeze3A_638, %sub3A_770 : i32
      %get3A_772 = arith.index_cast %sub3A_771 : i32 to index
      %get3A_773 = arith.constant 48 : index
      %get3A_774 = tpu.vector_load %arg18[%get3A_772, %get3A_773] {strides = array<i32>} : memref<200x64xf32, #tpu.memory_space<vmem>>, vector<1x16xf32>,
      %get3A_775 = vector.shape_cast %get3A_774 : vector<1x16xf32> to vector<16xf32>
      %mul3A_776 = arith.mulf %get3A_775, %div3A_709 : vector<16xf32>
      %swap3A_777 = arith.index_cast %add3A_633 : i32 to index
      %swap3A_778 = arith.constant 112 : index
      %swap3A_779 = tpu.vector_load %arg19[%swap3A_777, %swap3A_778] {strides = array<i32>} : memref<128x128xf32, #tpu.memory_space<vmem>>, vector<1x16xf32>,
      %swap3A_780 = vector.shape_cast %swap3A_779 : vector<1x16xf32> to vector<16xf32>
      %swap3A_781 = vector.shape_cast %mul3A_776 : vector<16xf32> to vector<1x16xf32>
      tpu.vector_store %arg19[%swap3A_777, %swap3A_778], %swap3A_781 {strides = array<i32>} : memref<128x128xf32, #tpu.memory_space<vmem>>, vector<1x16xf32>,
      %add3A_782 = arith.addi %mul3A_2, %add3A_633 : i32
      %dma_wait3A_783 = arith.constant 0 : i32
      %dma_wait3A_784 = arith.constant 64 : i32
      %dma_wait3A_785 = tpu.memref_slice %arg6[%dma_wait3A_783, %add3A_782, %dma_wait3A_784] : memref<200x4096x128xf32, #tpu.memory_space<hbm>> -> memref<200x1x64xf32, #tpu.memory_space<hbm>>
      %dma_wait3A_786 = tpu.memref_squeeze %dma_wait3A_785 : memref<200x1x64xf32, #tpu.memory_space<hbm>> -> memref<200x64xf32, #tpu.memory_space<hbm>>
      %dma_wait3A_787 = arith.constant 0 : i32
      %dma_wait3A_788 = arith.constant 64 : i32
      %dma_wait3A_789 = tpu.memref_slice %arg6[%dma_wait3A_787, %add3A_782, %dma_wait3A_788] : memref<200x4096x128xf32, #tpu.memory_space<hbm>> -> memref<200x1x64xf32, #tpu.memory_space<hbm>>
      %dma_wait3A_790 = tpu.memref_squeeze %dma_wait3A_789 : memref<200x1x64xf32, #tpu.memory_space<hbm>> -> memref<200x64xf32, #tpu.memory_space<hbm>>
      tpu.wait_dma2 semaphore(%arg32 : memref<!tpu.dma_semaphore, #tpu.memory_space<semaphore_mem>>) src(%arg17 : memref<200x64xf32, #tpu.memory_space<vmem>>) dst(%dma_wait3A_790 : memref<200x64xf32, #tpu.memory_space<hbm>>)
      %add3A_791 = arith.constant 1 : i32
      %add3A_792 = arith.addi %add3A_633, %add3A_791 : i32
      %lt3A_793 = arith.constant 128 : i32
      %lt3A_794 = arith.cmpi slt, %add3A_792, %lt3A_793 : i32
      %convert_element_type3A_795 = arith.extui %lt3A_794 : i1 to i32
      %cond3A_796 = arith.constant 0 : i32
      %cond3A_797 = arith.cmpi ne, %convert_element_type3A_795, %cond3A_796 : i32
      scf.if %cond3A_797 {
        %add3A_799 = arith.constant 1 : i32
        %add3A_800 = arith.addi %add3A_633, %add3A_799 : i32
        %get3A_801 = arith.index_cast %add3A_800 : i32 to index
        %get3A_802 = tpu.vector_load %arg8[%get3A_801] {strides = array<i32>} : memref<128xi32, #tpu.memory_space<vmem>>, vector<1xi32>,
        %get3A_803 = vector.shape_cast %get3A_802 : vector<1xi32> to vector<1xi32>
        %squeeze3A_804 = vector.extract %get3A_803[0] : i32 from vector<1xi32>
        %add3A_805 = arith.constant 1 : i32
        %add3A_806 = arith.addi %add3A_633, %add3A_805 : i32
        %while3A_807 = arith.constant 0 : i32
        %while3A_808 = arith.subi %squeeze3A_638, %squeeze3A_804 : i32
        %while3A_809 = arith.addi %squeeze3A_804, %while3A_808 : i32
        %while3A_810 = arith.constant 1 : i32
        %while3A_811 = arith.divsi %while3A_808, %while3A_810 : i32
        %while3A_812 = arith.muli %while3A_811, %while3A_810 : i32
        %while3A_813 = arith.addi %squeeze3A_804, %while3A_812 : i32
        %while3A_814 = arith.constant 1 : i32
        %while3A_815 = scf.for %while3A_827 = %squeeze3A_804 to %while3A_813 step %while3A_814 iter_args(%while3A_828 = %while3A_807) -> (i32)  : i32 {
          %swap3A_829 = arith.index_cast %while3A_827 : i32 to index
          %swap3A_830 = arith.constant 0 : index
          %swap3A_831 = tpu.vector_load %arg17[%swap3A_829, %swap3A_830] {strides = array<i32>} : memref<200x64xf32, #tpu.memory_space<vmem>>, vector<1x16xf32>,
          %swap3A_832 = vector.shape_cast %swap3A_831 : vector<1x16xf32> to vector<16xf32>
          %swap3A_833 = vector.shape_cast %broadcast_in_dim3A_3 : vector<16xf32> to vector<1x16xf32>
          tpu.vector_store %arg17[%swap3A_829, %swap3A_830], %swap3A_833 {strides = array<i32>} : memref<200x64xf32, #tpu.memory_space<vmem>>, vector<1x16xf32>,
          %swap3A_834 = arith.index_cast %while3A_827 : i32 to index
          %swap3A_835 = arith.constant 16 : index
          %swap3A_836 = tpu.vector_load %arg17[%swap3A_834, %swap3A_835] {strides = array<i32>} : memref<200x64xf32, #tpu.memory_space<vmem>>, vector<1x16xf32>,
          %swap3A_837 = vector.shape_cast %swap3A_836 : vector<1x16xf32> to vector<16xf32>
          %swap3A_838 = vector.shape_cast %broadcast_in_dim3A_3 : vector<16xf32> to vector<1x16xf32>
          tpu.vector_store %arg17[%swap3A_834, %swap3A_835], %swap3A_838 {strides = array<i32>} : memref<200x64xf32, #tpu.memory_space<vmem>>, vector<1x16xf32>,
          %swap3A_839 = arith.index_cast %while3A_827 : i32 to index
          %swap3A_840 = arith.constant 32 : index
          %swap3A_841 = tpu.vector_load %arg17[%swap3A_839, %swap3A_840] {strides = array<i32>} : memref<200x64xf32, #tpu.memory_space<vmem>>, vector<1x16xf32>,
          %swap3A_842 = vector.shape_cast %swap3A_841 : vector<1x16xf32> to vector<16xf32>
          %swap3A_843 = vector.shape_cast %broadcast_in_dim3A_3 : vector<16xf32> to vector<1x16xf32>
          tpu.vector_store %arg17[%swap3A_839, %swap3A_840], %swap3A_843 {strides = array<i32>} : memref<200x64xf32, #tpu.memory_space<vmem>>, vector<1x16xf32>,
          %swap3A_844 = arith.index_cast %while3A_827 : i32 to index
          %swap3A_845 = arith.constant 48 : index
          %swap3A_846 = tpu.vector_load %arg17[%swap3A_844, %swap3A_845] {strides = array<i32>} : memref<200x64xf32, #tpu.memory_space<vmem>>, vector<1x16xf32>,
          %swap3A_847 = vector.shape_cast %swap3A_846 : vector<1x16xf32> to vector<16xf32>
          %swap3A_848 = vector.shape_cast %broadcast_in_dim3A_3 : vector<16xf32> to vector<1x16xf32>
          tpu.vector_store %arg17[%swap3A_844, %swap3A_845], %swap3A_848 {strides = array<i32>} : memref<200x64xf32, #tpu.memory_space<vmem>>, vector<1x16xf32>,
          %while3A_849 = arith.constant 0 : i32
          scf.yield %while3A_849 : i32
        }
        %while3A_816 = arith.constant 1 : i32
        %while3A_817 = scf.for %while3A_827 = %while3A_813 to %while3A_809 step %while3A_816 iter_args(%while3A_828 = %while3A_815) -> (i32)  : i32 {
          %swap3A_829 = arith.index_cast %while3A_827 : i32 to index
          %swap3A_830 = arith.constant 0 : index
          %swap3A_831 = tpu.vector_load %arg17[%swap3A_829, %swap3A_830] {strides = array<i32>} : memref<200x64xf32, #tpu.memory_space<vmem>>, vector<1x16xf32>,
          %swap3A_832 = vector.shape_cast %swap3A_831 : vector<1x16xf32> to vector<16xf32>
          %swap3A_833 = vector.shape_cast %broadcast_in_dim3A_3 : vector<16xf32> to vector<1x16xf32>
          tpu.vector_store %arg17[%swap3A_829, %swap3A_830], %swap3A_833 {strides = array<i32>} : memref<200x64xf32, #tpu.memory_space<vmem>>, vector<1x16xf32>,
          %swap3A_834 = arith.index_cast %while3A_827 : i32 to index
          %swap3A_835 = arith.constant 16 : index
          %swap3A_836 = tpu.vector_load %arg17[%swap3A_834, %swap3A_835] {strides = array<i32>} : memref<200x64xf32, #tpu.memory_space<vmem>>, vector<1x16xf32>,
          %swap3A_837 = vector.shape_cast %swap3A_836 : vector<1x16xf32> to vector<16xf32>
          %swap3A_838 = vector.shape_cast %broadcast_in_dim3A_3 : vector<16xf32> to vector<1x16xf32>
          tpu.vector_store %arg17[%swap3A_834, %swap3A_835], %swap3A_838 {strides = array<i32>} : memref<200x64xf32, #tpu.memory_space<vmem>>, vector<1x16xf32>,
          %swap3A_839 = arith.index_cast %while3A_827 : i32 to index
          %swap3A_840 = arith.constant 32 : index
          %swap3A_841 = tpu.vector_load %arg17[%swap3A_839, %swap3A_840] {strides = array<i32>} : memref<200x64xf32, #tpu.memory_space<vmem>>, vector<1x16xf32>,
          %swap3A_842 = vector.shape_cast %swap3A_841 : vector<1x16xf32> to vector<16xf32>
          %swap3A_843 = vector.shape_cast %broadcast_in_dim3A_3 : vector<16xf32> to vector<1x16xf32>
          tpu.vector_store %arg17[%swap3A_839, %swap3A_840], %swap3A_843 {strides = array<i32>} : memref<200x64xf32, #tpu.memory_space<vmem>>, vector<1x16xf32>,
          %swap3A_844 = arith.index_cast %while3A_827 : i32 to index
          %swap3A_845 = arith.constant 48 : index
          %swap3A_846 = tpu.vector_load %arg17[%swap3A_844, %swap3A_845] {strides = array<i32>} : memref<200x64xf32, #tpu.memory_space<vmem>>, vector<1x16xf32>,
          %swap3A_847 = vector.shape_cast %swap3A_846 : vector<1x16xf32> to vector<16xf32>
          %swap3A_848 = vector.shape_cast %broadcast_in_dim3A_3 : vector<16xf32> to vector<1x16xf32>
          tpu.vector_store %arg17[%swap3A_844, %swap3A_845], %swap3A_848 {strides = array<i32>} : memref<200x64xf32, #tpu.memory_space<vmem>>, vector<1x16xf32>,
          %while3A_849 = arith.constant 0 : i32
          scf.yield %while3A_849 : i32
        }
        %add3A_818 = arith.addi %mul3A_2, %add3A_806 : i32
        %dma_start3A_819 = arith.constant 0 : i32
        %dma_start3A_820 = arith.constant 64 : i32
        %dma_start3A_821 = tpu.memref_slice %arg6[%dma_start3A_819, %add3A_818, %dma_start3A_820] : memref<200x4096x128xf32, #tpu.memory_space<hbm>> -> memref<200x1x64xf32, #tpu.memory_space<hbm>>
        %dma_start3A_822 = tpu.memref_squeeze %dma_start3A_821 : memref<200x1x64xf32, #tpu.memory_space<hbm>> -> memref<200x64xf32, #tpu.memory_space<hbm>>
        %dma_start3A_823 = arith.constant 0 : i32
        %dma_start3A_824 = arith.constant 64 : i32
        %dma_start3A_825 = tpu.memref_slice %arg6[%dma_start3A_823, %add3A_818, %dma_start3A_824] : memref<200x4096x128xf32, #tpu.memory_space<hbm>> -> memref<200x1x64xf32, #tpu.memory_space<hbm>>
        %dma_start3A_826 = tpu.memref_squeeze %dma_start3A_825 : memref<200x1x64xf32, #tpu.memory_space<hbm>> -> memref<200x64xf32, #tpu.memory_space<hbm>>
        tpu.enqueue_dma source(%arg17 : memref<200x64xf32, #tpu.memory_space<vmem>>) target(%dma_start3A_826 : memref<200x64xf32, #tpu.memory_space<hbm>>) target_semaphore(%arg32 : memref<!tpu.dma_semaphore, #tpu.memory_space<semaphore_mem>>)
      } else {
      }
      %scan3A_798 = arith.constant 0 : i32
      scf.yield %scan3A_798 : i32
    }
    %scan3A_116 = arith.constant 32 : i32
    %add3A_117 = arith.constant 126 : i32
    %add3A_118 = arith.addi %mul3A_2, %add3A_117 : i32
    %dma_wait3A_119 = arith.constant 0 : i32
    %dma_wait3A_120 = arith.constant 0 : i32
    %dma_wait3A_121 = tpu.memref_slice %arg6[%dma_wait3A_119, %add3A_118, %dma_wait3A_120] : memref<200x4096x128xf32, #tpu.memory_space<hbm>> -> memref<200x1x64xf32, #tpu.memory_space<hbm>>
    %dma_wait3A_122 = tpu.memref_squeeze %dma_wait3A_121 : memref<200x1x64xf32, #tpu.memory_space<hbm>> -> memref<200x64xf32, #tpu.memory_space<hbm>>
    %dma_wait3A_123 = arith.constant 0 : i32
    %dma_wait3A_124 = arith.constant 0 : i32
    %dma_wait3A_125 = tpu.memref_slice %arg6[%dma_wait3A_123, %add3A_118, %dma_wait3A_124] : memref<200x4096x128xf32, #tpu.memory_space<hbm>> -> memref<200x1x64xf32, #tpu.memory_space<hbm>>
    %dma_wait3A_126 = tpu.memref_squeeze %dma_wait3A_125 : memref<200x1x64xf32, #tpu.memory_space<hbm>> -> memref<200x64xf32, #tpu.memory_space<hbm>>
    tpu.wait_dma2 semaphore(%arg30 : memref<!tpu.dma_semaphore, #tpu.memory_space<semaphore_mem>>) src(%arg15 : memref<200x64xf32, #tpu.memory_space<vmem>>) dst(%dma_wait3A_126 : memref<200x64xf32, #tpu.memory_space<hbm>>)
    %add3A_127 = arith.constant 127 : i32
    %add3A_128 = arith.addi %mul3A_2, %add3A_127 : i32
    %dma_wait3A_129 = arith.constant 0 : i32
    %dma_wait3A_130 = arith.constant 0 : i32
    %dma_wait3A_131 = tpu.memref_slice %arg6[%dma_wait3A_129, %add3A_128, %dma_wait3A_130] : memref<200x4096x128xf32, #tpu.memory_space<hbm>> -> memref<200x1x64xf32, #tpu.memory_space<hbm>>
    %dma_wait3A_132 = tpu.memref_squeeze %dma_wait3A_131 : memref<200x1x64xf32, #tpu.memory_space<hbm>> -> memref<200x64xf32, #tpu.memory_space<hbm>>
    %dma_wait3A_133 = arith.constant 0 : i32
    %dma_wait3A_134 = arith.constant 0 : i32
    %dma_wait3A_135 = tpu.memref_slice %arg6[%dma_wait3A_133, %add3A_128, %dma_wait3A_134] : memref<200x4096x128xf32, #tpu.memory_space<hbm>> -> memref<200x1x64xf32, #tpu.memory_space<hbm>>
    %dma_wait3A_136 = tpu.memref_squeeze %dma_wait3A_135 : memref<200x1x64xf32, #tpu.memory_space<hbm>> -> memref<200x64xf32, #tpu.memory_space<hbm>>
    tpu.wait_dma2 semaphore(%arg31 : memref<!tpu.dma_semaphore, #tpu.memory_space<semaphore_mem>>) src(%arg16 : memref<200x64xf32, #tpu.memory_space<vmem>>) dst(%dma_wait3A_136 : memref<200x64xf32, #tpu.memory_space<hbm>>)
    "tpu.region"() ({
      %run_scoped3A = tpu.sem_alloc : memref<!tpu.dma_semaphore, #tpu.memory_space<semaphore_mem>>
      %dma_start3A_137 = arith.constant 0 : i32
      %dma_start3A_138 = tpu.memref_slice %arg7[%mul3A_2, %dma_start3A_137] : memref<4096x128xf32, #tpu.memory_space<hbm>> -> memref<128x128xf32, #tpu.memory_space<hbm>>
      %dma_start3A_139 = arith.constant 0 : i32
      %dma_start3A_140 = tpu.memref_slice %arg7[%mul3A_2, %dma_start3A_139] : memref<4096x128xf32, #tpu.memory_space<hbm>> -> memref<128x128xf32, #tpu.memory_space<hbm>>
      tpu.enqueue_dma source(%arg19 : memref<128x128xf32, #tpu.memory_space<vmem>>) target(%dma_start3A_140 : memref<128x128xf32, #tpu.memory_space<hbm>>) target_semaphore(%run_scoped3A : memref<!tpu.dma_semaphore, #tpu.memory_space<semaphore_mem>>)
      %dma_wait3A_141 = arith.constant 0 : i32
      %dma_wait3A_142 = tpu.memref_slice %arg7[%mul3A_2, %dma_wait3A_141] : memref<4096x128xf32, #tpu.memory_space<hbm>> -> memref<128x128xf32, #tpu.memory_space<hbm>>
      %dma_wait3A_143 = arith.constant 0 : i32
      %dma_wait3A_144 = tpu.memref_slice %arg7[%mul3A_2, %dma_wait3A_143] : memref<4096x128xf32, #tpu.memory_space<hbm>> -> memref<128x128xf32, #tpu.memory_space<hbm>>
      tpu.wait_dma2 semaphore(%run_scoped3A : memref<!tpu.dma_semaphore, #tpu.memory_space<semaphore_mem>>) src(%arg19 : memref<128x128xf32, #tpu.memory_space<vmem>>) dst(%dma_wait3A_144 : memref<128x128xf32, #tpu.memory_space<hbm>>)
      tpu.yield
    }) : () -> ()
    return
  }
}

module attributes {stable_mosaic.version = 14 : i64} {
  func.func @_tr_body(%arg0: i32, %arg1: memref<200x128xi32, #tpu.memory_space<vmem>>, %arg2: memref<128x200xi32, #tpu.memory_space<vmem>>) attributes {dimension_semantics = [#tpu.dimension_semantics<arbitrary>], iteration_bounds = array<i64: 32>, scalar_prefetch = 0 : i64, scratch_operands = 0 : i64, tpu.core_type = #tpu.core_type<tc>, window_params = [{transform_indices = @transform_0, window_bounds = array<i64: 200, 128>}, {transform_indices = @transform_1, window_bounds = array<i64: 128, 200>}]} {
    %get3A = arith.constant 0 : index
    %get3A_0 = arith.constant 0 : index
    %get3A_1 = vector.load %arg1[%get3A, %get3A_0] : memref<200x128xi32, #tpu.memory_space<vmem>>, vector<200x128xi32>
    %transpose3A = tpu.transpose %get3A_1, [1, 0] : vector<200x128xi32> -> vector<128x200xi32>
    %swap3A = arith.constant 0 : index
    %swap3A_2 = arith.constant 0 : index
    %swap3A_3 = vector.load %arg2[%swap3A, %swap3A_2] : memref<128x200xi32, #tpu.memory_space<vmem>>, vector<128x200xi32>
    tpu.vector_store %arg2[%swap3A, %swap3A_2], %transpose3A {strides = array<i32>} : memref<128x200xi32, #tpu.memory_space<vmem>>, vector<128x200xi32>,
    return
  }
  func.func @transform_0(%arg0: i32) -> (i32, i32) {
    %c0_i32 = arith.constant 0 : i32
    %c0_i32_0 = arith.constant 0 : i32
    return %c0_i32, %arg0 : i32, i32
  }
  func.func @transform_1(%arg0: i32) -> (i32, i32) {
    %c0_i32 = arith.constant 0 : i32
    %c0_i32_0 = arith.constant 0 : i32
    return %arg0, %c0_i32 : i32, i32
  }
}

</mosaic_0001>

<sc_bundles>
// kernel: kernel.4.cloned.1.call-start
scs
__scs_entry_jumppad:
0x0: {  	(pc) =	sbr.rel $0x88, $3  }
0x1: {  	(tag) =	ssettag $0x0;
	lr =	simm.s32 $0x1  }
0x2: {  	[smem:$0x3F9D] =	sst lr;
	_ =	strace $0xD0000000  }
0x3: {  	_ = 	snop  }
0x4: {  	_ = 	snop  }
0x5: {  	_ = 	snop  }
0x6: {  	_ = 	snop  }
0x7: {  	_ = 	snop  }
__scs_overlays_trampoline_lowered:
0x8: {  	[smem:$0x3FAC] =	sst s0  }
0x9: {  	[smem:$0x3FAD] =	sst s1  }
0xa: {  	[smem:$0x3FAE] =	sst s2  }
0xb: {  	[smem:$0x3FAF] =	sst s3  }
0xc: {  	[smem:$0x3FB0] =	sst s4  }
0xd: {  	[smem:$0x3FB1] =	sst s5  }
0xe: {  	[smem:$0x3FB2] =	sst s6  }
0xf: {  	[smem:$0x3FB3] =	sst s7  }
0x10: {  	[smem:$0x3FB4] =	sst s8  }
0x11: {  	[smem:$0x3FB5] =	sst s9;
	s0 =	simm.s32 @!p0 $0x0  }
0x12: {  	s1 =	sld [smem:$0x3F9B];
	s0 =	simm.s32 @p0 $0x1  }
0x13: {  	[smem:$0x3FB6] =	sst s0;
	s0 =	simm.s32 @!p1 $0x0  }
0x14: {  	s2 =	sld [smem:$0x3F9A];
	s0 =	simm.s32 @p1 $0x1  }
0x15: {  	[smem:$0x3FB7] =	sst s0;
	s0 =	simm.s32 @!p2 $0x0  }
0x16: {  	s3 =	sld [smem:$0x3FDB];
	s0 =	simm.s32 @p2 $0x1  }
0x17: {  	s4 =	simm.s32 $0x1BF5;
	[smem:$0x3FB9] =	sst s0  }
0x18: {  	s0 =	sld [smem:$0x3F9C];
	_ =	swait.ge [sflag:s4], $0x0  }
0x19: {  	s7 =	sld [smem:$0x3F9D]  }
0x1a: {  	s8 =	sadd.s32 $0xFFFFE003, lr  }
0x1b: {  	s9 =	sadd.s32 $0xFFFFFEF7, lr;
	s5 =	simm.s32 $0xFFFFFFFF;
	p2 =	slt.u32 s8, $0xFFFFF086  }
0x1c: {  	p1 =	slt.u32 s9, $0xF7A;
	s5 =	simm.s32 @!p2 $0x0  }
0x1d: {  	s5 =	simm.s32 @p1 $0x1;
	p0 =	seq.s32 s7, s2  }
0x1e: {  	s7 =	smul.u32 @!p0 $0xF7A, s2;
	p2 =	seq.s32 @!p0 s5, $0x0  }
0x1f: {  	s9 =	smul.u32 $0xF7A, s1;
	s8 =	simm.s32 @!p0 $0x1BF5;
	p2 =	por !p2, p0  }
0x20: {  	[sflag:s8] =	ssyncset.s32 @!p0 $0xFFFFF086;
	s6 =	sadd.s32 @!p0 s3, s7;
	s7 =	simm.s32 @!p0 $0x108  }
0x21: {  	s3 =	sadd.s32 s3, s9;
	s6 =	sadd.s32 @!p0 $0x88, s6;
	s7 =	simm.s32 @p2 $0x1082  }
0x22: {  	[simem:s7], [sflag:s8] =	dma.local @!p0 [hbm:s6], $0xF7A  }
0x23: {  	s9 =	sor.u32 $0xD0000000, s2;
	s6 =	simm.s32 $0x108;
	_ =	swait.ge @!p0 [sflag:s8], $0x0  }
0x24: {  	s3 =	sadd.s32 $0x88, s3;
	s6 =	simm.s32 @!p1 $0x1082;
	[sflag:s4] =	ssyncset.s32 $0xFFFFF086  }
0x25: {  	[simem:s6], [sflag:s4] =	dma.local [hbm:s3], $0xF7A  }
0x26: {  	[smem:$0x3F9D] =	sst s1;
	(tag) =	ssettag s2;
	_ =	strace s9  }
0x27: {  	s1 =	sld [smem:$0x3FAD]  }
0x28: {  	s2 =	sld [smem:$0x3FAE]  }
0x29: {  	s4 =	sld [smem:$0x3FB0]  }
0x2a: {  	p0 =	seq.s32 s5, $0x0;
	s5 =	sld [smem:$0x3FB1]  }
0x2b: {  	s6 =	sld [smem:$0x3FB2]  }
0x2c: {  	s7 =	sld [smem:$0x3FB3]  }
0x2d: {  	s3 =	simm.s32 $0x108;
	s8 =	sld [smem:$0x3FB4]  }
0x2e: {  	s3 =	simm.s32 @!p0 $0x1082;
	s9 =	sld [smem:$0x3FB5]  }
0x2f: {  	lr =	sadd.s32 s0, s3;
	s0 =	sld [smem:$0x3FAC]  }
0x30: {  	s3 =	sld [smem:$0x3FAF]  }
0x31: {  	[smem:$0x3FB8] =	sst s10  }
0x32: {  	s10 =	sld [smem:$0x3FB6];
	_ =	sdelay $0x3  }
0x33: {  	p0 =	seq.s32 s10, $0x1;
	s10 =	sld [smem:$0x3FB8];
	_ =	sdelay $0x3  }
0x34: {  	[smem:$0x3FB8] =	sst s10  }
0x35: {  	s10 =	sld [smem:$0x3FB7];
	_ =	sdelay $0x3  }
0x36: {  	p1 =	seq.s32 s10, $0x1;
	s10 =	sld [smem:$0x3FB8];
	_ =	sdelay $0x3  }
0x37: {  	[smem:$0x3FB8] =	sst s10  }
0x38: {  	s10 =	sld [smem:$0x3FB9]  }
0x39: {  	_ = 	snop;
	(pc) =	sbr.ind lr, $3  }
0x3a: {  	_ = 	snop  }
0x3b: {  	_ = 	snop  }
0x3c: {  	p2 =	seq.s32 s10, $0x1;
	s10 =	sld [smem:$0x3FB8]  }
0x3d: {  	_ =	shalt  }
0x3e: {  	_ =	shalt  }
0x3f: {  	_ =	shalt  }
0x40: {  	_ =	shalt  }
0x41: {  	_ =	shalt  }
0x42: {  	_ =	shalt  }
0x43: {  	_ =	shalt  }
0x44: {  	_ =	shalt  }
0x45: {  	_ =	shalt  }
0x46: {  	_ =	shalt  }
0x47: {  	_ =	shalt  }
0x48: {  	_ =	shalt  }
0x49: {  	_ =	shalt  }
0x4a: {  	_ =	shalt  }
0x4b: {  	_ =	shalt  }
0x4c: {  	_ =	shalt  }
0x4d: {  	_ =	shalt  }
0x4e: {  	_ =	shalt  }
0x4f: {  	_ =	shalt  }
0x50: {  	_ =	shalt  }
0x51: {  	_ =	shalt  }
0x52: {  	_ =	shalt  }
0x53: {  	_ =	shalt  }
0x54: {  	_ =	shalt  }
0x55: {  	_ =	shalt  }
0x56: {  	_ =	shalt  }
0x57: {  	_ =	shalt  }
0x58: {  	_ =	shalt  }
0x59: {  	_ =	shalt  }
0x5a: {  	_ =	shalt  }
0x5b: {  	_ =	shalt  }
0x5c: {  	_ =	shalt  }
0x5d: {  	_ =	shalt  }
0x5e: {  	_ =	shalt  }
0x5f: {  	_ =	shalt  }
0x60: {  	_ =	shalt  }
0x61: {  	_ =	shalt  }
0x62: {  	_ =	shalt  }
0x63: {  	_ =	shalt  }
0x64: {  	_ =	shalt  }
0x65: {  	_ =	shalt  }
0x66: {  	_ =	shalt  }
0x67: {  	_ =	shalt  }
0x68: {  	_ =	shalt  }
0x69: {  	_ =	shalt  }
0x6a: {  	_ =	shalt  }
0x6b: {  	_ =	shalt  }
0x6c: {  	_ =	shalt  }
0x6d: {  	_ =	shalt  }
0x6e: {  	_ =	shalt  }
0x6f: {  	_ =	shalt  }
0x70: {  	_ =	shalt  }
0x71: {  	_ =	shalt  }
0x72: {  	_ =	shalt  }
0x73: {  	_ =	shalt  }
0x74: {  	_ =	shalt  }
0x75: {  	_ =	shalt  }
0x76: {  	_ =	shalt  }
0x77: {  	_ =	shalt  }
0x78: {  	_ =	shalt  }
0x79: {  	_ =	shalt  }
0x7a: {  	_ =	shalt  }
0x7b: {  	_ =	shalt  }
0x7c: {  	_ =	shalt  }
0x7d: {  	_ =	shalt  }
0x7e: {  	_ =	shalt  }
0x7f: {  	_ =	shalt  }
0x80: {  	_ =	shalt  }
0x81: {  	_ =	shalt  }
0x82: {  	_ =	shalt  }
0x83: {  	_ =	shalt  }
0x84: {  	_ =	shalt  }
0x85: {  	_ =	shalt  }
0x86: {  	_ =	shalt  }
0x87: {  	_ =	shalt  }
.Lfunc_end0:
.L_simem_size_0:
called_computation_lowered:
.L_overlay_start_0:
0x88: {  	s2 =	sld [smem:$0x3FD9]  }
0x89: {  	s3 =	sld [smem:$0x3FFE];
	_ =	sdelay $0x1  }
0x8a: {  	s1 =	srdreg.scid  }
0x8b: {  	s0 =	sand.u32 $0x1, s1  }
0x8c: {  	s14 =	sshll.u32 s0, $0xA;
	s2 =	sadd.s32 s3, s2  }
0x8d: {  	s2 =	sadd.s32 s2, s14  }
0x8e: {  	[smem:$0x3FC4] =	sst s2  }
0x8f: {  	_ = 	snop  }
0x90: {  	s2 =	sld [smem:$0x3FD0];
	_ =	sdelay $0x2  }
0x91: {  	s4 =	simm.s32 $0xA;
	s5 =	simm.s32 $0x10;
	s15 =	sld [smem:$0x3FC8]  }
0x92: {  	[smem:s5], [sflag:s4] =	dma.local [hbm:s2], $0x1  }
0x93: {  	_ =	swait.eq [sflag:s4], $0x1  }
0x94: {  	[sflag:s4] =	ssyncset.done $0x0  }
0x95: {  	s16 =	sld [smem:$0x10];
	[sflag:s4] =	ssyncadd.s32 $0xFFFFFFFF  }
0x96: {  	s17 =	sld [smem:$0x11];
	(tm) =	ssettm $0x1  }
0x97: {  	s18 =	sld [smem:$0x3FFB];
	_ =	sdelay $0x3  }
0x98: {  	_ =	strace s18  }
0x99: {  	s5 =	sld [smem:$0x3FFC];
	_ =	sdelay $0x3  }
0x9a: {  	_ =	strace s5  }
0x9b: {  	s5 =	sld [smem:$0x3FFD];
	_ =	sdelay $0x3  }
0x9c: {  	_ =	strace s5  }
0x9d: {  	_ =	strace $0x8FFFFFFF  }
0x9e: {  	s19 =	sld [smem:$0x3FDB];
	_ =	sdelay $0x1  }
0x9f: {  	s6 =	simm.s32 $_scs_section_size  }
0xa0: {  	s7 =	simm.s32 $_size__tile_overlayer_lowered;
	s8 =	simm.s32 $_tile_overlayer_lowered  }
0xa1: {  	s22 =	simm.s32 $0x1BFF;
	s21 =	sshll.u32 s8, $0x1;
	s5 =	sadd.s32 s6, s19  }
0xa2: {  	s9 =	simm.s32 $0x0;
	s20 =	sshll.u32 s7, $0x1;
	s7 =	sadd.s32 s21, s5  }
0xa3: {  	[timem:s9], [sflag:s22] =	dma.local [hbm:s7], s20  }
0xa4: {  	_ =	swait.ge [sflag:s22], s20  }
0xa5: {  	s6 =	ssub.s32 $0x0, s20;
	[sflag:s22] =	ssyncset.done $0x0  }
0xa6: {  	[sflag:s22] =	ssyncadd.s32 s6;
	_ =	sdelay $0x1  }
0xa7: {  	s23 =	simm.s32 $0x1B8B  }
0xa8: {  	_ =	swait.ge [sflag:s23], $0x1  }
0xa9: {  	[sflag:s23] =	ssyncset.done $0x0  }
0xaa: {  	s25 =	simm.s32 $0x1B8E;
	s24 =	sld [smem:$0x3FFE];
	[sflag:s23] =	ssyncadd.s32 $0xFFFFFFFF  }
0xab: {  	s26 =	simm.s32 $execute0_lowered;
	[smem:$0x3FD2] =	sst s25  }
0xac: {  	s7 =	sshll.u32 s26, $0x1;
	_ =	strace $0x80000046;
	[dreg:$0x1] =	wrdreg $0xFFFFFFFF  }
0xad: {  	s28 =	simm.s32 $_size_execute0_lowered;
	s5 =	sadd.s32 s5, s7;
	[dreg:$0x0] =	wrdreg $0x0  }
0xae: {  	s7 =	sshll.u32 s28, $0x1;
	[dreg:$0x2] =	wrdreg s5  }
0xaf: {  	[dreg:$0x3] =	wrdreg s7  }
0xb0: {  	[dreg:$0x4] =	wrdreg $0xC0  }
0xb1: {  	_ =	task [dreg:s9], $0x5FFFF  }
0xb2: {  	[dreg:$0x1] =	wrdreg $0xFFFFFFFF  }
0xb3: {  	[dreg:$0x0] =	wrdreg $0x60  }
0xb4: {  	[dreg:$0x2] =	wrdreg s24  }
0xb5: {  	[dreg:$0x3] =	wrdreg s15  }
0xb6: {  	[dreg:$0x4] =	wrdreg s16  }
0xb7: {  	[dreg:$0x5] =	wrdreg s17  }
0xb8: {  	[dreg:$0x6] =	wrdreg $0x9  }
0xb9: {  	_ =	task.clear_ibuf [dreg:s9], $0x7FFFF;
	_ =	strace $0x90000046  }
0xba: {  	s29 =	simm.s32 $0x9;
	_ =	strace $0x80000048  }
0xbb: {  	_ =	swait.ge [sflag:s29], $0x1  }
0xbc: {  	[sflag:s29] =	ssyncadd.s32 $0xFFFFFFFF  }
0xbd: {  	_ =	strace $0x90000048  }
0xbe: {  	_ =	sfence  }
0xbf: {  	s30 =	sld [smem:$0x0];
	_ =	sdelay $0x2  }
0xc0: {  	s31 =	sshll.u32 s1, $0xD;
	s1 =	sshrl.u32 s1, $0x2  }
0xc1: {  	s3 =	sand.u32 $0x4000, s31;
	s1 =	sadd.s32 s1, s30  }
0xc2: {  	s0 =	sor.u32 s3, s0;
	s1 =	sshll.u32 s1, $0x11  }
0xc3: {  	s0 =	sor.u32 s1, s0  }
0xc4: {  	s0 =	sadd.s32 $0x8F2B, s0  }
0xc5: {  	[sflag:s0] =	ssyncadd.remote.s32 $0x1  }
0xc6: {  	_ =	sfence.sel $0xFFFF  }
0xc7: {  	[dreg:$0x0] =	wrdreg $0xFFFFFFFF;
	(pc) =	sbr.abs _section_cstart, $3  }
0xc8: {  	[dreg:$0x1] =	wrdreg $0xFFFFFFFF  }
0xc9: {  	_ =	task.clear_ibuf [dreg:s9], $0x2FFFF;
	_ =	strace $0x9FFFFFFF  }
0xca: {  	(tm) =	ssettm $0x7FFFFFFF  }
0xcb: {  	_ =	shalt  }
tec
execute0_lowered:
.L_overlay_start_1:
0x0: {  	(tag) =	ssettag $0x1  }
0x1: {  	s0 =	rddreg [dreg:$0x0]  }
0x2: {  	s1 =	rddreg [dreg:$0x1]  }
0x3: {  	s2 =	rddreg [dreg:$0x2]  }
0x4: {  	s3 =	rddreg [dreg:$0x3]  }
0x5: {  	s4 =	srdreg.scid;
	s5 =	stileid.u32  }
0x6: {  	s20 =	simm.s32 $0x0;
	s10 =	simm.s32 $0xE;
	s28 =	simm.s32 $0x68  }
0x7: {  	s30 =	simm.s32 $0x60;
	s11 =	simm.s32 $0x5;
	s13 =	simm.s32 $0xD  }
0x8: {  	s14 =	simm.s32 $0x4;
	s18 =	simm.s32 $0x99A0;
	s19 =	simm.s32 $0x0  }
0x9: {  	s7 =	sand.u32 $0x1, s4;
	s21 =	sshll.u32 s5, $0x8;
	[smem:$0x7FF] =	sst s20  }
0xa: {  	s5 =	sadd.s32 $0xC00, s0;
	s6 =	sadd.s32 $0xF43000, s0;
	s0 =	sadd.s32 $0x19C00, s0  }
0xb: {  	s12 =	sadd.s32 $0x8, s2;
	s22 =	sshll.u32 s7, $0x7;
	_ =	strace $0x80000047  }
0xc: {  	[dreg:$0x5] =	wrdreg s0;
	s23 =	ssub.s32 $0x2, s7;
	s4 =	sor.u32 s22, s21  }
0xd: {  	s7 =	sshrl.u32 s23, $0x1;
	s21 =	simm.s32 $0xCBA0;
	s22 =	simm.s32 $0x3  }
0xe: {  	s8 =	smul.u32 $0x19, s4;
	s9 =	sshrl.u32 s4, $0x3;
	s0 =	ssub.s32 s23, s7  }
0xf: {  	s26 =	sshll.u32 s4, $0x4;
	s15 =	sor.u32 $0x5, s4;
	s1 =	sadd.s32 s1, s9  }
0x10: {  	s16 =	sor.u32 $0x6, s4;
	s31 =	sadd.s32 s26, s12;
	[dreg:$0x7] =	wrdreg s1  }
0x11: {  	s17 =	sor.u32 $0x7, s4;
	s0 =	smax.u32 s0, $0x1;
	[dreg:$0xb] =	wrdreg s31  }
0x12: {  	s7 =	simm.s32 $0x80000;
	s8 =	sadd.s32 s5, s8;
	[dreg:$0xd] =	wrdreg s0  }
.Ltmp0:
0x13: {  	s1 =	sadd.s32 s3, s26;
	[dreg:$0x6] =	wrdreg s8;
	(pc) =	sbr.rel .LBB2_1-.Ltmp0, $4  }
0x14: {  	s9 =	simm.s32 $0x67A0;
	s24 =	sadd.s32 $0x19, s8;
	[dreg:$0xc] =	wrdreg s1  }
0x15: {  	s0 =	simm.s32 $0x40;
	s25 =	sadd.s32 $0x32, s8;
	[dreg:$0x8] =	wrdreg s24  }
0x16: {  	s26 =	simm.s32 $0x6;
	s29 =	sadd.s32 $0x4B, s8;
	[dreg:$0x9] =	wrdreg s25  }
0x17: {  	v0 =	vimm.f32 $0.0e+00;
	s3 =	simm.s32 $0xA;
	s1 =	simm.s32 $0x9;
	[dreg:$0xa] =	wrdreg s29  }
.LBB2_62:
0x18: {  	s8 =	simm.s32 $0xB  }
0x19: {  	_ =	swait.ge [sflag:s8], $0x3200  }
0x1a: {  	[sflag:s8] =	ssyncset.done $0x0  }
0x1b: {  	s25 =	simm.s32 $0xC;
	[sflag:s8] =	ssyncadd.s32 $0xFFFFCE00  }
0x1c: {  	_ =	swait.ge [sflag:s25], $0x3200  }
0x1d: {  	s20 =	simm.s32 $0x0;
	[sflag:s25] =	ssyncset.done $0x0  }
0x1e: {  	s10 =	simm.s32 $0x12FA0;
	s29 =	rddreg [dreg:$0xc];
	[sflag:s25] =	ssyncadd.s32 $0xFFFFCE00  }
0x1f: {  	[hbm4b:s29+s20] =	stream.linear.scatter [tilespmem:s10], [sflag:$0xE], $0x4000, $0x38;
	[tilespmem:$0x16FA0] =	vst v63  }
0x20: {  	s10 =	simm.s32 $0xE  }
0x21: {  	_ =	swait.ge [sflag:s10], $0x4000  }
0x22: {  	s19 =	rddreg [dreg:$0xe]  }
0x23: {  	s31 =	rddreg [dreg:$0xd];
	s19 =	sadd.s32 $0x1, s19  }
0x24: {  	p0 =	sne.s32 s19, s31  }
.Ltmp1:
0x25: {  	_ = 	snop;
	(pc) =	sbr.rel @!p0 .LBB2_63-.Ltmp1, $3  }
0x26: {  	_ =	sdelay $0x1  }
0x27: {  	[sflag:s10] =	ssyncset.done $0x0  }
0x28: {  	[sflag:s10] =	ssyncadd.s32 $0xFFFFC000  }
.LBB2_1:
0x29: {  	[dreg:$0xe] =	wrdreg s19  }
0x2a: {  	s8 =	rddreg [dreg:$0x7]  }
0x2b: {  	[tilespmem:s20], [sflag:$0xE] =	stream.linear.gather [hbm4b:s8+s20], $0x80, $0x38;
	[tilespmem:$0x16FA0] =	vst v63  }
0x2c: {  	_ =	swait.ge [sflag:s10], $0x80  }
0x2d: {  	[sflag:s10] =	ssyncset.done $0x0  }
0x2e: {  	s31 =	rddreg [dreg:$0x5];
	[sflag:s10] =	ssyncadd.s32 $0xFFFFFF80  }
0x2f: {  	[tilespmem:s21], [sflag:$0xE] =	stream.linear.gather [hbm4b:s31+s20], $0x3200, $0x38;
	[tilespmem:$0x16FA0] =	vst v63  }
0x30: {  	_ =	swait.ge [sflag:s10], $0x3200  }
0x31: {  	[sflag:s10] =	ssyncset.done $0x0  }
0x32: {  	s8 =	simm.s32 $0x0;
	[sflag:s10] =	ssyncadd.s32 $0xFFFFCE00  }
0x33: {  	v1 =	vld [tilespmem:s8+$0xCBD0]  }
0x34: {  	v2 =	vld [tilespmem:s8+$0xCBA0]  }
0x35: {  	v5 =	vld [tilespmem:s8+$0xCBB0]  }
0x36: {  	v4 =	vimm.f32 $0.0e+00;
	v3 =	vld [tilespmem:s8+$0xCBC0]  }
0x37: {  	v7 =	vimm.f32 $0.0e+00;
	v8 =	vimm.f32 $0.0e+00;
	v6 =	vimm.f32 $0.0e+00;
	s10 =	simm.s32 $0x100  }
.LBB2_2:
0x38: {  	s19 =	sshra.s32 s10, $0x2;
	p0 =	sne.s32 s10, $0xC700;
	s10 =	sadd.s32 $0x100, s10;
	v4 =	vadd.f32 v1, v4  }
.Ltmp2:
0x39: {  	v1 =	vld [tilespmem:s19+$0xCBD0];
	v7 =	vadd.f32 v2, v7;
	(pc) =	sbr.rel @p0 .LBB2_2-.Ltmp2, $4  }
0x3a: {  	v2 =	vld [tilespmem:s19+$0xCBA0];
	v8 =	vadd.f32 v5, v8;
	[tilespmem:s8+$0xFDD0] =	vst v4  }
0x3b: {  	v5 =	vld [tilespmem:s19+$0xCBB0];
	[tilespmem:s8+$0xFDA0] =	vst v7;
	v6 =	vadd.f32 v3, v6  }
0x3c: {  	v3 =	vld [tilespmem:s19+$0xCBC0];
	[tilespmem:s8+$0xFDB0] =	vst v8  }
0x3d: {  	[tilespmem:s8+$0xFDC0] =	vst v6;
	s8 =	smov.u32 s19  }
0x3e: {  	v1 =	vadd.f32 v1, v4  }
0x3f: {  	v2 =	vadd.f32 v2, v7  }
0x40: {  	v63 =	vadd.f32 v5, v8;
	[tilespmem:s8+$0xFDD0] =	vst v1  }
0x41: {  	[tilespmem:s8+$0xFDA0] =	vst v2;
	v1 =	vadd.f32 v3, v6  }
0x42: {  	[tilespmem:s8+$0xFDB0] =	vst v63  }
0x43: {  	s25 =	rddreg [dreg:$0x6];
	s10 =	simm.s32 $0x80;
	[tilespmem:s8+$0xFDC0] =	vst v1  }
0x44: {  	[tilespmem:s10], [sflag:$0x1] =	stream.linear.gather [hbm4b:s25+s20], $0xC8, $0x38;
	[tilespmem:$0x16FA0] =	vst v63  }
0x45: {  	s29 =	rddreg [dreg:$0x8];
	s19 =	simm.s32 $0x148  }
0x46: {  	[tilespmem:s19], [sflag:$0x2] =	stream.linear.gather [hbm4b:s29+s20], $0xC8, $0x38;
	[tilespmem:$0x16FA0] =	vst v63  }
0x47: {  	s31 =	rddreg [dreg:$0x9];
	s23 =	simm.s32 $0x210  }
0x48: {  	[tilespmem:s23], [sflag:$0x3] =	stream.linear.gather [hbm4b:s31+s20], $0xC8, $0x38;
	[tilespmem:$0x16FA0] =	vst v63  }
0x49: {  	s24 =	rddreg [dreg:$0xa];
	s25 =	simm.s32 $0x2D8;
	s29 =	simm.s32 $0x1  }
0x4a: {  	[tilespmem:s25], [sflag:$0x4] =	stream.linear.gather [hbm4b:s24+s20], $0xC8, $0x38;
	[tilespmem:$0x16FA0] =	vst v63  }
0x4b: {  	_ =	swait.ge [sflag:s29], $0xC8  }
0x4c: {  	[sflag:s29] =	ssyncset.done $0x0  }
0x4d: {  	s31 =	simm.s32 $0x3A0;
	[sflag:s29] =	ssyncadd.s32 $0xFFFFFF38  }
0x4e: {  	[tilespmem:s31], [sflag:$0x5] =	stream.indirect.gather [hbm4b:s6+s28], $0x40, s10, s28, $0xb8;
	[tilespmem:$0x16FA0] =	vst v63  }
0x4f: {  	s23 =	simm.s32 $0x1DA0;
	s20 =	simm.s32 $0xE8;
	s24 =	simm.s32 $0x2  }
0x50: {  	[tilespmem:s23], [sflag:$0x5] =	stream.indirect.gather [hbm4b:s6+s30], $0x40, s20, s30, $0xb8;
	[tilespmem:$0x16FA0] =	vst v63  }
0x51: {  	_ =	swait.ge [sflag:s24], $0xC8  }
0x52: {  	[sflag:s24] =	ssyncset.done $0x0  }
0x53: {  	s25 =	simm.s32 $0x35A0;
	[sflag:s24] =	ssyncadd.s32 $0xFFFFFF38  }
0x54: {  	[tilespmem:s25], [sflag:$0x6] =	stream.indirect.gather [hbm4b:s6+s28], $0x40, s19, s28, $0xb8;
	[tilespmem:$0x16FA0] =	vst v63  }
0x55: {  	s29 =	simm.s32 $0x1B0;
	s31 =	simm.s32 $0x4FA0  }
0x56: {  	[tilespmem:s31], [sflag:$0x6] =	stream.indirect.gather [hbm4b:s6+s30], $0x40, s29, s30, $0xb8;
	[tilespmem:$0x16FA0] =	vst v63  }
0x57: {  	v1 =	vld.msk [tilespmem:$0x0], $0x1;
	_ =	sdelay $0x4  }
0x58: {  	(v2sf) =	vpush v1, $0x0;
	_ =	sdelay $0xe  }
0x59: {  	s10 =	spop (v2sf)  }
0x5a: {  	p0 =	sgt.s32 s10, $0xC7  }
.Ltmp3:
0x5b: {  	_ = 	snop;
	(pc) =	sbr.rel @p0 .LBB2_7-.Ltmp3, $1  }
0x5c: {  	_ =	sdelay $0x3  }
0x5d: {  	s31 =	ssub.s32 $0xC8, s10  }
0x5e: {  	s8 =	sshll.u32 s10, $0x8;
	p0 =	sne.s32 s31, $0x1  }
.Ltmp4:
0x5f: {  	s8 =	sshra.s32 s8, $0x2;
	(pc) =	sbr.rel @!p0 .LBB2_6-.Ltmp4, $4  }
0x60: {  	s8 =	sadd.s32 $0xCBC0, s8  }
0x61: {  	[tilespmem:s8+$0xFFFFFFE0] =	vst v0  }
0x62: {  	[tilespmem:s8+$0x10] =	vst v0  }
0x63: {  	s10 =	sadd.s32 $0xFFFFFFFF, s31;
	[tilespmem:s8+$0x0] =	vst v0  }
.LBB2_5:
0x64: {  	p0 =	sne.s32 s10, $0x1;
	s10 =	sadd.s32 $0xFFFFFFFF, s10;
	[tilespmem:s8+$0xFFFFFFF0] =	vst v0;
	s8 =	sadd.s32 $0x40, s8  }
.Ltmp5:
0x65: {  	[tilespmem:s8+$0xFFFFFFE0] =	vst v0;
	(pc) =	sbr.rel @p0 .LBB2_5-.Ltmp5, $3  }
0x66: {  	_ =	sdelay $0x1  }
0x67: {  	[tilespmem:s8+$0x10] =	vst v0  }
0x68: {  	[tilespmem:s8+$0x0] =	vst v0  }
.LBB2_6:
0x69: {  	[tilespmem:s8+$0xFFFFFFF0] =	vst v0  }
.LBB2_7:
.Ltmp6:
0x6a: {  	(pc) =	sbr.rel .LBB2_8-.Ltmp6, $3  }
0x6b: {  	_ =	sdelay $0x1  }
0x6c: {  	s8 =	rddreg [dreg:$0xb];
	s20 =	simm.s32 $0x0  }
0x6d: {  	[hbm4b:s8+s0] =	stream.strided.scatter [tilespmem:s21], [sflag:$0xD], $0x3200, s7, s0, $0x38;
	[tilespmem:$0x16FA0] =	vst v63  }
.LBB2_57:
0x6e: {  	[tilespmem:s8+$0xFFFFFFF0] =	vst v0  }
.LBB2_58:
0x6f: {  	s8 =	sadd.s32 s4, s23  }
0x70: {  	s8 =	sshll.u32 s8, $0x4  }
0x71: {  	s20 =	sadd.s32 $0x1, s20;
	s8 =	sadd.s32 s8, s12  }
0x72: {  	[hbm4b:s8+s0] =	stream.strided.scatter [tilespmem:s21], [sflag:$0xD], $0x3200, s7, s0, $0x38;
	[tilespmem:$0x16FA0] =	vst v63  }
.LBB2_8:
0x73: {  	s10 =	sshll.u32 s20, $0x2  }
0x74: {  	v1 =	vld.msk [tilespmem:s10+$0x0], $0x1;
	_ =	sdelay $0x4  }
0x75: {  	(v2sf) =	vpush v1, $0x0;
	_ =	sdelay $0xd  }
0x76: {  	p1 =	seq.s32 s20, $0x0  }
0x77: {  	s8 =	simm.s32 @!p1 $0xB;
	s19 =	spop (v2sf)  }
0x78: {  	_ =	swait.ge @!p1 [sflag:s8], $0x3200  }
0x79: {  	[sflag:s8] =	ssyncset.done @!p1 $0x0  }
0x7a: {  	[sflag:s8] =	ssyncadd.s32 @!p1 $0xFFFFCE00  }
0x7b: {  	_ =	swait.ge [sflag:s22], $0xC8  }
0x7c: {  	[sflag:s22] =	ssyncset.done $0x0  }
0x7d: {  	s29 =	simm.s32 $0x210;
	[sflag:s22] =	ssyncadd.s32 $0xFFFFFF38  }
0x7e: {  	[tilespmem:s9], [sflag:$0x7] =	stream.indirect.gather [hbm4b:s6+s28], $0x40, s29, s28, $0xb8;
	[tilespmem:$0x16FA0] =	vst v63  }
0x7f: {  	s31 =	simm.s32 $0x278;
	s23 =	simm.s32 $0x81A0  }
0x80: {  	[tilespmem:s23], [sflag:$0x7] =	stream.indirect.gather [hbm4b:s6+s30], $0x40, s31, s30, $0xb8;
	[tilespmem:$0x16FA0] =	vst v63  }
0x81: {  	p0 =	seq.s32 s20, $0x1F;
	s23 =	sadd.s32 $0x4, s10;
	_ =	swait.ge [sflag:s11], $0x1A00  }
0x82: {  	s8 =	sadd.s32 @!p0 s4, s23;
	[sflag:s11] =	ssyncset.done $0x0  }
0x83: {  	p2 =	sgt.s32 s19, $0x0;
	s8 =	smul.u32 @!p0 $0x19, s8;
	[sflag:s11] =	ssyncadd.s32 $0xFFFFE600  }
.Ltmp7:
0x84: {  	_ =	swait.ge [sflag:s11], $0x1800;
	(pc) =	sbr.rel @!p2 .LBB2_9-.Ltmp7, $4  }
0x85: {  	s24 =	simm.s32 @!p0 $0x0;
	[sflag:s11] =	ssyncset.done $0x0  }
0x86: {  	s25 =	simm.s32 @!p0 $0x80;
	s8 =	sadd.s32 @!p0 s5, s8;
	[sflag:s11] =	ssyncadd.s32 $0xFFFFE800  }
0x87: {  	[tilespmem:s25], [sflag:$0x1] =	stream.linear.gather @!p0 [hbm4b:s8+s24], $0xC8, $0x38;
	[tilespmem:$0x16FA0] =	vst v63  }
0x88: {  	v1 =	vimm.f32 $0.0e+00;
	s24 =	simm.s32 $0x3C0  }
0x89: {  	v2 =	vld [tilespmem:s24+$0x10];
	p2 =	seq.s32 s19, $0x1  }
.Ltmp8:
0x8a: {  	v3 =	vld [tilespmem:s24+$0xFFFFFFF0];
	(pc) =	sbr.rel @p2 .LBB2_22-.Ltmp8, $3  }
0x8b: {  	v4 =	vld [tilespmem:s24+$0x0]  }
0x8c: {  	v5 =	vld [tilespmem:s24+$0xFFFFFFE0];
	_ =	sdelay $0x1  }
0x8d: {  	s8 =	sadd.s32 $0xFFFFFFFF, s19;
	s24 =	sadd.s32 $0x40, s24;
	v6 =	vimm.f32 $0.0e+00;
	v7 =	vimm.f32 $0.0e+00;
	v2 =	vadd.f32 v2, v1  }
.LBB2_21:
0x8e: {  	v8 =	vld [tilespmem:s24+$0x10];
	p2 =	seq.s32 s8, $0x1;
	s8 =	sadd.s32 $0xFFFFFFFF, s8;
	v1 =	vadd.f32 v3, v1  }
.Ltmp9:
0x8f: {  	v3 =	vld [tilespmem:s24+$0xFFFFFFF0];
	v6 =	vadd.f32 v4, v6;
	(pc) =	sbr.rel @!p2 .LBB2_21-.Ltmp9, $3  }
0x90: {  	v4 =	vld [tilespmem:s24+$0x0];
	v7 =	vadd.f32 v5, v7  }
0x91: {  	v5 =	vld [tilespmem:s24+$0xFFFFFFE0];
	_ =	sdelay $0x1  }
0x92: {  	s24 =	sadd.s32 $0x40, s24;
	v2 =	vadd.f32 v8, v2  }
.LBB2_22:
0x93: {  	_ = 	snop  }
0x94: {  	v3 =	vadd.f32 v3, v1  }
0x95: {  	v1 =	vadd.f32 v4, v6;
	v4 =	vadd.f32 v5, v7  }
0x96: {  	p2 =	sgt.u32 s19, $0xC7  }
.Ltmp10:
0x97: {  	_ = 	snop;
	(pc) =	sbr.rel @p2 .LBB2_14-.Ltmp10, $4  }
.Ltmp11:
0x98: {  	_ = 	snop;
	(pc) =	sbr.rel @!p2 .LBB2_11-.Ltmp11, $4  }
0x99: {  	_ = 	snop  }
0x9a: {  	_ = 	snop  }
0x9b: {  	_ = 	snop  }
0x9c: {  	_ = 	snop  }
.LBB2_9:
0x9d: {  	v2 =	vimm.f32 $0.0e+00;
	v3 =	vimm.f32 $0.0e+00;
	v4 =	vimm.f32 $0.0e+00  }
.LBB2_11:
0x9e: {  	s24 =	ssub.s32 $0xC8, s19  }
0x9f: {  	s8 =	sshll.u32 s19, $0x8;
	p2 =	sne.s32 s24, $0x1  }
.Ltmp12:
0xa0: {  	s8 =	sshra.s32 s8, $0x2;
	(pc) =	sbr.rel @!p2 .LBB2_13-.Ltmp12, $4  }
0xa1: {  	s8 =	sadd.s32 $0x3C0, s8  }
0xa2: {  	[tilespmem:s8+$0xFFFFFFE0] =	vst v0  }
0xa3: {  	[tilespmem:s8+$0x10] =	vst v0  }
0xa4: {  	s24 =	sadd.s32 $0xFFFFFFFF, s24;
	[tilespmem:s8+$0x0] =	vst v0  }
.LBB2_12:
0xa5: {  	p2 =	sne.s32 s24, $0x1;
	s24 =	sadd.s32 $0xFFFFFFFF, s24;
	[tilespmem:s8+$0xFFFFFFF0] =	vst v0;
	s8 =	sadd.s32 $0x40, s8  }
.Ltmp13:
0xa6: {  	[tilespmem:s8+$0xFFFFFFE0] =	vst v0;
	(pc) =	sbr.rel @p2 .LBB2_12-.Ltmp13, $3  }
0xa7: {  	_ =	sdelay $0x1  }
0xa8: {  	[tilespmem:s8+$0x10] =	vst v0  }
0xa9: {  	[tilespmem:s8+$0x0] =	vst v0  }
.LBB2_13:
0xaa: {  	[tilespmem:s8+$0xFFFFFFF0] =	vst v0  }
.LBB2_14:
0xab: {  	s8 =	scvt.s32.f32 s19;
	_ =	sdelay $0x1  }
0xac: {  	v5 =	vmov s8  }
0xad: {  	(erf) = vrcp.f32 v5;
	_ =	sdelay $0x6  }
0xae: {  	s25 =	sadd.s32 s4, s10  }
0xaf: {  	s8 =	sshll.u32 s25, $0x4  }
0xb0: {  	s24 =	simm.s32 $0x3A0;
	s29 =	sshll.u32 s20, $0x9;
	s8 =	sadd.s32 s2, s8;
	v5 =	vpop (erf)  }
0xb1: {  	[hbm4b:s8+s0] =	stream.strided.scatter [tilespmem:s24], [sflag:$0x9], $0x3200, s7, s0, $0x38;
	v4 =	vmul.f32 v4, v5;
	[tilespmem:$0x16FA0] =	vst v63  }
0xb2: {  	s8 =	sand.u32 $0x3FFFFE00, s29;
	v3 =	vmul.f32 v3, v5  }
0xb3: {  	v1 =	vmul.f32 v1, v5;
	[tilespmem:s8+$0x12FA0] =	vst v4  }
0xb4: {  	v2 =	vmul.f32 v2, v5;
	[tilespmem:s8+$0x12FB0] =	vst v3  }
0xb5: {  	s31 =	sshll.u32 s19, $0x8;
	[tilespmem:s8+$0x12FC0] =	vst v1  }
0xb6: {  	s24 =	sshra.s32 s31, $0x2;
	[tilespmem:s8+$0x12FD0] =	vst v2  }
0xb7: {  	v1 =	vld [tilespmem:s24+$0xFD60];
	_ =	sdelay $0x4  }
0xb8: {  	v1 =	vmul.f32 v1, v5;
	_ =	sdelay $0x1  }
0xb9: {  	[tilespmem:s8+$0x12FE0] =	vst v1  }
0xba: {  	v1 =	vld [tilespmem:s24+$0xFD70];
	_ =	sdelay $0x4  }
0xbb: {  	v1 =	vmul.f32 v1, v5;
	_ =	sdelay $0x1  }
0xbc: {  	[tilespmem:s8+$0x12FF0] =	vst v1  }
0xbd: {  	v1 =	vld [tilespmem:s24+$0xFD80];
	_ =	sdelay $0x4  }
0xbe: {  	v1 =	vmul.f32 v1, v5;
	_ =	sdelay $0x1  }
0xbf: {  	[tilespmem:s8+$0x13000] =	vst v1  }
0xc0: {  	v1 =	vld [tilespmem:s24+$0xFD90];
	_ =	sdelay $0x4  }
0xc1: {  	v1 =	vmul.f32 v1, v5;
	_ =	sdelay $0x1  }
0xc2: {  	[tilespmem:s8+$0x13010] =	vst v1  }
0xc3: {  	_ =	swait.ge [sflag:s13], $0x3200  }
0xc4: {  	[sflag:s13] =	ssyncset.done $0x0  }
0xc5: {  	s8 =	sor.u32 $0x1, s10;
	[sflag:s13] =	ssyncadd.s32 $0xFFFFCE00  }
0xc6: {  	v1 =	vld.msk [tilespmem:s8+$0x0], $0x1;
	_ =	sdelay $0x4  }
0xc7: {  	(v2sf) =	vpush v1, $0x0;
	_ =	sdelay $0xe  }
0xc8: {  	s25 =	spop (v2sf)  }
0xc9: {  	p2 =	sle.s32 s19, s25  }
.Ltmp14:
0xca: {  	_ = 	snop;
	(pc) =	sbr.rel @p2 .LBB2_18-.Ltmp14, $1  }
0xcb: {  	_ =	sdelay $0x3  }
0xcc: {  	s19 =	ssub.s32 s19, s25  }
0xcd: {  	s24 =	sshll.u32 s25, $0x8;
	p2 =	sne.s32 s19, $0x1  }
.Ltmp15:
0xce: {  	s24 =	sshra.s32 s24, $0x2;
	(pc) =	sbr.rel @!p2 .LBB2_17-.Ltmp15, $4  }
0xcf: {  	s24 =	sadd.s32 $0xCBC0, s24  }
0xd0: {  	[tilespmem:s24+$0xFFFFFFE0] =	vst v0  }
0xd1: {  	[tilespmem:s24+$0x10] =	vst v0  }
0xd2: {  	s19 =	sadd.s32 $0xFFFFFFFF, s19;
	[tilespmem:s24+$0x0] =	vst v0  }
.LBB2_16:
0xd3: {  	p2 =	sne.s32 s19, $0x1;
	s19 =	sadd.s32 $0xFFFFFFFF, s19;
	[tilespmem:s24+$0xFFFFFFF0] =	vst v0;
	s24 =	sadd.s32 $0x40, s24  }
.Ltmp16:
0xd4: {  	[tilespmem:s24+$0xFFFFFFE0] =	vst v0;
	(pc) =	sbr.rel @p2 .LBB2_16-.Ltmp16, $3  }
0xd5: {  	_ =	sdelay $0x1  }
0xd6: {  	[tilespmem:s24+$0x10] =	vst v0  }
0xd7: {  	[tilespmem:s24+$0x0] =	vst v0  }
.LBB2_17:
0xd8: {  	[tilespmem:s24+$0xFFFFFFF0] =	vst v0  }
.LBB2_18:
0xd9: {  	s19 =	sor.u32 s4, s8  }
0xda: {  	s19 =	sshll.u32 s19, $0x4  }
0xdb: {  	s24 =	sadd.s32 s19, s12  }
0xdc: {  	[hbm4b:s24+s0] =	stream.strided.scatter [tilespmem:s21], [sflag:$0xD], $0x3200, s7, s0, $0x38;
	[tilespmem:$0x16FA0] =	vst v63  }
0xdd: {  	v1 =	vld.msk [tilespmem:s8+$0x0], $0x1;
	_ =	sdelay $0x4  }
0xde: {  	(v2sf) =	vpush v1, $0x0;
	_ =	sdelay $0xe  }
0xdf: {  	s25 =	simm.s32 @!p1 $0xC;
	s24 =	spop (v2sf)  }
0xe0: {  	_ =	swait.ge @!p1 [sflag:s25], $0x3200  }
0xe1: {  	[sflag:s25] =	ssyncset.done @!p1 $0x0  }
0xe2: {  	[sflag:s25] =	ssyncadd.s32 @!p1 $0xFFFFCE00  }
0xe3: {  	_ =	swait.ge [sflag:s14], $0xC8  }
0xe4: {  	[sflag:s14] =	ssyncset.done $0x0  }
0xe5: {  	s31 =	simm.s32 $0x2D8;
	[sflag:s14] =	ssyncadd.s32 $0xFFFFFF38  }
0xe6: {  	[tilespmem:s18], [sflag:$0x8] =	stream.indirect.gather [hbm4b:s6+s28], $0x40, s31, s28, $0xb8;
	[tilespmem:$0x16FA0] =	vst v63  }
0xe7: {  	s29 =	simm.s32 $0xB3A0;
	s31 =	simm.s32 $0x340  }
0xe8: {  	[tilespmem:s29], [sflag:$0x8] =	stream.indirect.gather [hbm4b:s6+s30], $0x40, s31, s30, $0xb8;
	[tilespmem:$0x16FA0] =	vst v63  }
0xe9: {  	_ =	swait.ge [sflag:s26], $0x1A00  }
0xea: {  	s25 =	sadd.s32 @!p0 s10, s15;
	[sflag:s26] =	ssyncset.done $0x0  }
0xeb: {  	p1 =	sgt.s32 s24, $0x0;
	s25 =	smul.u32 @!p0 $0x19, s25;
	[sflag:s26] =	ssyncadd.s32 $0xFFFFE600  }
.Ltmp17:
0xec: {  	_ =	swait.ge [sflag:s26], $0x1800;
	(pc) =	sbr.rel @!p1 .LBB2_19-.Ltmp17, $4  }
0xed: {  	s25 =	sadd.s32 @!p0 s5, s25;
	[sflag:s26] =	ssyncset.done $0x0  }
0xee: {  	s29 =	simm.s32 @!p0 $0x0;
	s31 =	simm.s32 @!p0 $0x148;
	[sflag:s26] =	ssyncadd.s32 $0xFFFFE800  }
0xef: {  	[tilespmem:s31], [sflag:$0x2] =	stream.linear.gather @!p0 [hbm4b:s25+s29], $0xC8, $0x38;
	[tilespmem:$0x16FA0] =	vst v63  }
0xf0: {  	v1 =	vimm.f32 $0.0e+00;
	s29 =	simm.s32 $0x35C0  }
0xf1: {  	v2 =	vld [tilespmem:s29+$0x10];
	p1 =	seq.s32 s24, $0x1  }
.Ltmp18:
0xf2: {  	v3 =	vld [tilespmem:s29+$0xFFFFFFF0];
	(pc) =	sbr.rel @p1 .LBB2_35-.Ltmp18, $3  }
0xf3: {  	v4 =	vld [tilespmem:s29+$0x0]  }
0xf4: {  	v5 =	vld [tilespmem:s29+$0xFFFFFFE0];
	_ =	sdelay $0x1  }
0xf5: {  	s25 =	sadd.s32 $0xFFFFFFFF, s24;
	s29 =	sadd.s32 $0x40, s29;
	v6 =	vimm.f32 $0.0e+00;
	v7 =	vimm.f32 $0.0e+00;
	v2 =	vadd.f32 v2, v1  }
.LBB2_34:
0xf6: {  	v8 =	vld [tilespmem:s29+$0x10];
	p1 =	seq.s32 s25, $0x1;
	s25 =	sadd.s32 $0xFFFFFFFF, s25;
	v1 =	vadd.f32 v3, v1  }
.Ltmp19:
0xf7: {  	v3 =	vld [tilespmem:s29+$0xFFFFFFF0];
	v6 =	vadd.f32 v4, v6;
	(pc) =	sbr.rel @!p1 .LBB2_34-.Ltmp19, $3  }
0xf8: {  	v4 =	vld [tilespmem:s29+$0x0];
	v7 =	vadd.f32 v5, v7  }
0xf9: {  	v5 =	vld [tilespmem:s29+$0xFFFFFFE0];
	_ =	sdelay $0x1  }
0xfa: {  	s29 =	sadd.s32 $0x40, s29;
	v2 =	vadd.f32 v8, v2  }
.LBB2_35:
0xfb: {  	_ = 	snop  }
0xfc: {  	v3 =	vadd.f32 v3, v1  }
0xfd: {  	v1 =	vadd.f32 v4, v6;
	v4 =	vadd.f32 v5, v7  }
0xfe: {  	p1 =	sgt.u32 s24, $0xC7  }
.Ltmp20:
0xff: {  	_ = 	snop;
	(pc) =	sbr.rel @p1 .LBB2_27-.Ltmp20, $4  }
.Ltmp21:
0x100: {  	_ = 	snop;
	(pc) =	sbr.rel @!p1 .LBB2_24-.Ltmp21, $4  }
0x101: {  	_ = 	snop  }
0x102: {  	_ = 	snop  }
0x103: {  	_ = 	snop  }
0x104: {  	_ = 	snop  }
.LBB2_19:
0x105: {  	v2 =	vimm.f32 $0.0e+00;
	v3 =	vimm.f32 $0.0e+00;
	v4 =	vimm.f32 $0.0e+00  }
.LBB2_24:
0x106: {  	s29 =	ssub.s32 $0xC8, s24  }
0x107: {  	s25 =	sshll.u32 s24, $0x8;
	p1 =	sne.s32 s29, $0x1  }
.Ltmp22:
0x108: {  	s25 =	sshra.s32 s25, $0x2;
	(pc) =	sbr.rel @!p1 .LBB2_26-.Ltmp22, $4  }
0x109: {  	s25 =	sadd.s32 $0x35C0, s25  }
0x10a: {  	[tilespmem:s25+$0xFFFFFFE0] =	vst v0  }
0x10b: {  	[tilespmem:s25+$0x10] =	vst v0  }
0x10c: {  	s29 =	sadd.s32 $0xFFFFFFFF, s29;
	[tilespmem:s25+$0x0] =	vst v0  }
.LBB2_25:
0x10d: {  	p1 =	sne.s32 s29, $0x1;
	s29 =	sadd.s32 $0xFFFFFFFF, s29;
	[tilespmem:s25+$0xFFFFFFF0] =	vst v0;
	s25 =	sadd.s32 $0x40, s25  }
.Ltmp23:
0x10e: {  	[tilespmem:s25+$0xFFFFFFE0] =	vst v0;
	(pc) =	sbr.rel @p1 .LBB2_25-.Ltmp23, $3  }
0x10f: {  	_ =	sdelay $0x1  }
0x110: {  	[tilespmem:s25+$0x10] =	vst v0  }
0x111: {  	[tilespmem:s25+$0x0] =	vst v0  }
.LBB2_26:
0x112: {  	[tilespmem:s25+$0xFFFFFFF0] =	vst v0  }
.LBB2_27:
0x113: {  	s25 =	scvt.s32.f32 s24;
	_ =	sdelay $0x1  }
0x114: {  	v5 =	vmov s25  }
0x115: {  	(erf) = vrcp.f32 v5;
	_ =	sdelay $0x8  }
0x116: {  	s19 =	sadd.s32 s2, s19;
	s29 =	simm.s32 $0x35A0;
	s8 =	sshll.u32 s8, $0x7;
	v5 =	vpop (erf)  }
0x117: {  	[hbm4b:s19+s0] =	stream.strided.scatter [tilespmem:s29], [sflag:$0xA], $0x3200, s7, s0, $0x38;
	v4 =	vmul.f32 v4, v5;
	[tilespmem:$0x16FA0] =	vst v63  }
0x118: {  	s8 =	sand.u32 $0x3FFFFF80, s8;
	v3 =	vmul.f32 v3, v5  }
0x119: {  	v1 =	vmul.f32 v1, v5;
	[tilespmem:s8+$0x12FA0] =	vst v4  }
0x11a: {  	v2 =	vmul.f32 v2, v5;
	[tilespmem:s8+$0x12FB0] =	vst v3  }
0x11b: {  	s31 =	sshll.u32 s24, $0x8;
	[tilespmem:s8+$0x12FC0] =	vst v1  }
0x11c: {  	s19 =	sshra.s32 s31, $0x2;
	[tilespmem:s8+$0x12FD0] =	vst v2  }
0x11d: {  	v1 =	vld [tilespmem:s19+$0xFD60];
	_ =	sdelay $0x4  }
0x11e: {  	v1 =	vmul.f32 v1, v5;
	_ =	sdelay $0x1  }
0x11f: {  	[tilespmem:s8+$0x12FE0] =	vst v1  }
0x120: {  	v1 =	vld [tilespmem:s19+$0xFD70];
	_ =	sdelay $0x4  }
0x121: {  	v1 =	vmul.f32 v1, v5;
	_ =	sdelay $0x1  }
0x122: {  	[tilespmem:s8+$0x12FF0] =	vst v1  }
0x123: {  	v1 =	vld [tilespmem:s19+$0xFD80];
	_ =	sdelay $0x4  }
0x124: {  	v1 =	vmul.f32 v1, v5;
	_ =	sdelay $0x1  }
0x125: {  	[tilespmem:s8+$0x13000] =	vst v1  }
0x126: {  	v1 =	vld [tilespmem:s19+$0xFD90];
	_ =	sdelay $0x4  }
0x127: {  	v1 =	vmul.f32 v1, v5;
	_ =	sdelay $0x1  }
0x128: {  	[tilespmem:s8+$0x13010] =	vst v1  }
0x129: {  	_ =	swait.ge [sflag:s13], $0x3200  }
0x12a: {  	[sflag:s13] =	ssyncset.done $0x0  }
0x12b: {  	s19 =	sor.u32 $0x2, s10;
	[sflag:s13] =	ssyncadd.s32 $0xFFFFCE00  }
0x12c: {  	v1 =	vld.msk [tilespmem:s19+$0x0], $0x1;
	_ =	sdelay $0x4  }
0x12d: {  	(v2sf) =	vpush v1, $0x0;
	_ =	sdelay $0xe  }
0x12e: {  	s25 =	spop (v2sf)  }
0x12f: {  	p1 =	sle.s32 s24, s25  }
.Ltmp24:
0x130: {  	_ = 	snop;
	(pc) =	sbr.rel @p1 .LBB2_31-.Ltmp24, $1  }
0x131: {  	_ =	sdelay $0x3  }
0x132: {  	s24 =	ssub.s32 s24, s25  }
0x133: {  	s8 =	sshll.u32 s25, $0x8;
	p1 =	sne.s32 s24, $0x1  }
.Ltmp25:
0x134: {  	s8 =	sshra.s32 s8, $0x2;
	(pc) =	sbr.rel @!p1 .LBB2_30-.Ltmp25, $4  }
0x135: {  	s8 =	sadd.s32 $0xCBC0, s8  }
0x136: {  	[tilespmem:s8+$0xFFFFFFE0] =	vst v0  }
0x137: {  	[tilespmem:s8+$0x10] =	vst v0  }
0x138: {  	s24 =	sadd.s32 $0xFFFFFFFF, s24;
	[tilespmem:s8+$0x0] =	vst v0  }
.LBB2_29:
0x139: {  	p1 =	sne.s32 s24, $0x1;
	s24 =	sadd.s32 $0xFFFFFFFF, s24;
	[tilespmem:s8+$0xFFFFFFF0] =	vst v0;
	s8 =	sadd.s32 $0x40, s8  }
.Ltmp26:
0x13a: {  	[tilespmem:s8+$0xFFFFFFE0] =	vst v0;
	(pc) =	sbr.rel @p1 .LBB2_29-.Ltmp26, $3  }
0x13b: {  	_ =	sdelay $0x1  }
0x13c: {  	[tilespmem:s8+$0x10] =	vst v0  }
0x13d: {  	[tilespmem:s8+$0x0] =	vst v0  }
.LBB2_30:
0x13e: {  	[tilespmem:s8+$0xFFFFFFF0] =	vst v0  }
.LBB2_31:
0x13f: {  	s8 =	sor.u32 s4, s19  }
0x140: {  	s24 =	sshll.u32 s8, $0x4  }
0x141: {  	s8 =	sadd.s32 s24, s12  }
0x142: {  	[hbm4b:s8+s0] =	stream.strided.scatter [tilespmem:s21], [sflag:$0xD], $0x3200, s7, s0, $0x38;
	[tilespmem:$0x16FA0] =	vst v63  }
0x143: {  	v1 =	vld.msk [tilespmem:s19+$0x0], $0x1;
	_ =	sdelay $0x4  }
0x144: {  	(v2sf) =	vpush v1, $0x0;
	_ =	sdelay $0xe  }
0x145: {  	s8 =	spop (v2sf)  }
0x146: {  	_ =	swait.ge [sflag:s1], $0x3200  }
0x147: {  	[sflag:s1] =	ssyncset.done $0x0  }
0x148: {  	s25 =	simm.s32 @p0 $0x7;
	[sflag:s1] =	ssyncadd.s32 $0xFFFFCE00  }
0x149: {  	_ =	swait.ge @p0 [sflag:s25], $0x1A00  }
0x14a: {  	[sflag:s25] =	ssyncset.done @p0 $0x0  }
0x14b: {  	[sflag:s25] =	ssyncadd.s32 @p0 $0xFFFFE600  }
0x14c: {  	_ =	swait.ge @p0 [sflag:s25], $0x1800  }
0x14d: {  	[sflag:s25] =	ssyncset.done @p0 $0x0  }
0x14e: {  	[sflag:s25] =	ssyncadd.s32 @p0 $0xFFFFE800;
	s25 =	simm.s32 @!p0 $0x1  }
0x14f: {  	_ =	swait.ge @!p0 [sflag:s25], $0xC8  }
0x150: {  	s29 =	simm.s32 @!p0 $0x80;
	[sflag:s25] =	ssyncset.done @!p0 $0x0  }
0x151: {  	s31 =	simm.s32 @!p0 $0x3A0;
	[sflag:s25] =	ssyncadd.s32 @!p0 $0xFFFFFF38;
	s25 =	simm.s32 @!p0 $0x68  }
0x152: {  	[tilespmem:s31], [sflag:$0x5] =	stream.indirect.gather @!p0 [hbm4b:s6+s25], $0x40, s29, s25, $0xb8;
	[tilespmem:$0x16FA0] =	vst v63  }
0x153: {  	s25 =	simm.s32 @!p0 $0x60;
	s29 =	simm.s32 @!p0 $0xE8;
	s31 =	simm.s32 @!p0 $0x1DA0  }
0x154: {  	[tilespmem:s31], [sflag:$0x5] =	stream.indirect.gather @!p0 [hbm4b:s6+s25], $0x40, s29, s25, $0xb8;
	[tilespmem:$0x16FA0] =	vst v63  }
0x155: {  	s25 =	simm.s32 @!p0 $0x7  }
0x156: {  	_ =	swait.ge @!p0 [sflag:s25], $0x1A00  }
0x157: {  	s29 =	sadd.s32 @!p0 s10, s16;
	[sflag:s25] =	ssyncset.done @!p0 $0x0  }
0x158: {  	p1 =	sgt.s32 s8, $0x0;
	s29 =	smul.u32 @!p0 $0x19, s29;
	[sflag:s25] =	ssyncadd.s32 @!p0 $0xFFFFE600  }
.Ltmp27:
0x159: {  	_ =	swait.ge @!p0 [sflag:s25], $0x1800;
	(pc) =	sbr.rel @!p1 .LBB2_32-.Ltmp27, $4  }
0x15a: {  	s31 =	simm.s32 @!p0 $0x210;
	[sflag:s25] =	ssyncset.done @!p0 $0x0  }
0x15b: {  	[sflag:s25] =	ssyncadd.s32 @!p0 $0xFFFFE800;
	s25 =	sadd.s32 @!p0 s5, s29;
	s29 =	simm.s32 @!p0 $0x0  }
0x15c: {  	[tilespmem:s31], [sflag:$0x3] =	stream.linear.gather @!p0 [hbm4b:s25+s29], $0xC8, $0x38;
	[tilespmem:$0x16FA0] =	vst v63  }
0x15d: {  	v1 =	vimm.f32 $0.0e+00;
	s29 =	simm.s32 $0x67C0  }
0x15e: {  	v2 =	vld [tilespmem:s29+$0x10];
	p1 =	seq.s32 s8, $0x1  }
.Ltmp28:
0x15f: {  	v3 =	vld [tilespmem:s29+$0xFFFFFFF0];
	(pc) =	sbr.rel @p1 .LBB2_48-.Ltmp28, $3  }
0x160: {  	v4 =	vld [tilespmem:s29+$0x0]  }
0x161: {  	v5 =	vld [tilespmem:s29+$0xFFFFFFE0];
	_ =	sdelay $0x1  }
0x162: {  	s25 =	sadd.s32 $0xFFFFFFFF, s8;
	s29 =	sadd.s32 $0x40, s29;
	v6 =	vimm.f32 $0.0e+00;
	v7 =	vimm.f32 $0.0e+00;
	v2 =	vadd.f32 v2, v1  }
.LBB2_47:
0x163: {  	v8 =	vld [tilespmem:s29+$0x10];
	p1 =	seq.s32 s25, $0x1;
	s25 =	sadd.s32 $0xFFFFFFFF, s25;
	v1 =	vadd.f32 v3, v1  }
.Ltmp29:
0x164: {  	v3 =	vld [tilespmem:s29+$0xFFFFFFF0];
	v6 =	vadd.f32 v4, v6;
	(pc) =	sbr.rel @!p1 .LBB2_47-.Ltmp29, $3  }
0x165: {  	v4 =	vld [tilespmem:s29+$0x0];
	v7 =	vadd.f32 v5, v7  }
0x166: {  	v5 =	vld [tilespmem:s29+$0xFFFFFFE0];
	_ =	sdelay $0x1  }
0x167: {  	s29 =	sadd.s32 $0x40, s29;
	v2 =	vadd.f32 v8, v2  }
.LBB2_48:
0x168: {  	_ = 	snop  }
0x169: {  	v3 =	vadd.f32 v3, v1  }
0x16a: {  	v1 =	vadd.f32 v4, v6;
	v4 =	vadd.f32 v5, v7  }
0x16b: {  	p1 =	sgt.u32 s8, $0xC7  }
.Ltmp30:
0x16c: {  	_ = 	snop;
	(pc) =	sbr.rel @p1 .LBB2_40-.Ltmp30, $4  }
.Ltmp31:
0x16d: {  	_ = 	snop;
	(pc) =	sbr.rel @!p1 .LBB2_37-.Ltmp31, $4  }
0x16e: {  	_ = 	snop  }
0x16f: {  	_ = 	snop  }
0x170: {  	_ = 	snop  }
0x171: {  	_ = 	snop  }
.LBB2_32:
0x172: {  	v2 =	vimm.f32 $0.0e+00;
	v3 =	vimm.f32 $0.0e+00;
	v4 =	vimm.f32 $0.0e+00  }
.LBB2_37:
0x173: {  	s29 =	ssub.s32 $0xC8, s8  }
0x174: {  	s25 =	sshll.u32 s8, $0x8;
	p1 =	sne.s32 s29, $0x1  }
.Ltmp32:
0x175: {  	s25 =	sshra.s32 s25, $0x2;
	(pc) =	sbr.rel @!p1 .LBB2_39-.Ltmp32, $4  }
0x176: {  	s25 =	sadd.s32 $0x67C0, s25  }
0x177: {  	[tilespmem:s25+$0xFFFFFFE0] =	vst v0  }
0x178: {  	[tilespmem:s25+$0x10] =	vst v0  }
0x179: {  	s29 =	sadd.s32 $0xFFFFFFFF, s29;
	[tilespmem:s25+$0x0] =	vst v0  }
.LBB2_38:
0x17a: {  	p1 =	sne.s32 s29, $0x1;
	s29 =	sadd.s32 $0xFFFFFFFF, s29;
	[tilespmem:s25+$0xFFFFFFF0] =	vst v0;
	s25 =	sadd.s32 $0x40, s25  }
.Ltmp33:
0x17b: {  	[tilespmem:s25+$0xFFFFFFE0] =	vst v0;
	(pc) =	sbr.rel @p1 .LBB2_38-.Ltmp33, $3  }
0x17c: {  	_ =	sdelay $0x1  }
0x17d: {  	[tilespmem:s25+$0x10] =	vst v0  }
0x17e: {  	[tilespmem:s25+$0x0] =	vst v0  }
.LBB2_39:
0x17f: {  	[tilespmem:s25+$0xFFFFFFF0] =	vst v0  }
.LBB2_40:
0x180: {  	s25 =	scvt.s32.f32 s8;
	_ =	sdelay $0x1  }
0x181: {  	v5 =	vmov s25  }
0x182: {  	(erf) = vrcp.f32 v5;
	_ =	sdelay $0x8  }
0x183: {  	s24 =	sadd.s32 s2, s24;
	s19 =	sshll.u32 s19, $0x7;
	v5 =	vpop (erf)  }
0x184: {  	[hbm4b:s24+s0] =	stream.strided.scatter [tilespmem:s9], [sflag:$0xB], $0x3200, s7, s0, $0x38;
	v4 =	vmul.f32 v4, v5;
	[tilespmem:$0x16FA0] =	vst v63  }
0x185: {  	s19 =	sand.u32 $0x3FFFFF80, s19;
	v3 =	vmul.f32 v3, v5  }
0x186: {  	v1 =	vmul.f32 v1, v5;
	[tilespmem:s19+$0x12FA0] =	vst v4  }
0x187: {  	v2 =	vmul.f32 v2, v5;
	[tilespmem:s19+$0x12FB0] =	vst v3  }
0x188: {  	s31 =	sshll.u32 s8, $0x8;
	[tilespmem:s19+$0x12FC0] =	vst v1  }
0x189: {  	s24 =	sshra.s32 s31, $0x2;
	[tilespmem:s19+$0x12FD0] =	vst v2  }
0x18a: {  	v1 =	vld [tilespmem:s24+$0xFD60];
	_ =	sdelay $0x4  }
0x18b: {  	v1 =	vmul.f32 v1, v5;
	_ =	sdelay $0x1  }
0x18c: {  	[tilespmem:s19+$0x12FE0] =	vst v1  }
0x18d: {  	v1 =	vld [tilespmem:s24+$0xFD70];
	_ =	sdelay $0x4  }
0x18e: {  	v1 =	vmul.f32 v1, v5;
	_ =	sdelay $0x1  }
0x18f: {  	[tilespmem:s19+$0x12FF0] =	vst v1  }
0x190: {  	v1 =	vld [tilespmem:s24+$0xFD80];
	_ =	sdelay $0x4  }
0x191: {  	v1 =	vmul.f32 v1, v5;
	_ =	sdelay $0x1  }
0x192: {  	[tilespmem:s19+$0x13000] =	vst v1  }
0x193: {  	v1 =	vld [tilespmem:s24+$0xFD90];
	_ =	sdelay $0x4  }
0x194: {  	v1 =	vmul.f32 v1, v5;
	_ =	sdelay $0x1  }
0x195: {  	[tilespmem:s19+$0x13010] =	vst v1  }
0x196: {  	_ =	swait.ge [sflag:s13], $0x3200  }
0x197: {  	[sflag:s13] =	ssyncset.done $0x0  }
0x198: {  	[sflag:s13] =	ssyncadd.s32 $0xFFFFCE00  }
0x199: {  	v1 =	vld.msk [tilespmem:s10+$0x3], $0x1;
	_ =	sdelay $0x4  }
0x19a: {  	(v2sf) =	vpush v1, $0x0;
	_ =	sdelay $0xe  }
0x19b: {  	s24 =	spop (v2sf)  }
0x19c: {  	p1 =	sle.s32 s8, s24  }
.Ltmp34:
0x19d: {  	_ = 	snop;
	(pc) =	sbr.rel @p1 .LBB2_44-.Ltmp34, $1  }
0x19e: {  	_ =	sdelay $0x3  }
0x19f: {  	s8 =	ssub.s32 s8, s24  }
0x1a0: {  	s19 =	sshll.u32 s24, $0x8;
	p1 =	sne.s32 s8, $0x1  }
.Ltmp35:
0x1a1: {  	s19 =	sshra.s32 s19, $0x2;
	(pc) =	sbr.rel @!p1 .LBB2_43-.Ltmp35, $4  }
0x1a2: {  	s19 =	sadd.s32 $0xCBC0, s19  }
0x1a3: {  	[tilespmem:s19+$0xFFFFFFE0] =	vst v0  }
0x1a4: {  	[tilespmem:s19+$0x10] =	vst v0  }
0x1a5: {  	s8 =	sadd.s32 $0xFFFFFFFF, s8;
	[tilespmem:s19+$0x0] =	vst v0  }
.LBB2_42:
0x1a6: {  	p1 =	sne.s32 s8, $0x1;
	s8 =	sadd.s32 $0xFFFFFFFF, s8;
	[tilespmem:s19+$0xFFFFFFF0] =	vst v0;
	s19 =	sadd.s32 $0x40, s19  }
.Ltmp36:
0x1a7: {  	[tilespmem:s19+$0xFFFFFFE0] =	vst v0;
	(pc) =	sbr.rel @p1 .LBB2_42-.Ltmp36, $3  }
0x1a8: {  	_ =	sdelay $0x1  }
0x1a9: {  	[tilespmem:s19+$0x10] =	vst v0  }
0x1aa: {  	[tilespmem:s19+$0x0] =	vst v0  }
.LBB2_43:
0x1ab: {  	[tilespmem:s19+$0xFFFFFFF0] =	vst v0  }
.LBB2_44:
0x1ac: {  	s8 =	sor.u32 $0x3, s10  }
0x1ad: {  	s19 =	sor.u32 s4, s8  }
0x1ae: {  	s24 =	sshll.u32 s19, $0x4  }
0x1af: {  	s19 =	sadd.s32 s24, s12  }
0x1b0: {  	[hbm4b:s19+s0] =	stream.strided.scatter [tilespmem:s21], [sflag:$0xD], $0x3200, s7, s0, $0x38;
	[tilespmem:$0x16FA0] =	vst v63  }
0x1b1: {  	v1 =	vld.msk [tilespmem:s10+$0x3], $0x1;
	_ =	sdelay $0x4  }
0x1b2: {  	(v2sf) =	vpush v1, $0x0;
	_ =	sdelay $0xe  }
0x1b3: {  	s19 =	spop (v2sf)  }
0x1b4: {  	_ =	swait.ge [sflag:s3], $0x3200  }
0x1b5: {  	[sflag:s3] =	ssyncset.done $0x0  }
0x1b6: {  	s25 =	simm.s32 @p0 $0x8;
	[sflag:s3] =	ssyncadd.s32 $0xFFFFCE00  }
0x1b7: {  	_ =	swait.ge @p0 [sflag:s25], $0x1A00  }
0x1b8: {  	[sflag:s25] =	ssyncset.done @p0 $0x0  }
0x1b9: {  	[sflag:s25] =	ssyncadd.s32 @p0 $0xFFFFE600  }
0x1ba: {  	_ =	swait.ge @p0 [sflag:s25], $0x1800  }
0x1bb: {  	[sflag:s25] =	ssyncset.done @p0 $0x0  }
0x1bc: {  	[sflag:s25] =	ssyncadd.s32 @p0 $0xFFFFE800;
	s25 =	simm.s32 @!p0 $0x2  }
0x1bd: {  	_ =	swait.ge @!p0 [sflag:s25], $0xC8  }
0x1be: {  	s29 =	simm.s32 @!p0 $0x148;
	[sflag:s25] =	ssyncset.done @!p0 $0x0  }
0x1bf: {  	s31 =	simm.s32 @!p0 $0x35A0;
	[sflag:s25] =	ssyncadd.s32 @!p0 $0xFFFFFF38;
	s25 =	simm.s32 @!p0 $0x68  }
0x1c0: {  	[tilespmem:s31], [sflag:$0x6] =	stream.indirect.gather @!p0 [hbm4b:s6+s25], $0x40, s29, s25, $0xb8;
	[tilespmem:$0x16FA0] =	vst v63  }
0x1c1: {  	s25 =	simm.s32 @!p0 $0x60;
	s29 =	simm.s32 @!p0 $0x1B0;
	s31 =	simm.s32 @!p0 $0x4FA0  }
0x1c2: {  	[tilespmem:s31], [sflag:$0x6] =	stream.indirect.gather @!p0 [hbm4b:s6+s25], $0x40, s29, s25, $0xb8;
	[tilespmem:$0x16FA0] =	vst v63  }
0x1c3: {  	s25 =	simm.s32 @!p0 $0x8  }
0x1c4: {  	_ =	swait.ge @!p0 [sflag:s25], $0x1A00  }
0x1c5: {  	s29 =	sadd.s32 @!p0 s10, s17;
	[sflag:s25] =	ssyncset.done @!p0 $0x0  }
0x1c6: {  	p1 =	sgt.s32 s19, $0x0;
	s29 =	smul.u32 @!p0 $0x19, s29;
	[sflag:s25] =	ssyncadd.s32 @!p0 $0xFFFFE600  }
.Ltmp37:
0x1c7: {  	_ =	swait.ge @!p0 [sflag:s25], $0x1800;
	(pc) =	sbr.rel @!p1 .LBB2_45-.Ltmp37, $4  }
0x1c8: {  	s31 =	simm.s32 @!p0 $0x2D8;
	[sflag:s25] =	ssyncset.done @!p0 $0x0  }
0x1c9: {  	[sflag:s25] =	ssyncadd.s32 @!p0 $0xFFFFE800;
	s25 =	sadd.s32 @!p0 s5, s29;
	s29 =	simm.s32 @!p0 $0x0  }
0x1ca: {  	[tilespmem:s31], [sflag:$0x4] =	stream.linear.gather @!p0 [hbm4b:s25+s29], $0xC8, $0x38;
	[tilespmem:$0x16FA0] =	vst v63  }
0x1cb: {  	v1 =	vimm.f32 $0.0e+00;
	s29 =	simm.s32 $0x99C0  }
0x1cc: {  	v2 =	vld [tilespmem:s29+$0x10];
	p1 =	seq.s32 s19, $0x1  }
.Ltmp38:
0x1cd: {  	v3 =	vld [tilespmem:s29+$0xFFFFFFF0];
	(pc) =	sbr.rel @p1 .LBB2_61-.Ltmp38, $3  }
0x1ce: {  	v4 =	vld [tilespmem:s29+$0x0]  }
0x1cf: {  	v5 =	vld [tilespmem:s29+$0xFFFFFFE0];
	_ =	sdelay $0x1  }
0x1d0: {  	s25 =	sadd.s32 $0xFFFFFFFF, s19;
	s29 =	sadd.s32 $0x40, s29;
	v6 =	vimm.f32 $0.0e+00;
	v7 =	vimm.f32 $0.0e+00;
	v2 =	vadd.f32 v2, v1  }
.LBB2_60:
0x1d1: {  	v8 =	vld [tilespmem:s29+$0x10];
	p1 =	seq.s32 s25, $0x1;
	s25 =	sadd.s32 $0xFFFFFFFF, s25;
	v1 =	vadd.f32 v3, v1  }
.Ltmp39:
0x1d2: {  	v3 =	vld [tilespmem:s29+$0xFFFFFFF0];
	v6 =	vadd.f32 v4, v6;
	(pc) =	sbr.rel @!p1 .LBB2_60-.Ltmp39, $3  }
0x1d3: {  	v4 =	vld [tilespmem:s29+$0x0];
	v7 =	vadd.f32 v5, v7  }
0x1d4: {  	v5 =	vld [tilespmem:s29+$0xFFFFFFE0];
	_ =	sdelay $0x1  }
0x1d5: {  	s29 =	sadd.s32 $0x40, s29;
	v2 =	vadd.f32 v8, v2  }
.LBB2_61:
0x1d6: {  	_ = 	snop  }
0x1d7: {  	v3 =	vadd.f32 v3, v1  }
0x1d8: {  	v1 =	vadd.f32 v4, v6;
	v4 =	vadd.f32 v5, v7  }
0x1d9: {  	p1 =	sgt.u32 s19, $0xC7  }
.Ltmp40:
0x1da: {  	_ = 	snop;
	(pc) =	sbr.rel @p1 .LBB2_53-.Ltmp40, $4  }
.Ltmp41:
0x1db: {  	_ = 	snop;
	(pc) =	sbr.rel @!p1 .LBB2_50-.Ltmp41, $4  }
0x1dc: {  	_ = 	snop  }
0x1dd: {  	_ = 	snop  }
0x1de: {  	_ = 	snop  }
0x1df: {  	_ = 	snop  }
.LBB2_45:
0x1e0: {  	v2 =	vimm.f32 $0.0e+00;
	v3 =	vimm.f32 $0.0e+00;
	v4 =	vimm.f32 $0.0e+00  }
.LBB2_50:
0x1e1: {  	s29 =	ssub.s32 $0xC8, s19  }
0x1e2: {  	s25 =	sshll.u32 s19, $0x8;
	p1 =	sne.s32 s29, $0x1  }
.Ltmp42:
0x1e3: {  	s25 =	sshra.s32 s25, $0x2;
	(pc) =	sbr.rel @!p1 .LBB2_52-.Ltmp42, $4  }
0x1e4: {  	s25 =	sadd.s32 $0x99C0, s25  }
0x1e5: {  	[tilespmem:s25+$0xFFFFFFE0] =	vst v0  }
0x1e6: {  	[tilespmem:s25+$0x10] =	vst v0  }
0x1e7: {  	s29 =	sadd.s32 $0xFFFFFFFF, s29;
	[tilespmem:s25+$0x0] =	vst v0  }
.LBB2_51:
0x1e8: {  	p1 =	sne.s32 s29, $0x1;
	s29 =	sadd.s32 $0xFFFFFFFF, s29;
	[tilespmem:s25+$0xFFFFFFF0] =	vst v0;
	s25 =	sadd.s32 $0x40, s25  }
.Ltmp43:
0x1e9: {  	[tilespmem:s25+$0xFFFFFFE0] =	vst v0;
	(pc) =	sbr.rel @p1 .LBB2_51-.Ltmp43, $3  }
0x1ea: {  	_ =	sdelay $0x1  }
0x1eb: {  	[tilespmem:s25+$0x10] =	vst v0  }
0x1ec: {  	[tilespmem:s25+$0x0] =	vst v0  }
.LBB2_52:
0x1ed: {  	[tilespmem:s25+$0xFFFFFFF0] =	vst v0  }
.LBB2_53:
0x1ee: {  	s25 =	scvt.s32.f32 s19;
	_ =	sdelay $0x1  }
0x1ef: {  	v5 =	vmov s25  }
0x1f0: {  	(erf) = vrcp.f32 v5;
	_ =	sdelay $0x8  }
0x1f1: {  	s24 =	sadd.s32 s2, s24;
	s8 =	sshll.u32 s8, $0x7;
	v5 =	vpop (erf)  }
0x1f2: {  	[hbm4b:s24+s0] =	stream.strided.scatter [tilespmem:s18], [sflag:$0xC], $0x3200, s7, s0, $0x38;
	v4 =	vmul.f32 v4, v5;
	[tilespmem:$0x16FA0] =	vst v63  }
0x1f3: {  	s8 =	sand.u32 $0x3FFFFF80, s8;
	v3 =	vmul.f32 v3, v5  }
0x1f4: {  	v1 =	vmul.f32 v1, v5;
	[tilespmem:s8+$0x12FA0] =	vst v4  }
0x1f5: {  	v2 =	vmul.f32 v2, v5;
	[tilespmem:s8+$0x12FB0] =	vst v3  }
0x1f6: {  	s31 =	sshll.u32 s19, $0x8;
	[tilespmem:s8+$0x12FC0] =	vst v1  }
0x1f7: {  	s24 =	sshra.s32 s31, $0x2;
	[tilespmem:s8+$0x12FD0] =	vst v2  }
0x1f8: {  	v1 =	vld [tilespmem:s24+$0xFD60];
	_ =	sdelay $0x4  }
0x1f9: {  	v1 =	vmul.f32 v1, v5;
	_ =	sdelay $0x1  }
0x1fa: {  	[tilespmem:s8+$0x12FE0] =	vst v1  }
0x1fb: {  	v1 =	vld [tilespmem:s24+$0xFD70];
	_ =	sdelay $0x4  }
0x1fc: {  	v1 =	vmul.f32 v1, v5;
	_ =	sdelay $0x1  }
0x1fd: {  	[tilespmem:s8+$0x12FF0] =	vst v1  }
0x1fe: {  	v1 =	vld [tilespmem:s24+$0xFD80];
	_ =	sdelay $0x4  }
0x1ff: {  	v1 =	vmul.f32 v1, v5;
	_ =	sdelay $0x1  }
0x200: {  	[tilespmem:s8+$0x13000] =	vst v1  }
0x201: {  	v1 =	vld [tilespmem:s24+$0xFD90];
	_ =	sdelay $0x4  }
0x202: {  	v1 =	vmul.f32 v1, v5  }
.Ltmp44:
0x203: {  	_ = 	snop;
	(pc) =	sbr.rel @p0 .LBB2_62-.Ltmp44, $4  }
0x204: {  	[tilespmem:s8+$0x13010] =	vst v1  }
0x205: {  	_ =	swait.ge [sflag:s13], $0x3200  }
0x206: {  	[sflag:s13] =	ssyncset.done $0x0  }
0x207: {  	[sflag:s13] =	ssyncadd.s32 $0xFFFFCE00  }
0x208: {  	v1 =	vld.msk [tilespmem:s10+$0x4], $0x1;
	_ =	sdelay $0x4  }
0x209: {  	(v2sf) =	vpush v1, $0x0;
	_ =	sdelay $0xe  }
0x20a: {  	s10 =	spop (v2sf)  }
0x20b: {  	p0 =	sle.s32 s19, s10  }
.Ltmp45:
0x20c: {  	_ = 	snop;
	(pc) =	sbr.rel @p0 .LBB2_58-.Ltmp45, $1  }
0x20d: {  	_ =	sdelay $0x3  }
0x20e: {  	s31 =	ssub.s32 s19, s10  }
0x20f: {  	s8 =	sshll.u32 s10, $0x8;
	p0 =	sne.s32 s31, $0x1  }
.Ltmp46:
0x210: {  	s8 =	sshra.s32 s8, $0x2;
	(pc) =	sbr.rel @!p0 .LBB2_57-.Ltmp46, $4  }
0x211: {  	s8 =	sadd.s32 $0xCBC0, s8  }
0x212: {  	[tilespmem:s8+$0xFFFFFFE0] =	vst v0  }
0x213: {  	[tilespmem:s8+$0x10] =	vst v0  }
0x214: {  	s10 =	sadd.s32 $0xFFFFFFFF, s31;
	[tilespmem:s8+$0x0] =	vst v0  }
.LBB2_56:
0x215: {  	p0 =	sne.s32 s10, $0x1;
	s10 =	sadd.s32 $0xFFFFFFFF, s10;
	[tilespmem:s8+$0xFFFFFFF0] =	vst v0;
	s8 =	sadd.s32 $0x40, s8  }
.Ltmp47:
0x216: {  	[tilespmem:s8+$0xFFFFFFE0] =	vst v0;
	(pc) =	sbr.rel @p0 .LBB2_56-.Ltmp47, $3  }
0x217: {  	_ =	sdelay $0x1  }
0x218: {  	[tilespmem:s8+$0x10] =	vst v0  }
0x219: {  	[tilespmem:s8+$0x0] =	vst v0  }
.Ltmp48:
0x21a: {  	_ = 	snop;
	(pc) =	sbr.rel .LBB2_57-.Ltmp48, $1  }
0x21b: {  	_ =	sdelay $0x3  }
.LBB2_63:
0x21c: {  	_ =	sfence.sel $0x180000  }
0x21d: {  	[bflag:$0x0] =	sbarrier.arrive $0xFFFF  }
0x21e: {  	_ =	strace $0x90000047  }
0x21f: {  	s0 =	stileid.u32;
	[bflag:$0x2] =	sbarrier.arrive $0xFFFF  }
0x220: {  	p0 =	sne.s32 s0, $0x0;
	s0 =	rddreg [dreg:$0x4]  }
0x221: {  	s0 =	sadd.s32 @!p0 $0x100000, s0  }
0x222: {  	[sflag:s0] =	ssyncadd.tile.s32 @!p0 $0x1;
	_ =	shalt  }
.Lfunc_end2:
_tile_overlayer_lowered:
.L_overlay_start_2:
0x223: {  	(tag) =	ssettag $0x2  }
0x224: {  	s0 =	rddreg [dreg:$0x0];
	s2 =	stileid.u32  }
0x225: {  	s1 =	rddreg [dreg:$0x1];
	p0 =	sne.s32 s2, $0x0  }
0x226: {  	s3 =	rddreg [dreg:$0x2];
	[bflag:$0x3] =	sbarrier.arrive $0xFFFF;
	s2 =	simm.s32 @!p0 $0x1C0E  }
0x227: {  	[timem:s3], [sflag:s2] =	dma.local @!p0 [hbm:s0], s1  }
0x228: {  	s0 =	simm.s32 @!p0 $0xE  }
0x229: {  	_ =	swait.ge @!p0 [sflag:s0], s1  }
0x22a: {  	s1 =	ssub.s32 @!p0 $0x0, s1;
	[sflag:s0] =	ssyncset.done @!p0 $0x0  }
0x22b: {  	[sflag:s0] =	ssyncadd.s32 @!p0 s1  }
0x22c: {  	[bflag:$0x3] =	sbarrier.arrive $0xFFFF  }
0x22d: {  	_ =	shalt  }

</sc_bundles>
